<compile_context>
chip_gen: v7x
topology: tpu7x:2x2x1
jax: 0.10.2.dev20260603
libtpu: 0.0.44.dev20260713+nightly
codegen_flags: <defaults>
</compile_context>

<pallas_src>
import functools

import jax
import jax.numpy as jnp
from jax import lax
from jax.experimental import pallas as pl
from jax.experimental.pallas import tpu as pltpu
from jax.experimental.pallas import tpu_sc as plsc

_PAD, _SEP, _EOS = 0, 1, 2
_V = 128
_B, _L = 16, 2048
_LANES = 16
_NCH = _L // _LANES
_BIG = 1 << 30


def _bf16r(x):
    bits = plsc.bitcast(x, jnp.uint32)
    r = (bits >> 16) & jnp.uint32(1)
    bits = (bits + r + jnp.uint32(0x7FFF)) & jnp.uint32(0xFFFF0000)
    return plsc.bitcast(bits, jnp.float32)


def _sc_body(x_hbm, s_hbm, w_hbm, out_hbm,
             xrow, srow, wvec, hist, keyv, orow, xch, sepall, shsep, wsem):
    c = lax.axis_index("c")
    s = lax.axis_index("s")
    row = s

    wcopy = pltpu.async_copy(w_hbm, wvec, wsem)
    pltpu.sync_copy(x_hbm.at[row], xrow)
    pltpu.sync_copy(s_hbm.at[row], srow)

    lanes = lax.iota(jnp.int32, _LANES)

    def p1(i, carry):
        fsv, fev, olv, axev, axsv = carry
        base = i * _LANES
        p = base + lanes
        sv = srow[pl.ds(base, _LANES)]
        xv = xrow[pl.ds(base, _LANES)]
        fsv = jnp.minimum(fsv, jnp.where(sv == _SEP, p, _BIG))
        fev = jnp.minimum(fev, jnp.where(sv == _EOS, p, _BIG))
        olv = olv + jnp.where(xv != _PAD, 1, 0)
        axev = axev | (xv == _EOS)
        axsv = axsv | (xv == _SEP)
        return fsv, fev, olv, axev, axsv

    big_vec = jnp.full((_LANES,), _BIG, jnp.int32)
    fsv, fev, olv, axev, axsv = lax.fori_loop(
        0, _NCH, p1,
        (big_vec, big_vec, jnp.zeros((_LANES,), jnp.int32),
         jnp.zeros((_LANES,), jnp.bool_), jnp.zeros((_LANES,), jnp.bool_)),
        unroll=2)
    fs = jnp.min(fsv)
    fe = jnp.min(fev)
    old_len = jnp.sum(olv)
    axe = jnp.any(axev)
    axs = jnp.any(axsv)

    has_eos = fe < _BIG
    eos_pos = jnp.where(has_eos, fe, 0)
    sep_pos = jnp.where(fs < _BIG, fs, 0)

    for j in range(_V // _LANES):
        hist[pl.ds(j * _LANES, _LANES)] = jnp.zeros((_LANES,), jnp.float32)
    ones = jnp.ones((_LANES,), jnp.float32)

    def p2(i, sbv):
        base = i * _LANES
        p = base + lanes
        sv = srow[pl.ds(base, _LANES)]
        mh = (p < sep_pos) & (sv != _PAD)
        plsc.addupdate_scatter(hist, [sv], ones, mask=mh)
        msb = (p < eos_pos) & (sv == _SEP)
        return sbv + jnp.where(msb, 1, 0)

    nch2 = (jnp.maximum(sep_pos, eos_pos) + _LANES - 1) >> 4
    sbv = lax.fori_loop(0, nch2, p2, jnp.zeros((_LANES,), jnp.int32))
    sb = jnp.sum(sbv)

    splittable = has_eos & (sb == 1)
    valid = splittable & axe & axs
    r_len = eos_pos - sep_pos - 1

    xch[...] = jnp.full((_LANES,), sep_pos, jnp.int32)
    pltpu.sync_copy(xch, shsep.at[pl.ds(s * _LANES, _LANES)])
    plsc.subcore_barrier()
    pltpu.sync_copy(shsep, sepall)

    def mx(i, m):
        return jnp.maximum(m, sepall[pl.ds(i * _LANES, _LANES)])

    ncols_vec = lax.fori_loop(0, _LANES, mx, jnp.zeros((_LANES,), jnp.int32))
    ncols_f = ncols_vec.astype(jnp.float32)
    wcopy.wait()

    def kv(vc, accs):
        hvec = _bf16r(hist[pl.ds(vc * _LANES, _LANES)] / ncols_f)
        for k in range(_LANES):
            hv = hvec[k]
            base = (vc * _LANES + k) * _V
            accs = tuple(accs[j] + hv * wvec[pl.ds(base + j * _LANES, _LANES)]
                         for j in range(_V // _LANES))
        return accs

    accs = lax.fori_loop(
        0, _V // _LANES, kv,
        tuple(jnp.zeros((_LANES,), jnp.float32) for _ in range(_V // _LANES)))
    for j in range(_V // _LANES):
        keyv[pl.ds(j * _LANES, _LANES)] = _bf16r(accs[j])

    def scfn(i, carry):
        bv, bp = carry
        base = i * _LANES
        p = base + lanes
        xv = xrow[pl.ds(base, _LANES)]
        v = plsc.load_gather(keyv, [xv])
        upd = v > bv
        return jnp.where(upd, v, bv), jnp.where(upd, p, bp)

    bv, bp = lax.fori_loop(
        0, _NCH, scfn,
        (jnp.full((_LANES,), -jnp.inf, jnp.float32),
         jnp.zeros((_LANES,), jnp.int32)), unroll=2)
    gmax = jnp.max(bv)
    besti = jnp.min(jnp.where(bv == gmax, bp, _BIG))

    start = jnp.clip(besti, 0, jnp.maximum(old_len - r_len, 0))
    e_len = jnp.minimum(old_len, sep_pos)
    d = e_len - r_len
    sep1 = sep_pos + 1
    half = _L // 2
    hch = half // _LANES
    half0 = c * half

    def sp(i, _):
        base = half0 + i * _LANES
        p = base + lanes
        xv = xrow[pl.ds(base, _LANES)]
        idx_r = jnp.clip(sep1 + (p - start), 0, _L - 1)
        rv = plsc.load_gather(srow, [idx_r])
        idx_t = jnp.clip(p + d, 0, _L - 1)
        tv = plsc.load_gather(xrow, [idx_t])
        tv = jnp.where(p + d < old_len, tv, _PAD)
        o = jnp.where(p < start, xv,
                      jnp.where(p < start + r_len, rv, tv))
        o = jnp.where(valid, o, xv)
        orow[pl.ds(i * _LANES, _LANES)] = o
        return 0

    lax.fori_loop(0, hch, sp, 0, unroll=2)

    pltpu.sync_copy(orow, out_hbm.at[row, pl.ds(half0, half)])


@jax.jit
def _sc_splice(x, solver, w_flat):
    mesh = plsc.VectorSubcoreMesh(
        core_axis_name="c", subcore_axis_name="s",
        num_cores=2, num_subcores=16)
    return pl.kernel(
        _sc_body,
        out_type=jax.ShapeDtypeStruct((_B, _L), jnp.int32),
        mesh=mesh,
        scratch_types=[
            pltpu.VMEM((_L,), jnp.int32),
            pltpu.VMEM((_L,), jnp.int32),
            pltpu.VMEM((_V * _V,), jnp.float32),
            pltpu.VMEM((_V,), jnp.float32),
            pltpu.VMEM((_V,), jnp.float32),
            pltpu.VMEM((_L // 2,), jnp.int32),
            pltpu.VMEM((_LANES,), jnp.int32),
            pltpu.VMEM((_LANES * _LANES,), jnp.int32),
            pltpu.VMEM_SHARED((_LANES * _LANES,), jnp.int32),
            pltpu.SemaphoreType.DMA,
        ],
        compiler_params=pltpu.CompilerParams(needs_layout_passes=False),
    )(x, solver, w_flat)


_OH_ROWS = 8
_OH_BLK = 512


def _oh_body(tok_ref, out_ref):
    tok = tok_ref[...]
    iv = lax.broadcasted_iota(jnp.int32, (_OH_ROWS, _OH_BLK, _V), 2)
    out_ref[...] = (tok[:, :, None] == iv).astype(jnp.float32)


@jax.jit
def _tc_onehot(tok):
    return pl.pallas_call(
        _oh_body,
        grid=(_B // _OH_ROWS, _L // _OH_BLK),
        in_specs=[pl.BlockSpec((_OH_ROWS, _OH_BLK), lambda b, j: (b, j))],
        out_specs=pl.BlockSpec((_OH_ROWS, _OH_BLK, _V), lambda b, j: (b, j, 0)),
        out_shape=jax.ShapeDtypeStruct((_B, _L, _V), jnp.float32),
    )(tok)


def kernel(X, solver_out, W):
    x = X.astype(jnp.int32)
    solver = solver_out.astype(jnp.int32)
    w = W.astype(jnp.bfloat16).astype(jnp.float32).reshape(-1)
    out_tok = _sc_splice(x, solver, w)
    return _tc_onehot(out_tok)

# --- scband reference (transcript-rebuilt; emitter-appended) ---
"""Pipeline reference for scband-neural-combiner-64991445123470 (READ-ONLY COPY).

The authoritative reference and input builder live on the scoring server;
editing this copy changes nothing except your own understanding.
"""

import jax, jax.numpy as jnp
import numpy as np

PAD, SEP, EOS = 0, 1, 2
V = 128
B, L = 16, 2048


def _build_sequences(rng):
    # Build well-formed sequences: [expr tokens] SEP [result tokens] EOS PAD...
    X = np.full((B, L), PAD, dtype=np.int64)
    for b in range(B):
        expr_len = int(rng.integers(L // 4, L // 2))
        res_len = int(rng.integers(8, 64))
        X[b, :expr_len] = rng.integers(3, V, size=expr_len)
        X[b, expr_len] = SEP
        X[b, expr_len + 1: expr_len + 1 + res_len] = rng.integers(3, V, size=res_len)
        X[b, expr_len + 1 + res_len] = EOS
    return X


def setup_inputs():
    rng = np.random.default_rng(0)
    X = jnp.asarray(_build_sequences(rng))
    solver_out = jnp.asarray(_build_sequences(rng))
    # Finder parameter (stand-in for the neural Finder module)
    W = jax.random.normal(jax.random.key(1), (V, V), dtype=jnp.float32) * 0.02
    return {"X": X, "solver_out": solver_out, "W": W}


def _forward(X, solver_out, W):
    pos = jnp.arange(L)[None, :]
    vocab = jnp.arange(V)
    # ---- _is_splittable(solver_out) ----
    mask_eos = solver_out == EOS
    has_eos = mask_eos.sum(1) >= 1
    eos_pos = jnp.argmax(mask_eos, axis=1)
    sep_before = ((solver_out == SEP) & (pos < eos_pos[:, None])).sum(1) == 1
    splittable = has_eos & sep_before
    # ---- stand-ins for generator-specific checks ----
    well_formed = (X == EOS).any(1)
    final = ~((X == SEP).any(1))
    valid = splittable & well_formed & (~final)
    # ---- _split(solver_out) ----
    sep_pos = jnp.argmax(solver_out == SEP, axis=1)
    n_cols = jnp.max(sep_pos)
    pos_e = jnp.arange(L)[None, :]
    expr = jnp.where(pos_e < sep_pos[:, None], solver_out, PAD)
    r_len = eos_pos - sep_pos - 1
    idx_r = jnp.clip(sep_pos[:, None] + 1 + jnp.arange(L)[None, :], 0, L - 1)
    res = jnp.where(jnp.arange(L)[None, :] < r_len[:, None],
                    jnp.take_along_axis(solver_out, idx_r, axis=1), PAD)
    # ---- one-hot expression with PAD positions zeroed ----
    e1 = (expr[..., None] == vocab[None, None, :]).astype(jnp.float32)
    e1 = e1 * (expr != PAD)[..., None].astype(jnp.float32)
    # ---- Finder: learned matcher for where the sub-expression occurs in X ----
    x1 = (X[..., None] == vocab[None, None, :]).astype(jnp.float32)
    summ = e1.sum(axis=1) / n_cols.astype(jnp.float32)  # [B, V]
    key = summ @ W                      # [B, V]
    scores = jnp.einsum('blv,bv->bl', x1, key)
    start = jnp.argmax(scores, axis=1)
    # ---- _pool: splice result into X at start, shifting the tail ----
    old_len = (X != PAD).sum(1)
    e_len = jnp.minimum(old_len, sep_pos)
    start = jnp.clip(start, 0, jnp.maximum(old_len - r_len, 0))
    s = start[:, None]
    r = r_len[:, None]
    seg = e_len[:, None]
    idx_res = jnp.clip(pos - s, 0, L - 1)
    res_part = jnp.take_along_axis(res, idx_res, axis=1)
    idx_tail = jnp.clip(pos + seg - r, 0, L - 1)
    tail = jnp.take_along_axis(X, idx_tail, axis=1)
    tail = jnp.where(pos + seg - r < old_len[:, None], tail, PAD)
    out_tok = jnp.where(pos < s, X, jnp.where(pos < s + r, res_part, tail))
    out_tok = jnp.where(valid[:, None], out_tok, X)
    # ---- _to_1hot(output) ----
    out_1hot = (out_tok[..., None] == vocab[None, None, :]).astype(jnp.float32)
    return out_1hot


def reference(X, solver_out, W):
    return _forward(X, solver_out, W)

if __name__ == "__main__":
    import jax
    _d = setup_inputs()
    print(jax.jit(kernel)(*tuple(_d.values())))

</pallas_src>

<mosaic_0001>
#map = affine_map<(d0, d1) -> (0, 0)>
#map1 = affine_map<(d0, d1) -> (0)>
module attributes {stable_mosaic.version = 14 : i64} {
  func.func @_sc_body(%arg0: i32, %arg1: i32, %arg2: memref<16x2048xi32, #tpu.memory_space<hbm>>, %arg3: memref<16x2048xi32, #tpu.memory_space<hbm>>, %arg4: memref<16384xf32, #tpu.memory_space<hbm>>, %arg5: memref<16x2048xi32, #tpu.memory_space<hbm>>, %arg6: memref<2048xi32, #tpu.memory_space<vmem>>, %arg7: memref<2048xi32, #tpu.memory_space<vmem>>, %arg8: memref<16384xf32, #tpu.memory_space<vmem>>, %arg9: memref<128xf32, #tpu.memory_space<vmem>>, %arg10: memref<128xf32, #tpu.memory_space<vmem>>, %arg11: memref<1024xi32, #tpu.memory_space<vmem>>, %arg12: memref<16xi32, #tpu.memory_space<vmem>>, %arg13: memref<256xi32, #tpu.memory_space<vmem>>, %arg14: memref<256xi32, #tpu.memory_space<vmem_shared>>, %arg15: memref<!tpu.dma_semaphore, #tpu.memory_space<semaphore_mem>>) attributes {dimension_semantics = [#tpu.dimension_semantics<core_parallel>, #tpu.dimension_semantics<subcore_parallel>], iteration_bounds = array<i64: 2, 16>, scalar_prefetch = 0 : i64, scratch_operands = 10 : i64, tpu.core_type = #tpu.core_type<sc_vector_subcore>, window_params = [{transform_indices = #map}, {transform_indices = #map}, {transform_indices = #map1}, {transform_indices = #map}]} {
    tpu.enqueue_dma source(%arg4 : memref<16384xf32, #tpu.memory_space<hbm>>) target(%arg8 : memref<16384xf32, #tpu.memory_space<vmem>>) target_semaphore(%arg15 : memref<!tpu.dma_semaphore, #tpu.memory_space<semaphore_mem>>)
    "tpu.region"() ({
      %run_scoped3A = tpu.sem_alloc : memref<!tpu.dma_semaphore, #tpu.memory_space<semaphore_mem>>
      %dma_start3A = arith.constant 0 : i32
      %dma_start3A_326 = tpu.memref_slice %arg2[%arg1, %dma_start3A] : memref<16x2048xi32, #tpu.memory_space<hbm>> -> memref<1x2048xi32, #tpu.memory_space<hbm>>
      %dma_start3A_327 = tpu.memref_squeeze %dma_start3A_326 : memref<1x2048xi32, #tpu.memory_space<hbm>> -> memref<2048xi32, #tpu.memory_space<hbm>>
      %dma_start3A_328 = arith.constant 0 : i32
      %dma_start3A_329 = tpu.memref_slice %arg2[%arg1, %dma_start3A_328] : memref<16x2048xi32, #tpu.memory_space<hbm>> -> memref<1x2048xi32, #tpu.memory_space<hbm>>
      %dma_start3A_330 = tpu.memref_squeeze %dma_start3A_329 : memref<1x2048xi32, #tpu.memory_space<hbm>> -> memref<2048xi32, #tpu.memory_space<hbm>>
      tpu.enqueue_dma source(%dma_start3A_330 : memref<2048xi32, #tpu.memory_space<hbm>>) target(%arg6 : memref<2048xi32, #tpu.memory_space<vmem>>) target_semaphore(%run_scoped3A : memref<!tpu.dma_semaphore, #tpu.memory_space<semaphore_mem>>)
      %dma_wait3A = arith.constant 0 : i32
      %dma_wait3A_331 = tpu.memref_slice %arg2[%arg1, %dma_wait3A] : memref<16x2048xi32, #tpu.memory_space<hbm>> -> memref<1x2048xi32, #tpu.memory_space<hbm>>
      %dma_wait3A_332 = tpu.memref_squeeze %dma_wait3A_331 : memref<1x2048xi32, #tpu.memory_space<hbm>> -> memref<2048xi32, #tpu.memory_space<hbm>>
      %dma_wait3A_333 = arith.constant 0 : i32
      %dma_wait3A_334 = tpu.memref_slice %arg2[%arg1, %dma_wait3A_333] : memref<16x2048xi32, #tpu.memory_space<hbm>> -> memref<1x2048xi32, #tpu.memory_space<hbm>>
      %dma_wait3A_335 = tpu.memref_squeeze %dma_wait3A_334 : memref<1x2048xi32, #tpu.memory_space<hbm>> -> memref<2048xi32, #tpu.memory_space<hbm>>
      tpu.wait_dma2 semaphore(%run_scoped3A : memref<!tpu.dma_semaphore, #tpu.memory_space<semaphore_mem>>) src(%dma_wait3A_335 : memref<2048xi32, #tpu.memory_space<hbm>>) dst(%arg6 : memref<2048xi32, #tpu.memory_space<vmem>>)
      tpu.yield
    }) : () -> ()
    "tpu.region"() ({
      %run_scoped3A = tpu.sem_alloc : memref<!tpu.dma_semaphore, #tpu.memory_space<semaphore_mem>>
      %dma_start3A = arith.constant 0 : i32
      %dma_start3A_326 = tpu.memref_slice %arg3[%arg1, %dma_start3A] : memref<16x2048xi32, #tpu.memory_space<hbm>> -> memref<1x2048xi32, #tpu.memory_space<hbm>>
      %dma_start3A_327 = tpu.memref_squeeze %dma_start3A_326 : memref<1x2048xi32, #tpu.memory_space<hbm>> -> memref<2048xi32, #tpu.memory_space<hbm>>
      %dma_start3A_328 = arith.constant 0 : i32
      %dma_start3A_329 = tpu.memref_slice %arg3[%arg1, %dma_start3A_328] : memref<16x2048xi32, #tpu.memory_space<hbm>> -> memref<1x2048xi32, #tpu.memory_space<hbm>>
      %dma_start3A_330 = tpu.memref_squeeze %dma_start3A_329 : memref<1x2048xi32, #tpu.memory_space<hbm>> -> memref<2048xi32, #tpu.memory_space<hbm>>
      tpu.enqueue_dma source(%dma_start3A_330 : memref<2048xi32, #tpu.memory_space<hbm>>) target(%arg7 : memref<2048xi32, #tpu.memory_space<vmem>>) target_semaphore(%run_scoped3A : memref<!tpu.dma_semaphore, #tpu.memory_space<semaphore_mem>>)
      %dma_wait3A = arith.constant 0 : i32
      %dma_wait3A_331 = tpu.memref_slice %arg3[%arg1, %dma_wait3A] : memref<16x2048xi32, #tpu.memory_space<hbm>> -> memref<1x2048xi32, #tpu.memory_space<hbm>>
      %dma_wait3A_332 = tpu.memref_squeeze %dma_wait3A_331 : memref<1x2048xi32, #tpu.memory_space<hbm>> -> memref<2048xi32, #tpu.memory_space<hbm>>
      %dma_wait3A_333 = arith.constant 0 : i32
      %dma_wait3A_334 = tpu.memref_slice %arg3[%arg1, %dma_wait3A_333] : memref<16x2048xi32, #tpu.memory_space<hbm>> -> memref<1x2048xi32, #tpu.memory_space<hbm>>
      %dma_wait3A_335 = tpu.memref_squeeze %dma_wait3A_334 : memref<1x2048xi32, #tpu.memory_space<hbm>> -> memref<2048xi32, #tpu.memory_space<hbm>>
      tpu.wait_dma2 semaphore(%run_scoped3A : memref<!tpu.dma_semaphore, #tpu.memory_space<semaphore_mem>>) src(%dma_wait3A_335 : memref<2048xi32, #tpu.memory_space<hbm>>) dst(%arg7 : memref<2048xi32, #tpu.memory_space<vmem>>)
      tpu.yield
    }) : () -> ()
    %iota3A = tpu.iota {dimensions = array<i32: 0>} : vector<16xi32>
    %broadcast_in_dim3A = arith.constant 1073741824 : i32
    %broadcast_in_dim3A_0 = vector.broadcast %broadcast_in_dim3A : i32 to vector<16xi32>
    %broadcast_in_dim3A_1 = arith.constant 0 : i32
    %broadcast_in_dim3A_2 = vector.broadcast %broadcast_in_dim3A_1 : i32 to vector<16xi32>
    %broadcast_in_dim3A_3 = arith.constant false
    %broadcast_in_dim3A_4 = vector.broadcast %broadcast_in_dim3A_3 : i1 to vector<16xi1>
    %broadcast_in_dim3A_5 = arith.constant false
    %broadcast_in_dim3A_6 = vector.broadcast %broadcast_in_dim3A_5 : i1 to vector<16xi1>
    %scan3A = arith.constant 0 : i32
    %scan3A_7 = arith.constant 128 : i32
    %scan3A_8 = arith.addi %scan3A, %scan3A_7 : i32
    %scan3A_9 = arith.constant 2 : i32
    %scan3A_10:5 = scf.for %scan3A_326 = %scan3A to %scan3A_8 step %scan3A_9 iter_args(%scan3A_327 = %broadcast_in_dim3A_0, %scan3A_328 = %broadcast_in_dim3A_0, %scan3A_329 = %broadcast_in_dim3A_2, %scan3A_330 = %broadcast_in_dim3A_4, %scan3A_331 = %broadcast_in_dim3A_6) -> (vector<16xi32>, vector<16xi32>, vector<16xi32>, vector<16xi1>, vector<16xi1>)  : i32 {
      %mul3A_332 = arith.constant 16 : i32
      %mul3A_333 = arith.muli %scan3A_326, %mul3A_332 : i32
      %add3A_334 = vector.broadcast %mul3A_333 : i32 to vector<16xi32>
      %add3A_335 = arith.addi %add3A_334, %iota3A : vector<16xi32>
      %get3A = arith.index_cast %mul3A_333 : i32 to index
      %get3A_336 = tpu.vector_load %arg7[%get3A] {strides = array<i32>} : memref<2048xi32, #tpu.memory_space<vmem>>, vector<16xi32>,
      %get3A_337 = arith.index_cast %mul3A_333 : i32 to index
      %get3A_338 = tpu.vector_load %arg6[%get3A_337] {strides = array<i32>} : memref<2048xi32, #tpu.memory_space<vmem>>, vector<16xi32>,
      %eq3A_339 = arith.constant 1 : i32
      %eq3A_340 = vector.broadcast %eq3A_339 : i32 to vector<16xi32>
      %eq3A_341 = arith.cmpi eq, %get3A_336, %eq3A_340 : vector<16xi32>
      %jit3A_342 = arith.constant 1073741824 : i32
      %broadcast_in_dim3A_343 = vector.broadcast %jit3A_342 : i32 to vector<16xi32>
      %select_n3A_344 = arith.select %eq3A_341, %add3A_335, %broadcast_in_dim3A_343 : vector<16xi1>, vector<16xi32>
      %min3A_345 = arith.minsi %scan3A_327, %select_n3A_344 : vector<16xi32>
      %eq3A_346 = arith.constant 2 : i32
      %eq3A_347 = vector.broadcast %eq3A_346 : i32 to vector<16xi32>
      %eq3A_348 = arith.cmpi eq, %get3A_336, %eq3A_347 : vector<16xi32>
      %jit3A_349 = arith.constant 1073741824 : i32
      %broadcast_in_dim3A_350 = vector.broadcast %jit3A_349 : i32 to vector<16xi32>
      %select_n3A_351 = arith.select %eq3A_348, %add3A_335, %broadcast_in_dim3A_350 : vector<16xi1>, vector<16xi32>
      %min3A_352 = arith.minsi %scan3A_328, %select_n3A_351 : vector<16xi32>
      %ne3A = arith.constant 0 : i32
      %ne3A_353 = vector.broadcast %ne3A : i32 to vector<16xi32>
      %ne3A_354 = arith.cmpi ne, %get3A_338, %ne3A_353 : vector<16xi32>
      %jit3A_355 = arith.constant 1 : i32
      %jit3A_356 = arith.constant 0 : i32
      %broadcast_in_dim3A_357 = vector.broadcast %jit3A_355 : i32 to vector<16xi32>
      %broadcast_in_dim3A_358 = vector.broadcast %jit3A_356 : i32 to vector<16xi32>
      %select_n3A_359 = arith.select %ne3A_354, %broadcast_in_dim3A_357, %broadcast_in_dim3A_358 : vector<16xi1>, vector<16xi32>
      %add3A_360 = arith.addi %scan3A_329, %select_n3A_359 : vector<16xi32>
      %eq3A_361 = arith.constant 2 : i32
      %eq3A_362 = vector.broadcast %eq3A_361 : i32 to vector<16xi32>
      %eq3A_363 = arith.cmpi eq, %get3A_338, %eq3A_362 : vector<16xi32>
      %or3A = arith.ori %scan3A_330, %eq3A_363 : vector<16xi1>
      %eq3A_364 = arith.constant 1 : i32
      %eq3A_365 = vector.broadcast %eq3A_364 : i32 to vector<16xi32>
      %eq3A_366 = arith.cmpi eq, %get3A_338, %eq3A_365 : vector<16xi32>
      %or3A_367 = arith.ori %scan3A_331, %eq3A_366 : vector<16xi1>
      %scan3A_368 = arith.constant 1 : i32
      %scan3A_369 = arith.addi %scan3A_326, %scan3A_368 : i32
      %mul3A_370 = arith.constant 16 : i32
      %mul3A_371 = arith.muli %scan3A_369, %mul3A_370 : i32
      %add3A_372 = vector.broadcast %mul3A_371 : i32 to vector<16xi32>
      %add3A_373 = arith.addi %add3A_372, %iota3A : vector<16xi32>
      %get3A_374 = arith.index_cast %mul3A_371 : i32 to index
      %get3A_375 = tpu.vector_load %arg7[%get3A_374] {strides = array<i32>} : memref<2048xi32, #tpu.memory_space<vmem>>, vector<16xi32>,
      %get3A_376 = arith.index_cast %mul3A_371 : i32 to index
      %get3A_377 = tpu.vector_load %arg6[%get3A_376] {strides = array<i32>} : memref<2048xi32, #tpu.memory_space<vmem>>, vector<16xi32>,
      %eq3A_378 = arith.constant 1 : i32
      %eq3A_379 = vector.broadcast %eq3A_378 : i32 to vector<16xi32>
      %eq3A_380 = arith.cmpi eq, %get3A_375, %eq3A_379 : vector<16xi32>
      %jit3A_381 = arith.constant 1073741824 : i32
      %broadcast_in_dim3A_382 = vector.broadcast %jit3A_381 : i32 to vector<16xi32>
      %select_n3A_383 = arith.select %eq3A_380, %add3A_373, %broadcast_in_dim3A_382 : vector<16xi1>, vector<16xi32>
      %min3A_384 = arith.minsi %min3A_345, %select_n3A_383 : vector<16xi32>
      %eq3A_385 = arith.constant 2 : i32
      %eq3A_386 = vector.broadcast %eq3A_385 : i32 to vector<16xi32>
      %eq3A_387 = arith.cmpi eq, %get3A_375, %eq3A_386 : vector<16xi32>
      %jit3A_388 = arith.constant 1073741824 : i32
      %broadcast_in_dim3A_389 = vector.broadcast %jit3A_388 : i32 to vector<16xi32>
      %select_n3A_390 = arith.select %eq3A_387, %add3A_373, %broadcast_in_dim3A_389 : vector<16xi1>, vector<16xi32>
      %min3A_391 = arith.minsi %min3A_352, %select_n3A_390 : vector<16xi32>
      %ne3A_392 = arith.constant 0 : i32
      %ne3A_393 = vector.broadcast %ne3A_392 : i32 to vector<16xi32>
      %ne3A_394 = arith.cmpi ne, %get3A_377, %ne3A_393 : vector<16xi32>
      %jit3A_395 = arith.constant 1 : i32
      %jit3A_396 = arith.constant 0 : i32
      %broadcast_in_dim3A_397 = vector.broadcast %jit3A_395 : i32 to vector<16xi32>
      %broadcast_in_dim3A_398 = vector.broadcast %jit3A_396 : i32 to vector<16xi32>
      %select_n3A_399 = arith.select %ne3A_394, %broadcast_in_dim3A_397, %broadcast_in_dim3A_398 : vector<16xi1>, vector<16xi32>
      %add3A_400 = arith.addi %add3A_360, %select_n3A_399 : vector<16xi32>
      %eq3A_401 = arith.constant 2 : i32
      %eq3A_402 = vector.broadcast %eq3A_401 : i32 to vector<16xi32>
      %eq3A_403 = arith.cmpi eq, %get3A_377, %eq3A_402 : vector<16xi32>
      %or3A_404 = arith.ori %or3A, %eq3A_403 : vector<16xi1>
      %eq3A_405 = arith.constant 1 : i32
      %eq3A_406 = vector.broadcast %eq3A_405 : i32 to vector<16xi32>
      %eq3A_407 = arith.cmpi eq, %get3A_377, %eq3A_406 : vector<16xi32>
      %or3A_408 = arith.ori %or3A_367, %eq3A_407 : vector<16xi1>
      scf.yield %min3A_384, %min3A_391, %add3A_400, %or3A_404, %or3A_408 : vector<16xi32>, vector<16xi32>, vector<16xi32>, vector<16xi1>, vector<16xi1>
    }
    %scan3A_11 = arith.constant 128 : i32
    %reduce_min3A = arith.constant true
    %reduce_min3A_12 = vector.broadcast %reduce_min3A : i1 to vector<16xi1>
    %reduce_min3A_13 = arith.constant -2147483648 : i32
    %reduce_min3A_14 = vector.broadcast %reduce_min3A_13 : i32 to vector<16xi32>
    %reduce_min3A_15 = arith.xori %scan3A_10#0, %reduce_min3A_14 : vector<16xi32>
    %reduce_min3A_16 = tpu.scan <min>, %reduce_min3A_15 masked %reduce_min3A_12 : vector<16xi32>, vector<16xi1> -> vector<16xi32>
    %reduce_min3A_17 = arith.xori %reduce_min3A_16, %reduce_min3A_14 : vector<16xi32>
    %reduce_min3A_18 = vector.extract %reduce_min3A_17[15] : i32 from vector<16xi32>
    %reduce_min3A_19 = arith.constant true
    %reduce_min3A_20 = vector.broadcast %reduce_min3A_19 : i1 to vector<16xi1>
    %reduce_min3A_21 = arith.constant -2147483648 : i32
    %reduce_min3A_22 = vector.broadcast %reduce_min3A_21 : i32 to vector<16xi32>
    %reduce_min3A_23 = arith.xori %scan3A_10#1, %reduce_min3A_22 : vector<16xi32>
    %reduce_min3A_24 = tpu.scan <min>, %reduce_min3A_23 masked %reduce_min3A_20 : vector<16xi32>, vector<16xi1> -> vector<16xi32>
    %reduce_min3A_25 = arith.xori %reduce_min3A_24, %reduce_min3A_22 : vector<16xi32>
    %reduce_min3A_26 = vector.extract %reduce_min3A_25[15] : i32 from vector<16xi32>
    %reduce_sum3A = arith.constant true
    %reduce_sum3A_27 = vector.broadcast %reduce_sum3A : i1 to vector<16xi1>
    %reduce_sum3A_28 = tpu.scan <sum>, %scan3A_10#2 masked %reduce_sum3A_27 : vector<16xi32>, vector<16xi1> -> vector<16xi32>
    %reduce_sum3A_29 = vector.extract %reduce_sum3A_28[15] : i32 from vector<16xi32>
    %reduce_or3A = arith.constant 1.000000e+00 : f32
    %reduce_or3A_30 = arith.constant 0.000000e+00 : f32
    %reduce_or3A_31 = vector.broadcast %reduce_or3A : f32 to vector<16xf32>
    %reduce_or3A_32 = vector.broadcast %reduce_or3A_30 : f32 to vector<16xf32>
    %reduce_or3A_33 = arith.select %scan3A_10#3, %reduce_or3A_31, %reduce_or3A_32 : vector<16xi1>, vector<16xf32>
    %reduce_or3A_34 = arith.constant true
    %reduce_or3A_35 = vector.broadcast %reduce_or3A_34 : i1 to vector<16xi1>
    %reduce_or3A_36 = tpu.scan <max>, %reduce_or3A_33 masked %reduce_or3A_35 : vector<16xf32>, vector<16xi1> -> vector<16xf32>
    %reduce_or3A_37 = vector.extract %reduce_or3A_36[15] : f32 from vector<16xf32>
    %reduce_or3A_38 = arith.constant 0.000000e+00 : f32
    %reduce_or3A_39 = arith.cmpf ogt, %reduce_or3A_37, %reduce_or3A_38 : f32
    %reduce_or3A_40 = arith.constant 1.000000e+00 : f32
    %reduce_or3A_41 = arith.constant 0.000000e+00 : f32
    %reduce_or3A_42 = vector.broadcast %reduce_or3A_40 : f32 to vector<16xf32>
    %reduce_or3A_43 = vector.broadcast %reduce_or3A_41 : f32 to vector<16xf32>
    %reduce_or3A_44 = arith.select %scan3A_10#4, %reduce_or3A_42, %reduce_or3A_43 : vector<16xi1>, vector<16xf32>
    %reduce_or3A_45 = arith.constant true
    %reduce_or3A_46 = vector.broadcast %reduce_or3A_45 : i1 to vector<16xi1>
    %reduce_or3A_47 = tpu.scan <max>, %reduce_or3A_44 masked %reduce_or3A_46 : vector<16xf32>, vector<16xi1> -> vector<16xf32>
    %reduce_or3A_48 = vector.extract %reduce_or3A_47[15] : f32 from vector<16xf32>
    %reduce_or3A_49 = arith.constant 0.000000e+00 : f32
    %reduce_or3A_50 = arith.cmpf ogt, %reduce_or3A_48, %reduce_or3A_49 : f32
    %lt3A = arith.constant 1073741824 : i32
    %lt3A_51 = arith.cmpi slt, %reduce_min3A_26, %lt3A : i32
    %jit3A = arith.constant 0 : i32
    %select_n3A = arith.select %lt3A_51, %reduce_min3A_26, %jit3A : i32
    %lt3A_52 = arith.constant 1073741824 : i32
    %lt3A_53 = arith.cmpi slt, %reduce_min3A_18, %lt3A_52 : i32
    %jit3A_54 = arith.constant 0 : i32
    %select_n3A_55 = arith.select %lt3A_53, %reduce_min3A_18, %jit3A_54 : i32
    %broadcast_in_dim3A_56 = arith.constant 0.000000e+00 : f32
    %broadcast_in_dim3A_57 = vector.broadcast %broadcast_in_dim3A_56 : f32 to vector<16xf32>
    %swap3A = arith.constant 0 : index
    %swap3A_58 = tpu.vector_load %arg9[%swap3A] {strides = array<i32>} : memref<128xf32, #tpu.memory_space<vmem>>, vector<16xf32>,
    tpu.vector_store %arg9[%swap3A], %broadcast_in_dim3A_57 {strides = array<i32>} : memref<128xf32, #tpu.memory_space<vmem>>, vector<16xf32>,
    %broadcast_in_dim3A_59 = arith.constant 0.000000e+00 : f32
    %broadcast_in_dim3A_60 = vector.broadcast %broadcast_in_dim3A_59 : f32 to vector<16xf32>
    %swap3A_61 = arith.constant 16 : index
    %swap3A_62 = tpu.vector_load %arg9[%swap3A_61] {strides = array<i32>} : memref<128xf32, #tpu.memory_space<vmem>>, vector<16xf32>,
    tpu.vector_store %arg9[%swap3A_61], %broadcast_in_dim3A_60 {strides = array<i32>} : memref<128xf32, #tpu.memory_space<vmem>>, vector<16xf32>,
    %broadcast_in_dim3A_63 = arith.constant 0.000000e+00 : f32
    %broadcast_in_dim3A_64 = vector.broadcast %broadcast_in_dim3A_63 : f32 to vector<16xf32>
    %swap3A_65 = arith.constant 32 : index
    %swap3A_66 = tpu.vector_load %arg9[%swap3A_65] {strides = array<i32>} : memref<128xf32, #tpu.memory_space<vmem>>, vector<16xf32>,
    tpu.vector_store %arg9[%swap3A_65], %broadcast_in_dim3A_64 {strides = array<i32>} : memref<128xf32, #tpu.memory_space<vmem>>, vector<16xf32>,
    %broadcast_in_dim3A_67 = arith.constant 0.000000e+00 : f32
    %broadcast_in_dim3A_68 = vector.broadcast %broadcast_in_dim3A_67 : f32 to vector<16xf32>
    %swap3A_69 = arith.constant 48 : index
    %swap3A_70 = tpu.vector_load %arg9[%swap3A_69] {strides = array<i32>} : memref<128xf32, #tpu.memory_space<vmem>>, vector<16xf32>,
    tpu.vector_store %arg9[%swap3A_69], %broadcast_in_dim3A_68 {strides = array<i32>} : memref<128xf32, #tpu.memory_space<vmem>>, vector<16xf32>,
    %broadcast_in_dim3A_71 = arith.constant 0.000000e+00 : f32
    %broadcast_in_dim3A_72 = vector.broadcast %broadcast_in_dim3A_71 : f32 to vector<16xf32>
    %swap3A_73 = arith.constant 64 : index
    %swap3A_74 = tpu.vector_load %arg9[%swap3A_73] {strides = array<i32>} : memref<128xf32, #tpu.memory_space<vmem>>, vector<16xf32>,
    tpu.vector_store %arg9[%swap3A_73], %broadcast_in_dim3A_72 {strides = array<i32>} : memref<128xf32, #tpu.memory_space<vmem>>, vector<16xf32>,
    %broadcast_in_dim3A_75 = arith.constant 0.000000e+00 : f32
    %broadcast_in_dim3A_76 = vector.broadcast %broadcast_in_dim3A_75 : f32 to vector<16xf32>
    %swap3A_77 = arith.constant 80 : index
    %swap3A_78 = tpu.vector_load %arg9[%swap3A_77] {strides = array<i32>} : memref<128xf32, #tpu.memory_space<vmem>>, vector<16xf32>,
    tpu.vector_store %arg9[%swap3A_77], %broadcast_in_dim3A_76 {strides = array<i32>} : memref<128xf32, #tpu.memory_space<vmem>>, vector<16xf32>,
    %broadcast_in_dim3A_79 = arith.constant 0.000000e+00 : f32
    %broadcast_in_dim3A_80 = vector.broadcast %broadcast_in_dim3A_79 : f32 to vector<16xf32>
    %swap3A_81 = arith.constant 96 : index
    %swap3A_82 = tpu.vector_load %arg9[%swap3A_81] {strides = array<i32>} : memref<128xf32, #tpu.memory_space<vmem>>, vector<16xf32>,
    tpu.vector_store %arg9[%swap3A_81], %broadcast_in_dim3A_80 {strides = array<i32>} : memref<128xf32, #tpu.memory_space<vmem>>, vector<16xf32>,
    %broadcast_in_dim3A_83 = arith.constant 0.000000e+00 : f32
    %broadcast_in_dim3A_84 = vector.broadcast %broadcast_in_dim3A_83 : f32 to vector<16xf32>
    %swap3A_85 = arith.constant 112 : index
    %swap3A_86 = tpu.vector_load %arg9[%swap3A_85] {strides = array<i32>} : memref<128xf32, #tpu.memory_space<vmem>>, vector<16xf32>,
    tpu.vector_store %arg9[%swap3A_85], %broadcast_in_dim3A_84 {strides = array<i32>} : memref<128xf32, #tpu.memory_space<vmem>>, vector<16xf32>,
    %broadcast_in_dim3A_87 = arith.constant 1.000000e+00 : f32
    %broadcast_in_dim3A_88 = vector.broadcast %broadcast_in_dim3A_87 : f32 to vector<16xf32>
    %max3A = arith.maxsi %select_n3A_55, %select_n3A : i32
    %add3A = arith.constant 16 : i32
    %add3A_89 = arith.addi %max3A, %add3A : i32
    %sub3A = arith.constant 1 : i32
    %sub3A_90 = arith.subi %add3A_89, %sub3A : i32
    %shift_right_arithmetic3A = arith.constant 4 : i32
    %shift_right_arithmetic3A_91 = arith.shrsi %sub3A_90, %shift_right_arithmetic3A : i32
    %broadcast_in_dim3A_92 = arith.constant 0 : i32
    %broadcast_in_dim3A_93 = vector.broadcast %broadcast_in_dim3A_92 : i32 to vector<16xi32>
    %while3A = arith.constant 0 : i32
    %while3A_94 = arith.subi %shift_right_arithmetic3A_91, %while3A : i32
    %while3A_95 = arith.addi %while3A, %while3A_94 : i32
    %while3A_96 = arith.constant 1 : i32
    %while3A_97 = arith.divsi %while3A_94, %while3A_96 : i32
    %while3A_98 = arith.muli %while3A_97, %while3A_96 : i32
    %while3A_99 = arith.addi %while3A, %while3A_98 : i32
    %while3A_100 = arith.constant 1 : i32
    %while3A_101 = scf.for %while3A_326 = %while3A to %while3A_99 step %while3A_100 iter_args(%while3A_327 = %broadcast_in_dim3A_93) -> (vector<16xi32>)  : i32 {
      %mul3A_328 = arith.constant 16 : i32
      %mul3A_329 = arith.muli %while3A_326, %mul3A_328 : i32
      %add3A_330 = vector.broadcast %mul3A_329 : i32 to vector<16xi32>
      %add3A_331 = arith.addi %add3A_330, %iota3A : vector<16xi32>
      %get3A = arith.index_cast %mul3A_329 : i32 to index
      %get3A_332 = tpu.vector_load %arg7[%get3A] {strides = array<i32>} : memref<2048xi32, #tpu.memory_space<vmem>>, vector<16xi32>,
      %lt3A_333 = vector.broadcast %select_n3A_55 : i32 to vector<16xi32>
      %lt3A_334 = arith.cmpi slt, %add3A_331, %lt3A_333 : vector<16xi32>
      %ne3A = arith.constant 0 : i32
      %ne3A_335 = vector.broadcast %ne3A : i32 to vector<16xi32>
      %ne3A_336 = arith.cmpi ne, %get3A_332, %ne3A_335 : vector<16xi32>
      %and3A_337 = arith.andi %lt3A_334, %ne3A_336 : vector<16xi1>
      tpu.vector_store_idx %arg9[%get3A_332], %broadcast_in_dim3A_88 masked %and3A_337 {add = true} : memref<128xf32, #tpu.memory_space<vmem>>[vector<16xi32>], vector<16xf32>, vector<16xi1>
      %lt3A_338 = vector.broadcast %select_n3A : i32 to vector<16xi32>
      %lt3A_339 = arith.cmpi slt, %add3A_331, %lt3A_338 : vector<16xi32>
      %eq3A_340 = arith.constant 1 : i32
      %eq3A_341 = vector.broadcast %eq3A_340 : i32 to vector<16xi32>
      %eq3A_342 = arith.cmpi eq, %get3A_332, %eq3A_341 : vector<16xi32>
      %and3A_343 = arith.andi %lt3A_339, %eq3A_342 : vector<16xi1>
      %jit3A_344 = arith.constant 1 : i32
      %jit3A_345 = arith.constant 0 : i32
      %broadcast_in_dim3A_346 = vector.broadcast %jit3A_344 : i32 to vector<16xi32>
      %broadcast_in_dim3A_347 = vector.broadcast %jit3A_345 : i32 to vector<16xi32>
      %select_n3A_348 = arith.select %and3A_343, %broadcast_in_dim3A_346, %broadcast_in_dim3A_347 : vector<16xi1>, vector<16xi32>
      %add3A_349 = arith.addi %while3A_327, %select_n3A_348 : vector<16xi32>
      scf.yield %add3A_349 : vector<16xi32>
    }
    %while3A_102 = arith.constant 1 : i32
    %while3A_103 = scf.for %while3A_326 = %while3A_99 to %while3A_95 step %while3A_102 iter_args(%while3A_327 = %while3A_101) -> (vector<16xi32>)  : i32 {
      %mul3A_328 = arith.constant 16 : i32
      %mul3A_329 = arith.muli %while3A_326, %mul3A_328 : i32
      %add3A_330 = vector.broadcast %mul3A_329 : i32 to vector<16xi32>
      %add3A_331 = arith.addi %add3A_330, %iota3A : vector<16xi32>
      %get3A = arith.index_cast %mul3A_329 : i32 to index
      %get3A_332 = tpu.vector_load %arg7[%get3A] {strides = array<i32>} : memref<2048xi32, #tpu.memory_space<vmem>>, vector<16xi32>,
      %lt3A_333 = vector.broadcast %select_n3A_55 : i32 to vector<16xi32>
      %lt3A_334 = arith.cmpi slt, %add3A_331, %lt3A_333 : vector<16xi32>
      %ne3A = arith.constant 0 : i32
      %ne3A_335 = vector.broadcast %ne3A : i32 to vector<16xi32>
      %ne3A_336 = arith.cmpi ne, %get3A_332, %ne3A_335 : vector<16xi32>
      %and3A_337 = arith.andi %lt3A_334, %ne3A_336 : vector<16xi1>
      tpu.vector_store_idx %arg9[%get3A_332], %broadcast_in_dim3A_88 masked %and3A_337 {add = true} : memref<128xf32, #tpu.memory_space<vmem>>[vector<16xi32>], vector<16xf32>, vector<16xi1>
      %lt3A_338 = vector.broadcast %select_n3A : i32 to vector<16xi32>
      %lt3A_339 = arith.cmpi slt, %add3A_331, %lt3A_338 : vector<16xi32>
      %eq3A_340 = arith.constant 1 : i32
      %eq3A_341 = vector.broadcast %eq3A_340 : i32 to vector<16xi32>
      %eq3A_342 = arith.cmpi eq, %get3A_332, %eq3A_341 : vector<16xi32>
      %and3A_343 = arith.andi %lt3A_339, %eq3A_342 : vector<16xi1>
      %jit3A_344 = arith.constant 1 : i32
      %jit3A_345 = arith.constant 0 : i32
      %broadcast_in_dim3A_346 = vector.broadcast %jit3A_344 : i32 to vector<16xi32>
      %broadcast_in_dim3A_347 = vector.broadcast %jit3A_345 : i32 to vector<16xi32>
      %select_n3A_348 = arith.select %and3A_343, %broadcast_in_dim3A_346, %broadcast_in_dim3A_347 : vector<16xi1>, vector<16xi32>
      %add3A_349 = arith.addi %while3A_327, %select_n3A_348 : vector<16xi32>
      scf.yield %add3A_349 : vector<16xi32>
    }
    %reduce_sum3A_104 = arith.constant true
    %reduce_sum3A_105 = vector.broadcast %reduce_sum3A_104 : i1 to vector<16xi1>
    %reduce_sum3A_106 = tpu.scan <sum>, %while3A_103 masked %reduce_sum3A_105 : vector<16xi32>, vector<16xi1> -> vector<16xi32>
    %reduce_sum3A_107 = vector.extract %reduce_sum3A_106[15] : i32 from vector<16xi32>
    %eq3A = arith.constant 1 : i32
    %eq3A_108 = arith.cmpi eq, %reduce_sum3A_107, %eq3A : i32
    %and3A = arith.andi %lt3A_51, %eq3A_108 : i1
    %and3A_109 = arith.andi %and3A, %reduce_or3A_39 : i1
    %and3A_110 = arith.andi %and3A_109, %reduce_or3A_50 : i1
    %sub3A_111 = arith.subi %select_n3A, %select_n3A_55 : i32
    %sub3A_112 = arith.constant 1 : i32
    %sub3A_113 = arith.subi %sub3A_111, %sub3A_112 : i32
    %broadcast_in_dim3A_114 = vector.broadcast %select_n3A_55 : i32 to vector<16xi32>
    %swap3A_115 = arith.constant 0 : index
    %swap3A_116 = tpu.vector_load %arg12[%swap3A_115] {strides = array<i32>} : memref<16xi32, #tpu.memory_space<vmem>>, vector<16xi32>,
    tpu.vector_store %arg12[%swap3A_115], %broadcast_in_dim3A_114 {strides = array<i32>} : memref<16xi32, #tpu.memory_space<vmem>>, vector<16xi32>,
    %mul3A = arith.constant 16 : i32
    %mul3A_117 = arith.muli %arg1, %mul3A : i32
    "tpu.region"() ({
      %run_scoped3A = tpu.sem_alloc : memref<!tpu.dma_semaphore, #tpu.memory_space<semaphore_mem>>
      %dma_start3A = tpu.memref_slice %arg14[%mul3A_117] : memref<256xi32, #tpu.memory_space<vmem_shared>> -> memref<16xi32, #tpu.memory_space<vmem_shared>>
      %dma_start3A_326 = tpu.memref_slice %arg14[%mul3A_117] : memref<256xi32, #tpu.memory_space<vmem_shared>> -> memref<16xi32, #tpu.memory_space<vmem_shared>>
      tpu.enqueue_dma source(%arg12 : memref<16xi32, #tpu.memory_space<vmem>>) target(%dma_start3A_326 : memref<16xi32, #tpu.memory_space<vmem_shared>>) target_semaphore(%run_scoped3A : memref<!tpu.dma_semaphore, #tpu.memory_space<semaphore_mem>>)
      %dma_wait3A = tpu.memref_slice %arg14[%mul3A_117] : memref<256xi32, #tpu.memory_space<vmem_shared>> -> memref<16xi32, #tpu.memory_space<vmem_shared>>
      %dma_wait3A_327 = tpu.memref_slice %arg14[%mul3A_117] : memref<256xi32, #tpu.memory_space<vmem_shared>> -> memref<16xi32, #tpu.memory_space<vmem_shared>>
      tpu.wait_dma2 semaphore(%run_scoped3A : memref<!tpu.dma_semaphore, #tpu.memory_space<semaphore_mem>>) src(%arg12 : memref<16xi32, #tpu.memory_space<vmem>>) dst(%dma_wait3A_327 : memref<16xi32, #tpu.memory_space<vmem_shared>>)
      tpu.yield
    }) : () -> ()
    %barrier3A = arith.constant 0 : index
    tpu.barrier barrier_id(%barrier3A)
    "tpu.region"() ({
      %run_scoped3A = tpu.sem_alloc : memref<!tpu.dma_semaphore, #tpu.memory_space<semaphore_mem>>
      tpu.enqueue_dma source(%arg14 : memref<256xi32, #tpu.memory_space<vmem_shared>>) target(%arg13 : memref<256xi32, #tpu.memory_space<vmem>>) target_semaphore(%run_scoped3A : memref<!tpu.dma_semaphore, #tpu.memory_space<semaphore_mem>>)
      tpu.wait_dma2 semaphore(%run_scoped3A : memref<!tpu.dma_semaphore, #tpu.memory_space<semaphore_mem>>) src(%arg14 : memref<256xi32, #tpu.memory_space<vmem_shared>>) dst(%arg13 : memref<256xi32, #tpu.memory_space<vmem>>)
      tpu.yield
    }) : () -> ()
    %broadcast_in_dim3A_118 = arith.constant 0 : i32
    %broadcast_in_dim3A_119 = vector.broadcast %broadcast_in_dim3A_118 : i32 to vector<16xi32>
    %scan3A_120 = arith.constant 0 : i32
    %scan3A_121 = arith.constant 16 : i32
    %scan3A_122 = arith.addi %scan3A_120, %scan3A_121 : i32
    %scan3A_123 = arith.constant 1 : i32
    %scan3A_124 = scf.for %scan3A_326 = %scan3A_120 to %scan3A_122 step %scan3A_123 iter_args(%scan3A_327 = %broadcast_in_dim3A_119) -> (vector<16xi32>)  : i32 {
      %mul3A_328 = arith.constant 16 : i32
      %mul3A_329 = arith.muli %scan3A_326, %mul3A_328 : i32
      %get3A = arith.index_cast %mul3A_329 : i32 to index
      %get3A_330 = tpu.vector_load %arg13[%get3A] {strides = array<i32>} : memref<256xi32, #tpu.memory_space<vmem>>, vector<16xi32>,
      %max3A_331 = arith.maxsi %scan3A_327, %get3A_330 : vector<16xi32>
      scf.yield %max3A_331 : vector<16xi32>
    }
    %scan3A_125 = arith.constant 16 : i32
    %convert_element_type3A = arith.sitofp %scan3A_124 : vector<16xi32> to vector<16xf32>
    tpu.wait_dma2 semaphore(%arg15 : memref<!tpu.dma_semaphore, #tpu.memory_space<semaphore_mem>>) src(%arg4 : memref<16384xf32, #tpu.memory_space<hbm>>) dst(%arg8 : memref<16384xf32, #tpu.memory_space<vmem>>)
    %broadcast_in_dim3A_126 = arith.constant 0.000000e+00 : f32
    %broadcast_in_dim3A_127 = vector.broadcast %broadcast_in_dim3A_126 : f32 to vector<16xf32>
    %broadcast_in_dim3A_128 = arith.constant 0.000000e+00 : f32
    %broadcast_in_dim3A_129 = vector.broadcast %broadcast_in_dim3A_128 : f32 to vector<16xf32>
    %broadcast_in_dim3A_130 = arith.constant 0.000000e+00 : f32
    %broadcast_in_dim3A_131 = vector.broadcast %broadcast_in_dim3A_130 : f32 to vector<16xf32>
    %broadcast_in_dim3A_132 = arith.constant 0.000000e+00 : f32
    %broadcast_in_dim3A_133 = vector.broadcast %broadcast_in_dim3A_132 : f32 to vector<16xf32>
    %broadcast_in_dim3A_134 = arith.constant 0.000000e+00 : f32
    %broadcast_in_dim3A_135 = vector.broadcast %broadcast_in_dim3A_134 : f32 to vector<16xf32>
    %broadcast_in_dim3A_136 = arith.constant 0.000000e+00 : f32
    %broadcast_in_dim3A_137 = vector.broadcast %broadcast_in_dim3A_136 : f32 to vector<16xf32>
    %broadcast_in_dim3A_138 = arith.constant 0.000000e+00 : f32
    %broadcast_in_dim3A_139 = vector.broadcast %broadcast_in_dim3A_138 : f32 to vector<16xf32>
    %broadcast_in_dim3A_140 = arith.constant 0.000000e+00 : f32
    %broadcast_in_dim3A_141 = vector.broadcast %broadcast_in_dim3A_140 : f32 to vector<16xf32>
    %scan3A_142 = arith.constant 0 : i32
    %scan3A_143 = arith.constant 8 : i32
    %scan3A_144 = arith.addi %scan3A_142, %scan3A_143 : i32
    %scan3A_145 = arith.constant 1 : i32
    %scan3A_146:8 = scf.for %scan3A_326 = %scan3A_142 to %scan3A_144 step %scan3A_145 iter_args(%scan3A_327 = %broadcast_in_dim3A_127, %scan3A_328 = %broadcast_in_dim3A_129, %scan3A_329 = %broadcast_in_dim3A_131, %scan3A_330 = %broadcast_in_dim3A_133, %scan3A_331 = %broadcast_in_dim3A_135, %scan3A_332 = %broadcast_in_dim3A_137, %scan3A_333 = %broadcast_in_dim3A_139, %scan3A_334 = %broadcast_in_dim3A_141) -> (vector<16xf32>, vector<16xf32>, vector<16xf32>, vector<16xf32>, vector<16xf32>, vector<16xf32>, vector<16xf32>, vector<16xf32>)  : i32 {
      %mul3A_335 = arith.constant 16 : i32
      %mul3A_336 = arith.muli %scan3A_326, %mul3A_335 : i32
      %get3A = arith.index_cast %mul3A_336 : i32 to index
      %get3A_337 = tpu.vector_load %arg9[%get3A] {strides = array<i32>} : memref<128xf32, #tpu.memory_space<vmem>>, vector<16xf32>,
      %div3A = arith.divf %get3A_337, %convert_element_type3A : vector<16xf32>
      %bitcast3A_338 = vector.bitcast %div3A : vector<16xf32> to vector<16xi32>
      %shift_right_logical3A_339 = arith.constant 16 : i32
      %shift_right_logical3A_340 = vector.broadcast %shift_right_logical3A_339 : i32 to vector<16xi32>
      %shift_right_logical3A_341 = arith.shrui %bitcast3A_338, %shift_right_logical3A_340 : vector<16xi32>
      %and3A_342 = arith.constant 1 : i32
      %and3A_343 = vector.broadcast %and3A_342 : i32 to vector<16xi32>
      %and3A_344 = arith.andi %shift_right_logical3A_341, %and3A_343 : vector<16xi32>
      %add3A_345 = arith.addi %bitcast3A_338, %and3A_344 : vector<16xi32>
      %add3A_346 = arith.constant 32767 : i32
      %add3A_347 = vector.broadcast %add3A_346 : i32 to vector<16xi32>
      %add3A_348 = arith.addi %add3A_345, %add3A_347 : vector<16xi32>
      %and3A_349 = arith.constant -65536 : i32
      %and3A_350 = vector.broadcast %and3A_349 : i32 to vector<16xi32>
      %and3A_351 = arith.andi %add3A_348, %and3A_350 : vector<16xi32>
      %bitcast3A_352 = vector.bitcast %and3A_351 : vector<16xi32> to vector<16xf32>
      %slice3A = vector.extract_strided_slice %bitcast3A_352 {offsets = [0], sizes = [1], strides = [1]} : vector<16xf32> to vector<1xf32>
      %squeeze3A = vector.extract %slice3A[0] : f32 from vector<1xf32>
      %mul3A_353 = arith.constant 16 : i32
      %mul3A_354 = arith.muli %scan3A_326, %mul3A_353 : i32
      %add3A_355 = arith.constant 0 : i32
      %add3A_356 = arith.addi %mul3A_354, %add3A_355 : i32
      %mul3A_357 = arith.constant 128 : i32
      %mul3A_358 = arith.muli %add3A_356, %mul3A_357 : i32
      %add3A_359 = arith.constant 0 : i32
      %add3A_360 = arith.addi %mul3A_358, %add3A_359 : i32
      %get3A_361 = arith.index_cast %add3A_360 : i32 to index
      %get3A_362 = tpu.vector_load %arg8[%get3A_361] {strides = array<i32>} : memref<16384xf32, #tpu.memory_space<vmem>>, vector<16xf32>,
      %mul3A_363 = vector.broadcast %squeeze3A : f32 to vector<16xf32>
      %mul3A_364 = arith.mulf %mul3A_363, %get3A_362 : vector<16xf32>
      %add3A_365 = arith.addf %scan3A_327, %mul3A_364 : vector<16xf32>
      %add3A_366 = arith.constant 16 : i32
      %add3A_367 = arith.addi %mul3A_358, %add3A_366 : i32
      %get3A_368 = arith.index_cast %add3A_367 : i32 to index
      %get3A_369 = tpu.vector_load %arg8[%get3A_368] {strides = array<i32>} : memref<16384xf32, #tpu.memory_space<vmem>>, vector<16xf32>,
      %mul3A_370 = vector.broadcast %squeeze3A : f32 to vector<16xf32>
      %mul3A_371 = arith.mulf %mul3A_370, %get3A_369 : vector<16xf32>
      %add3A_372 = arith.addf %scan3A_328, %mul3A_371 : vector<16xf32>
      %add3A_373 = arith.constant 32 : i32
      %add3A_374 = arith.addi %mul3A_358, %add3A_373 : i32
      %get3A_375 = arith.index_cast %add3A_374 : i32 to index
      %get3A_376 = tpu.vector_load %arg8[%get3A_375] {strides = array<i32>} : memref<16384xf32, #tpu.memory_space<vmem>>, vector<16xf32>,
      %mul3A_377 = vector.broadcast %squeeze3A : f32 to vector<16xf32>
      %mul3A_378 = arith.mulf %mul3A_377, %get3A_376 : vector<16xf32>
      %add3A_379 = arith.addf %scan3A_329, %mul3A_378 : vector<16xf32>
      %add3A_380 = arith.constant 48 : i32
      %add3A_381 = arith.addi %mul3A_358, %add3A_380 : i32
      %get3A_382 = arith.index_cast %add3A_381 : i32 to index
      %get3A_383 = tpu.vector_load %arg8[%get3A_382] {strides = array<i32>} : memref<16384xf32, #tpu.memory_space<vmem>>, vector<16xf32>,
      %mul3A_384 = vector.broadcast %squeeze3A : f32 to vector<16xf32>
      %mul3A_385 = arith.mulf %mul3A_384, %get3A_383 : vector<16xf32>
      %add3A_386 = arith.addf %scan3A_330, %mul3A_385 : vector<16xf32>
      %add3A_387 = arith.constant 64 : i32
      %add3A_388 = arith.addi %mul3A_358, %add3A_387 : i32
      %get3A_389 = arith.index_cast %add3A_388 : i32 to index
      %get3A_390 = tpu.vector_load %arg8[%get3A_389] {strides = array<i32>} : memref<16384xf32, #tpu.memory_space<vmem>>, vector<16xf32>,
      %mul3A_391 = vector.broadcast %squeeze3A : f32 to vector<16xf32>
      %mul3A_392 = arith.mulf %mul3A_391, %get3A_390 : vector<16xf32>
      %add3A_393 = arith.addf %scan3A_331, %mul3A_392 : vector<16xf32>
      %add3A_394 = arith.constant 80 : i32
      %add3A_395 = arith.addi %mul3A_358, %add3A_394 : i32
      %get3A_396 = arith.index_cast %add3A_395 : i32 to index
      %get3A_397 = tpu.vector_load %arg8[%get3A_396] {strides = array<i32>} : memref<16384xf32, #tpu.memory_space<vmem>>, vector<16xf32>,
      %mul3A_398 = vector.broadcast %squeeze3A : f32 to vector<16xf32>
      %mul3A_399 = arith.mulf %mul3A_398, %get3A_397 : vector<16xf32>
      %add3A_400 = arith.addf %scan3A_332, %mul3A_399 : vector<16xf32>
      %add3A_401 = arith.constant 96 : i32
      %add3A_402 = arith.addi %mul3A_358, %add3A_401 : i32
      %get3A_403 = arith.index_cast %add3A_402 : i32 to index
      %get3A_404 = tpu.vector_load %arg8[%get3A_403] {strides = array<i32>} : memref<16384xf32, #tpu.memory_space<vmem>>, vector<16xf32>,
      %mul3A_405 = vector.broadcast %squeeze3A : f32 to vector<16xf32>
      %mul3A_406 = arith.mulf %mul3A_405, %get3A_404 : vector<16xf32>
      %add3A_407 = arith.addf %scan3A_333, %mul3A_406 : vector<16xf32>
      %add3A_408 = arith.constant 112 : i32
      %add3A_409 = arith.addi %mul3A_358, %add3A_408 : i32
      %get3A_410 = arith.index_cast %add3A_409 : i32 to index
      %get3A_411 = tpu.vector_load %arg8[%get3A_410] {strides = array<i32>} : memref<16384xf32, #tpu.memory_space<vmem>>, vector<16xf32>,
      %mul3A_412 = vector.broadcast %squeeze3A : f32 to vector<16xf32>
      %mul3A_413 = arith.mulf %mul3A_412, %get3A_411 : vector<16xf32>
      %add3A_414 = arith.addf %scan3A_334, %mul3A_413 : vector<16xf32>
      %slice3A_415 = vector.extract_strided_slice %bitcast3A_352 {offsets = [1], sizes = [1], strides = [1]} : vector<16xf32> to vector<1xf32>
      %squeeze3A_416 = vector.extract %slice3A_415[0] : f32 from vector<1xf32>
      %mul3A_417 = arith.constant 16 : i32
      %mul3A_418 = arith.muli %scan3A_326, %mul3A_417 : i32
      %add3A_419 = arith.constant 1 : i32
      %add3A_420 = arith.addi %mul3A_418, %add3A_419 : i32
      %mul3A_421 = arith.constant 128 : i32
      %mul3A_422 = arith.muli %add3A_420, %mul3A_421 : i32
      %add3A_423 = arith.constant 0 : i32
      %add3A_424 = arith.addi %mul3A_422, %add3A_423 : i32
      %get3A_425 = arith.index_cast %add3A_424 : i32 to index
      %get3A_426 = tpu.vector_load %arg8[%get3A_425] {strides = array<i32>} : memref<16384xf32, #tpu.memory_space<vmem>>, vector<16xf32>,
      %mul3A_427 = vector.broadcast %squeeze3A_416 : f32 to vector<16xf32>
      %mul3A_428 = arith.mulf %mul3A_427, %get3A_426 : vector<16xf32>
      %add3A_429 = arith.addf %add3A_365, %mul3A_428 : vector<16xf32>
      %add3A_430 = arith.constant 16 : i32
      %add3A_431 = arith.addi %mul3A_422, %add3A_430 : i32
      %get3A_432 = arith.index_cast %add3A_431 : i32 to index
      %get3A_433 = tpu.vector_load %arg8[%get3A_432] {strides = array<i32>} : memref<16384xf32, #tpu.memory_space<vmem>>, vector<16xf32>,
      %mul3A_434 = vector.broadcast %squeeze3A_416 : f32 to vector<16xf32>
      %mul3A_435 = arith.mulf %mul3A_434, %get3A_433 : vector<16xf32>
      %add3A_436 = arith.addf %add3A_372, %mul3A_435 : vector<16xf32>
      %add3A_437 = arith.constant 32 : i32
      %add3A_438 = arith.addi %mul3A_422, %add3A_437 : i32
      %get3A_439 = arith.index_cast %add3A_438 : i32 to index
      %get3A_440 = tpu.vector_load %arg8[%get3A_439] {strides = array<i32>} : memref<16384xf32, #tpu.memory_space<vmem>>, vector<16xf32>,
      %mul3A_441 = vector.broadcast %squeeze3A_416 : f32 to vector<16xf32>
      %mul3A_442 = arith.mulf %mul3A_441, %get3A_440 : vector<16xf32>
      %add3A_443 = arith.addf %add3A_379, %mul3A_442 : vector<16xf32>
      %add3A_444 = arith.constant 48 : i32
      %add3A_445 = arith.addi %mul3A_422, %add3A_444 : i32
      %get3A_446 = arith.index_cast %add3A_445 : i32 to index
      %get3A_447 = tpu.vector_load %arg8[%get3A_446] {strides = array<i32>} : memref<16384xf32, #tpu.memory_space<vmem>>, vector<16xf32>,
      %mul3A_448 = vector.broadcast %squeeze3A_416 : f32 to vector<16xf32>
      %mul3A_449 = arith.mulf %mul3A_448, %get3A_447 : vector<16xf32>
      %add3A_450 = arith.addf %add3A_386, %mul3A_449 : vector<16xf32>
      %add3A_451 = arith.constant 64 : i32
      %add3A_452 = arith.addi %mul3A_422, %add3A_451 : i32
      %get3A_453 = arith.index_cast %add3A_452 : i32 to index
      %get3A_454 = tpu.vector_load %arg8[%get3A_453] {strides = array<i32>} : memref<16384xf32, #tpu.memory_space<vmem>>, vector<16xf32>,
      %mul3A_455 = vector.broadcast %squeeze3A_416 : f32 to vector<16xf32>
      %mul3A_456 = arith.mulf %mul3A_455, %get3A_454 : vector<16xf32>
      %add3A_457 = arith.addf %add3A_393, %mul3A_456 : vector<16xf32>
      %add3A_458 = arith.constant 80 : i32
      %add3A_459 = arith.addi %mul3A_422, %add3A_458 : i32
      %get3A_460 = arith.index_cast %add3A_459 : i32 to index
      %get3A_461 = tpu.vector_load %arg8[%get3A_460] {strides = array<i32>} : memref<16384xf32, #tpu.memory_space<vmem>>, vector<16xf32>,
      %mul3A_462 = vector.broadcast %squeeze3A_416 : f32 to vector<16xf32>
      %mul3A_463 = arith.mulf %mul3A_462, %get3A_461 : vector<16xf32>
      %add3A_464 = arith.addf %add3A_400, %mul3A_463 : vector<16xf32>
      %add3A_465 = arith.constant 96 : i32
      %add3A_466 = arith.addi %mul3A_422, %add3A_465 : i32
      %get3A_467 = arith.index_cast %add3A_466 : i32 to index
      %get3A_468 = tpu.vector_load %arg8[%get3A_467] {strides = array<i32>} : memref<16384xf32, #tpu.memory_space<vmem>>, vector<16xf32>,
      %mul3A_469 = vector.broadcast %squeeze3A_416 : f32 to vector<16xf32>
      %mul3A_470 = arith.mulf %mul3A_469, %get3A_468 : vector<16xf32>
      %add3A_471 = arith.addf %add3A_407, %mul3A_470 : vector<16xf32>
      %add3A_472 = arith.constant 112 : i32
      %add3A_473 = arith.addi %mul3A_422, %add3A_472 : i32
      %get3A_474 = arith.index_cast %add3A_473 : i32 to index
      %get3A_475 = tpu.vector_load %arg8[%get3A_474] {strides = array<i32>} : memref<16384xf32, #tpu.memory_space<vmem>>, vector<16xf32>,
      %mul3A_476 = vector.broadcast %squeeze3A_416 : f32 to vector<16xf32>
      %mul3A_477 = arith.mulf %mul3A_476, %get3A_475 : vector<16xf32>
      %add3A_478 = arith.addf %add3A_414, %mul3A_477 : vector<16xf32>
      %slice3A_479 = vector.extract_strided_slice %bitcast3A_352 {offsets = [2], sizes = [1], strides = [1]} : vector<16xf32> to vector<1xf32>
      %squeeze3A_480 = vector.extract %slice3A_479[0] : f32 from vector<1xf32>
      %mul3A_481 = arith.constant 16 : i32
      %mul3A_482 = arith.muli %scan3A_326, %mul3A_481 : i32
      %add3A_483 = arith.constant 2 : i32
      %add3A_484 = arith.addi %mul3A_482, %add3A_483 : i32
      %mul3A_485 = arith.constant 128 : i32
      %mul3A_486 = arith.muli %add3A_484, %mul3A_485 : i32
      %add3A_487 = arith.constant 0 : i32
      %add3A_488 = arith.addi %mul3A_486, %add3A_487 : i32
      %get3A_489 = arith.index_cast %add3A_488 : i32 to index
      %get3A_490 = tpu.vector_load %arg8[%get3A_489] {strides = array<i32>} : memref<16384xf32, #tpu.memory_space<vmem>>, vector<16xf32>,
      %mul3A_491 = vector.broadcast %squeeze3A_480 : f32 to vector<16xf32>
      %mul3A_492 = arith.mulf %mul3A_491, %get3A_490 : vector<16xf32>
      %add3A_493 = arith.addf %add3A_429, %mul3A_492 : vector<16xf32>
      %add3A_494 = arith.constant 16 : i32
      %add3A_495 = arith.addi %mul3A_486, %add3A_494 : i32
      %get3A_496 = arith.index_cast %add3A_495 : i32 to index
      %get3A_497 = tpu.vector_load %arg8[%get3A_496] {strides = array<i32>} : memref<16384xf32, #tpu.memory_space<vmem>>, vector<16xf32>,
      %mul3A_498 = vector.broadcast %squeeze3A_480 : f32 to vector<16xf32>
      %mul3A_499 = arith.mulf %mul3A_498, %get3A_497 : vector<16xf32>
      %add3A_500 = arith.addf %add3A_436, %mul3A_499 : vector<16xf32>
      %add3A_501 = arith.constant 32 : i32
      %add3A_502 = arith.addi %mul3A_486, %add3A_501 : i32
      %get3A_503 = arith.index_cast %add3A_502 : i32 to index
      %get3A_504 = tpu.vector_load %arg8[%get3A_503] {strides = array<i32>} : memref<16384xf32, #tpu.memory_space<vmem>>, vector<16xf32>,
      %mul3A_505 = vector.broadcast %squeeze3A_480 : f32 to vector<16xf32>
      %mul3A_506 = arith.mulf %mul3A_505, %get3A_504 : vector<16xf32>
      %add3A_507 = arith.addf %add3A_443, %mul3A_506 : vector<16xf32>
      %add3A_508 = arith.constant 48 : i32
      %add3A_509 = arith.addi %mul3A_486, %add3A_508 : i32
      %get3A_510 = arith.index_cast %add3A_509 : i32 to index
      %get3A_511 = tpu.vector_load %arg8[%get3A_510] {strides = array<i32>} : memref<16384xf32, #tpu.memory_space<vmem>>, vector<16xf32>,
      %mul3A_512 = vector.broadcast %squeeze3A_480 : f32 to vector<16xf32>
      %mul3A_513 = arith.mulf %mul3A_512, %get3A_511 : vector<16xf32>
      %add3A_514 = arith.addf %add3A_450, %mul3A_513 : vector<16xf32>
      %add3A_515 = arith.constant 64 : i32
      %add3A_516 = arith.addi %mul3A_486, %add3A_515 : i32
      %get3A_517 = arith.index_cast %add3A_516 : i32 to index
      %get3A_518 = tpu.vector_load %arg8[%get3A_517] {strides = array<i32>} : memref<16384xf32, #tpu.memory_space<vmem>>, vector<16xf32>,
      %mul3A_519 = vector.broadcast %squeeze3A_480 : f32 to vector<16xf32>
      %mul3A_520 = arith.mulf %mul3A_519, %get3A_518 : vector<16xf32>
      %add3A_521 = arith.addf %add3A_457, %mul3A_520 : vector<16xf32>
      %add3A_522 = arith.constant 80 : i32
      %add3A_523 = arith.addi %mul3A_486, %add3A_522 : i32
      %get3A_524 = arith.index_cast %add3A_523 : i32 to index
      %get3A_525 = tpu.vector_load %arg8[%get3A_524] {strides = array<i32>} : memref<16384xf32, #tpu.memory_space<vmem>>, vector<16xf32>,
      %mul3A_526 = vector.broadcast %squeeze3A_480 : f32 to vector<16xf32>
      %mul3A_527 = arith.mulf %mul3A_526, %get3A_525 : vector<16xf32>
      %add3A_528 = arith.addf %add3A_464, %mul3A_527 : vector<16xf32>
      %add3A_529 = arith.constant 96 : i32
      %add3A_530 = arith.addi %mul3A_486, %add3A_529 : i32
      %get3A_531 = arith.index_cast %add3A_530 : i32 to index
      %get3A_532 = tpu.vector_load %arg8[%get3A_531] {strides = array<i32>} : memref<16384xf32, #tpu.memory_space<vmem>>, vector<16xf32>,
      %mul3A_533 = vector.broadcast %squeeze3A_480 : f32 to vector<16xf32>
      %mul3A_534 = arith.mulf %mul3A_533, %get3A_532 : vector<16xf32>
      %add3A_535 = arith.addf %add3A_471, %mul3A_534 : vector<16xf32>
      %add3A_536 = arith.constant 112 : i32
      %add3A_537 = arith.addi %mul3A_486, %add3A_536 : i32
      %get3A_538 = arith.index_cast %add3A_537 : i32 to index
      %get3A_539 = tpu.vector_load %arg8[%get3A_538] {strides = array<i32>} : memref<16384xf32, #tpu.memory_space<vmem>>, vector<16xf32>,
      %mul3A_540 = vector.broadcast %squeeze3A_480 : f32 to vector<16xf32>
      %mul3A_541 = arith.mulf %mul3A_540, %get3A_539 : vector<16xf32>
      %add3A_542 = arith.addf %add3A_478, %mul3A_541 : vector<16xf32>
      %slice3A_543 = vector.extract_strided_slice %bitcast3A_352 {offsets = [3], sizes = [1], strides = [1]} : vector<16xf32> to vector<1xf32>
      %squeeze3A_544 = vector.extract %slice3A_543[0] : f32 from vector<1xf32>
      %mul3A_545 = arith.constant 16 : i32
      %mul3A_546 = arith.muli %scan3A_326, %mul3A_545 : i32
      %add3A_547 = arith.constant 3 : i32
      %add3A_548 = arith.addi %mul3A_546, %add3A_547 : i32
      %mul3A_549 = arith.constant 128 : i32
      %mul3A_550 = arith.muli %add3A_548, %mul3A_549 : i32
      %add3A_551 = arith.constant 0 : i32
      %add3A_552 = arith.addi %mul3A_550, %add3A_551 : i32
      %get3A_553 = arith.index_cast %add3A_552 : i32 to index
      %get3A_554 = tpu.vector_load %arg8[%get3A_553] {strides = array<i32>} : memref<16384xf32, #tpu.memory_space<vmem>>, vector<16xf32>,
      %mul3A_555 = vector.broadcast %squeeze3A_544 : f32 to vector<16xf32>
      %mul3A_556 = arith.mulf %mul3A_555, %get3A_554 : vector<16xf32>
      %add3A_557 = arith.addf %add3A_493, %mul3A_556 : vector<16xf32>
      %add3A_558 = arith.constant 16 : i32
      %add3A_559 = arith.addi %mul3A_550, %add3A_558 : i32
      %get3A_560 = arith.index_cast %add3A_559 : i32 to index
      %get3A_561 = tpu.vector_load %arg8[%get3A_560] {strides = array<i32>} : memref<16384xf32, #tpu.memory_space<vmem>>, vector<16xf32>,
      %mul3A_562 = vector.broadcast %squeeze3A_544 : f32 to vector<16xf32>
      %mul3A_563 = arith.mulf %mul3A_562, %get3A_561 : vector<16xf32>
      %add3A_564 = arith.addf %add3A_500, %mul3A_563 : vector<16xf32>
      %add3A_565 = arith.constant 32 : i32
      %add3A_566 = arith.addi %mul3A_550, %add3A_565 : i32
      %get3A_567 = arith.index_cast %add3A_566 : i32 to index
      %get3A_568 = tpu.vector_load %arg8[%get3A_567] {strides = array<i32>} : memref<16384xf32, #tpu.memory_space<vmem>>, vector<16xf32>,
      %mul3A_569 = vector.broadcast %squeeze3A_544 : f32 to vector<16xf32>
      %mul3A_570 = arith.mulf %mul3A_569, %get3A_568 : vector<16xf32>
      %add3A_571 = arith.addf %add3A_507, %mul3A_570 : vector<16xf32>
      %add3A_572 = arith.constant 48 : i32
      %add3A_573 = arith.addi %mul3A_550, %add3A_572 : i32
      %get3A_574 = arith.index_cast %add3A_573 : i32 to index
      %get3A_575 = tpu.vector_load %arg8[%get3A_574] {strides = array<i32>} : memref<16384xf32, #tpu.memory_space<vmem>>, vector<16xf32>,
      %mul3A_576 = vector.broadcast %squeeze3A_544 : f32 to vector<16xf32>
      %mul3A_577 = arith.mulf %mul3A_576, %get3A_575 : vector<16xf32>
      %add3A_578 = arith.addf %add3A_514, %mul3A_577 : vector<16xf32>
      %add3A_579 = arith.constant 64 : i32
      %add3A_580 = arith.addi %mul3A_550, %add3A_579 : i32
      %get3A_581 = arith.index_cast %add3A_580 : i32 to index
      %get3A_582 = tpu.vector_load %arg8[%get3A_581] {strides = array<i32>} : memref<16384xf32, #tpu.memory_space<vmem>>, vector<16xf32>,
      %mul3A_583 = vector.broadcast %squeeze3A_544 : f32 to vector<16xf32>
      %mul3A_584 = arith.mulf %mul3A_583, %get3A_582 : vector<16xf32>
      %add3A_585 = arith.addf %add3A_521, %mul3A_584 : vector<16xf32>
      %add3A_586 = arith.constant 80 : i32
      %add3A_587 = arith.addi %mul3A_550, %add3A_586 : i32
      %get3A_588 = arith.index_cast %add3A_587 : i32 to index
      %get3A_589 = tpu.vector_load %arg8[%get3A_588] {strides = array<i32>} : memref<16384xf32, #tpu.memory_space<vmem>>, vector<16xf32>,
      %mul3A_590 = vector.broadcast %squeeze3A_544 : f32 to vector<16xf32>
      %mul3A_591 = arith.mulf %mul3A_590, %get3A_589 : vector<16xf32>
      %add3A_592 = arith.addf %add3A_528, %mul3A_591 : vector<16xf32>
      %add3A_593 = arith.constant 96 : i32
      %add3A_594 = arith.addi %mul3A_550, %add3A_593 : i32
      %get3A_595 = arith.index_cast %add3A_594 : i32 to index
      %get3A_596 = tpu.vector_load %arg8[%get3A_595] {strides = array<i32>} : memref<16384xf32, #tpu.memory_space<vmem>>, vector<16xf32>,
      %mul3A_597 = vector.broadcast %squeeze3A_544 : f32 to vector<16xf32>
      %mul3A_598 = arith.mulf %mul3A_597, %get3A_596 : vector<16xf32>
      %add3A_599 = arith.addf %add3A_535, %mul3A_598 : vector<16xf32>
      %add3A_600 = arith.constant 112 : i32
      %add3A_601 = arith.addi %mul3A_550, %add3A_600 : i32
      %get3A_602 = arith.index_cast %add3A_601 : i32 to index
      %get3A_603 = tpu.vector_load %arg8[%get3A_602] {strides = array<i32>} : memref<16384xf32, #tpu.memory_space<vmem>>, vector<16xf32>,
      %mul3A_604 = vector.broadcast %squeeze3A_544 : f32 to vector<16xf32>
      %mul3A_605 = arith.mulf %mul3A_604, %get3A_603 : vector<16xf32>
      %add3A_606 = arith.addf %add3A_542, %mul3A_605 : vector<16xf32>
      %slice3A_607 = vector.extract_strided_slice %bitcast3A_352 {offsets = [4], sizes = [1], strides = [1]} : vector<16xf32> to vector<1xf32>
      %squeeze3A_608 = vector.extract %slice3A_607[0] : f32 from vector<1xf32>
      %mul3A_609 = arith.constant 16 : i32
      %mul3A_610 = arith.muli %scan3A_326, %mul3A_609 : i32
      %add3A_611 = arith.constant 4 : i32
      %add3A_612 = arith.addi %mul3A_610, %add3A_611 : i32
      %mul3A_613 = arith.constant 128 : i32
      %mul3A_614 = arith.muli %add3A_612, %mul3A_613 : i32
      %add3A_615 = arith.constant 0 : i32
      %add3A_616 = arith.addi %mul3A_614, %add3A_615 : i32
      %get3A_617 = arith.index_cast %add3A_616 : i32 to index
      %get3A_618 = tpu.vector_load %arg8[%get3A_617] {strides = array<i32>} : memref<16384xf32, #tpu.memory_space<vmem>>, vector<16xf32>,
      %mul3A_619 = vector.broadcast %squeeze3A_608 : f32 to vector<16xf32>
      %mul3A_620 = arith.mulf %mul3A_619, %get3A_618 : vector<16xf32>
      %add3A_621 = arith.addf %add3A_557, %mul3A_620 : vector<16xf32>
      %add3A_622 = arith.constant 16 : i32
      %add3A_623 = arith.addi %mul3A_614, %add3A_622 : i32
      %get3A_624 = arith.index_cast %add3A_623 : i32 to index
      %get3A_625 = tpu.vector_load %arg8[%get3A_624] {strides = array<i32>} : memref<16384xf32, #tpu.memory_space<vmem>>, vector<16xf32>,
      %mul3A_626 = vector.broadcast %squeeze3A_608 : f32 to vector<16xf32>
      %mul3A_627 = arith.mulf %mul3A_626, %get3A_625 : vector<16xf32>
      %add3A_628 = arith.addf %add3A_564, %mul3A_627 : vector<16xf32>
      %add3A_629 = arith.constant 32 : i32
      %add3A_630 = arith.addi %mul3A_614, %add3A_629 : i32
      %get3A_631 = arith.index_cast %add3A_630 : i32 to index
      %get3A_632 = tpu.vector_load %arg8[%get3A_631] {strides = array<i32>} : memref<16384xf32, #tpu.memory_space<vmem>>, vector<16xf32>,
      %mul3A_633 = vector.broadcast %squeeze3A_608 : f32 to vector<16xf32>
      %mul3A_634 = arith.mulf %mul3A_633, %get3A_632 : vector<16xf32>
      %add3A_635 = arith.addf %add3A_571, %mul3A_634 : vector<16xf32>
      %add3A_636 = arith.constant 48 : i32
      %add3A_637 = arith.addi %mul3A_614, %add3A_636 : i32
      %get3A_638 = arith.index_cast %add3A_637 : i32 to index
      %get3A_639 = tpu.vector_load %arg8[%get3A_638] {strides = array<i32>} : memref<16384xf32, #tpu.memory_space<vmem>>, vector<16xf32>,
      %mul3A_640 = vector.broadcast %squeeze3A_608 : f32 to vector<16xf32>
      %mul3A_641 = arith.mulf %mul3A_640, %get3A_639 : vector<16xf32>
      %add3A_642 = arith.addf %add3A_578, %mul3A_641 : vector<16xf32>
      %add3A_643 = arith.constant 64 : i32
      %add3A_644 = arith.addi %mul3A_614, %add3A_643 : i32
      %get3A_645 = arith.index_cast %add3A_644 : i32 to index
      %get3A_646 = tpu.vector_load %arg8[%get3A_645] {strides = array<i32>} : memref<16384xf32, #tpu.memory_space<vmem>>, vector<16xf32>,
      %mul3A_647 = vector.broadcast %squeeze3A_608 : f32 to vector<16xf32>
      %mul3A_648 = arith.mulf %mul3A_647, %get3A_646 : vector<16xf32>
      %add3A_649 = arith.addf %add3A_585, %mul3A_648 : vector<16xf32>
      %add3A_650 = arith.constant 80 : i32
      %add3A_651 = arith.addi %mul3A_614, %add3A_650 : i32
      %get3A_652 = arith.index_cast %add3A_651 : i32 to index
      %get3A_653 = tpu.vector_load %arg8[%get3A_652] {strides = array<i32>} : memref<16384xf32, #tpu.memory_space<vmem>>, vector<16xf32>,
      %mul3A_654 = vector.broadcast %squeeze3A_608 : f32 to vector<16xf32>
      %mul3A_655 = arith.mulf %mul3A_654, %get3A_653 : vector<16xf32>
      %add3A_656 = arith.addf %add3A_592, %mul3A_655 : vector<16xf32>
      %add3A_657 = arith.constant 96 : i32
      %add3A_658 = arith.addi %mul3A_614, %add3A_657 : i32
      %get3A_659 = arith.index_cast %add3A_658 : i32 to index
      %get3A_660 = tpu.vector_load %arg8[%get3A_659] {strides = array<i32>} : memref<16384xf32, #tpu.memory_space<vmem>>, vector<16xf32>,
      %mul3A_661 = vector.broadcast %squeeze3A_608 : f32 to vector<16xf32>
      %mul3A_662 = arith.mulf %mul3A_661, %get3A_660 : vector<16xf32>
      %add3A_663 = arith.addf %add3A_599, %mul3A_662 : vector<16xf32>
      %add3A_664 = arith.constant 112 : i32
      %add3A_665 = arith.addi %mul3A_614, %add3A_664 : i32
      %get3A_666 = arith.index_cast %add3A_665 : i32 to index
      %get3A_667 = tpu.vector_load %arg8[%get3A_666] {strides = array<i32>} : memref<16384xf32, #tpu.memory_space<vmem>>, vector<16xf32>,
      %mul3A_668 = vector.broadcast %squeeze3A_608 : f32 to vector<16xf32>
      %mul3A_669 = arith.mulf %mul3A_668, %get3A_667 : vector<16xf32>
      %add3A_670 = arith.addf %add3A_606, %mul3A_669 : vector<16xf32>
      %slice3A_671 = vector.extract_strided_slice %bitcast3A_352 {offsets = [5], sizes = [1], strides = [1]} : vector<16xf32> to vector<1xf32>
      %squeeze3A_672 = vector.extract %slice3A_671[0] : f32 from vector<1xf32>
      %mul3A_673 = arith.constant 16 : i32
      %mul3A_674 = arith.muli %scan3A_326, %mul3A_673 : i32
      %add3A_675 = arith.constant 5 : i32
      %add3A_676 = arith.addi %mul3A_674, %add3A_675 : i32
      %mul3A_677 = arith.constant 128 : i32
      %mul3A_678 = arith.muli %add3A_676, %mul3A_677 : i32
      %add3A_679 = arith.constant 0 : i32
      %add3A_680 = arith.addi %mul3A_678, %add3A_679 : i32
      %get3A_681 = arith.index_cast %add3A_680 : i32 to index
      %get3A_682 = tpu.vector_load %arg8[%get3A_681] {strides = array<i32>} : memref<16384xf32, #tpu.memory_space<vmem>>, vector<16xf32>,
      %mul3A_683 = vector.broadcast %squeeze3A_672 : f32 to vector<16xf32>
      %mul3A_684 = arith.mulf %mul3A_683, %get3A_682 : vector<16xf32>
      %add3A_685 = arith.addf %add3A_621, %mul3A_684 : vector<16xf32>
      %add3A_686 = arith.constant 16 : i32
      %add3A_687 = arith.addi %mul3A_678, %add3A_686 : i32
      %get3A_688 = arith.index_cast %add3A_687 : i32 to index
      %get3A_689 = tpu.vector_load %arg8[%get3A_688] {strides = array<i32>} : memref<16384xf32, #tpu.memory_space<vmem>>, vector<16xf32>,
      %mul3A_690 = vector.broadcast %squeeze3A_672 : f32 to vector<16xf32>
      %mul3A_691 = arith.mulf %mul3A_690, %get3A_689 : vector<16xf32>
      %add3A_692 = arith.addf %add3A_628, %mul3A_691 : vector<16xf32>
      %add3A_693 = arith.constant 32 : i32
      %add3A_694 = arith.addi %mul3A_678, %add3A_693 : i32
      %get3A_695 = arith.index_cast %add3A_694 : i32 to index
      %get3A_696 = tpu.vector_load %arg8[%get3A_695] {strides = array<i32>} : memref<16384xf32, #tpu.memory_space<vmem>>, vector<16xf32>,
      %mul3A_697 = vector.broadcast %squeeze3A_672 : f32 to vector<16xf32>
      %mul3A_698 = arith.mulf %mul3A_697, %get3A_696 : vector<16xf32>
      %add3A_699 = arith.addf %add3A_635, %mul3A_698 : vector<16xf32>
      %add3A_700 = arith.constant 48 : i32
      %add3A_701 = arith.addi %mul3A_678, %add3A_700 : i32
      %get3A_702 = arith.index_cast %add3A_701 : i32 to index
      %get3A_703 = tpu.vector_load %arg8[%get3A_702] {strides = array<i32>} : memref<16384xf32, #tpu.memory_space<vmem>>, vector<16xf32>,
      %mul3A_704 = vector.broadcast %squeeze3A_672 : f32 to vector<16xf32>
      %mul3A_705 = arith.mulf %mul3A_704, %get3A_703 : vector<16xf32>
      %add3A_706 = arith.addf %add3A_642, %mul3A_705 : vector<16xf32>
      %add3A_707 = arith.constant 64 : i32
      %add3A_708 = arith.addi %mul3A_678, %add3A_707 : i32
      %get3A_709 = arith.index_cast %add3A_708 : i32 to index
      %get3A_710 = tpu.vector_load %arg8[%get3A_709] {strides = array<i32>} : memref<16384xf32, #tpu.memory_space<vmem>>, vector<16xf32>,
      %mul3A_711 = vector.broadcast %squeeze3A_672 : f32 to vector<16xf32>
      %mul3A_712 = arith.mulf %mul3A_711, %get3A_710 : vector<16xf32>
      %add3A_713 = arith.addf %add3A_649, %mul3A_712 : vector<16xf32>
      %add3A_714 = arith.constant 80 : i32
      %add3A_715 = arith.addi %mul3A_678, %add3A_714 : i32
      %get3A_716 = arith.index_cast %add3A_715 : i32 to index
      %get3A_717 = tpu.vector_load %arg8[%get3A_716] {strides = array<i32>} : memref<16384xf32, #tpu.memory_space<vmem>>, vector<16xf32>,
      %mul3A_718 = vector.broadcast %squeeze3A_672 : f32 to vector<16xf32>
      %mul3A_719 = arith.mulf %mul3A_718, %get3A_717 : vector<16xf32>
      %add3A_720 = arith.addf %add3A_656, %mul3A_719 : vector<16xf32>
      %add3A_721 = arith.constant 96 : i32
      %add3A_722 = arith.addi %mul3A_678, %add3A_721 : i32
      %get3A_723 = arith.index_cast %add3A_722 : i32 to index
      %get3A_724 = tpu.vector_load %arg8[%get3A_723] {strides = array<i32>} : memref<16384xf32, #tpu.memory_space<vmem>>, vector<16xf32>,
      %mul3A_725 = vector.broadcast %squeeze3A_672 : f32 to vector<16xf32>
      %mul3A_726 = arith.mulf %mul3A_725, %get3A_724 : vector<16xf32>
      %add3A_727 = arith.addf %add3A_663, %mul3A_726 : vector<16xf32>
      %add3A_728 = arith.constant 112 : i32
      %add3A_729 = arith.addi %mul3A_678, %add3A_728 : i32
      %get3A_730 = arith.index_cast %add3A_729 : i32 to index
      %get3A_731 = tpu.vector_load %arg8[%get3A_730] {strides = array<i32>} : memref<16384xf32, #tpu.memory_space<vmem>>, vector<16xf32>,
      %mul3A_732 = vector.broadcast %squeeze3A_672 : f32 to vector<16xf32>
      %mul3A_733 = arith.mulf %mul3A_732, %get3A_731 : vector<16xf32>
      %add3A_734 = arith.addf %add3A_670, %mul3A_733 : vector<16xf32>
      %slice3A_735 = vector.extract_strided_slice %bitcast3A_352 {offsets = [6], sizes = [1], strides = [1]} : vector<16xf32> to vector<1xf32>
      %squeeze3A_736 = vector.extract %slice3A_735[0] : f32 from vector<1xf32>
      %mul3A_737 = arith.constant 16 : i32
      %mul3A_738 = arith.muli %scan3A_326, %mul3A_737 : i32
      %add3A_739 = arith.constant 6 : i32
      %add3A_740 = arith.addi %mul3A_738, %add3A_739 : i32
      %mul3A_741 = arith.constant 128 : i32
      %mul3A_742 = arith.muli %add3A_740, %mul3A_741 : i32
      %add3A_743 = arith.constant 0 : i32
      %add3A_744 = arith.addi %mul3A_742, %add3A_743 : i32
      %get3A_745 = arith.index_cast %add3A_744 : i32 to index
      %get3A_746 = tpu.vector_load %arg8[%get3A_745] {strides = array<i32>} : memref<16384xf32, #tpu.memory_space<vmem>>, vector<16xf32>,
      %mul3A_747 = vector.broadcast %squeeze3A_736 : f32 to vector<16xf32>
      %mul3A_748 = arith.mulf %mul3A_747, %get3A_746 : vector<16xf32>
      %add3A_749 = arith.addf %add3A_685, %mul3A_748 : vector<16xf32>
      %add3A_750 = arith.constant 16 : i32
      %add3A_751 = arith.addi %mul3A_742, %add3A_750 : i32
      %get3A_752 = arith.index_cast %add3A_751 : i32 to index
      %get3A_753 = tpu.vector_load %arg8[%get3A_752] {strides = array<i32>} : memref<16384xf32, #tpu.memory_space<vmem>>, vector<16xf32>,
      %mul3A_754 = vector.broadcast %squeeze3A_736 : f32 to vector<16xf32>
      %mul3A_755 = arith.mulf %mul3A_754, %get3A_753 : vector<16xf32>
      %add3A_756 = arith.addf %add3A_692, %mul3A_755 : vector<16xf32>
      %add3A_757 = arith.constant 32 : i32
      %add3A_758 = arith.addi %mul3A_742, %add3A_757 : i32
      %get3A_759 = arith.index_cast %add3A_758 : i32 to index
      %get3A_760 = tpu.vector_load %arg8[%get3A_759] {strides = array<i32>} : memref<16384xf32, #tpu.memory_space<vmem>>, vector<16xf32>,
      %mul3A_761 = vector.broadcast %squeeze3A_736 : f32 to vector<16xf32>
      %mul3A_762 = arith.mulf %mul3A_761, %get3A_760 : vector<16xf32>
      %add3A_763 = arith.addf %add3A_699, %mul3A_762 : vector<16xf32>
      %add3A_764 = arith.constant 48 : i32
      %add3A_765 = arith.addi %mul3A_742, %add3A_764 : i32
      %get3A_766 = arith.index_cast %add3A_765 : i32 to index
      %get3A_767 = tpu.vector_load %arg8[%get3A_766] {strides = array<i32>} : memref<16384xf32, #tpu.memory_space<vmem>>, vector<16xf32>,
      %mul3A_768 = vector.broadcast %squeeze3A_736 : f32 to vector<16xf32>
      %mul3A_769 = arith.mulf %mul3A_768, %get3A_767 : vector<16xf32>
      %add3A_770 = arith.addf %add3A_706, %mul3A_769 : vector<16xf32>
      %add3A_771 = arith.constant 64 : i32
      %add3A_772 = arith.addi %mul3A_742, %add3A_771 : i32
      %get3A_773 = arith.index_cast %add3A_772 : i32 to index
      %get3A_774 = tpu.vector_load %arg8[%get3A_773] {strides = array<i32>} : memref<16384xf32, #tpu.memory_space<vmem>>, vector<16xf32>,
      %mul3A_775 = vector.broadcast %squeeze3A_736 : f32 to vector<16xf32>
      %mul3A_776 = arith.mulf %mul3A_775, %get3A_774 : vector<16xf32>
      %add3A_777 = arith.addf %add3A_713, %mul3A_776 : vector<16xf32>
      %add3A_778 = arith.constant 80 : i32
      %add3A_779 = arith.addi %mul3A_742, %add3A_778 : i32
      %get3A_780 = arith.index_cast %add3A_779 : i32 to index
      %get3A_781 = tpu.vector_load %arg8[%get3A_780] {strides = array<i32>} : memref<16384xf32, #tpu.memory_space<vmem>>, vector<16xf32>,
      %mul3A_782 = vector.broadcast %squeeze3A_736 : f32 to vector<16xf32>
      %mul3A_783 = arith.mulf %mul3A_782, %get3A_781 : vector<16xf32>
      %add3A_784 = arith.addf %add3A_720, %mul3A_783 : vector<16xf32>
      %add3A_785 = arith.constant 96 : i32
      %add3A_786 = arith.addi %mul3A_742, %add3A_785 : i32
      %get3A_787 = arith.index_cast %add3A_786 : i32 to index
      %get3A_788 = tpu.vector_load %arg8[%get3A_787] {strides = array<i32>} : memref<16384xf32, #tpu.memory_space<vmem>>, vector<16xf32>,
      %mul3A_789 = vector.broadcast %squeeze3A_736 : f32 to vector<16xf32>
      %mul3A_790 = arith.mulf %mul3A_789, %get3A_788 : vector<16xf32>
      %add3A_791 = arith.addf %add3A_727, %mul3A_790 : vector<16xf32>
      %add3A_792 = arith.constant 112 : i32
      %add3A_793 = arith.addi %mul3A_742, %add3A_792 : i32
      %get3A_794 = arith.index_cast %add3A_793 : i32 to index
      %get3A_795 = tpu.vector_load %arg8[%get3A_794] {strides = array<i32>} : memref<16384xf32, #tpu.memory_space<vmem>>, vector<16xf32>,
      %mul3A_796 = vector.broadcast %squeeze3A_736 : f32 to vector<16xf32>
      %mul3A_797 = arith.mulf %mul3A_796, %get3A_795 : vector<16xf32>
      %add3A_798 = arith.addf %add3A_734, %mul3A_797 : vector<16xf32>
      %slice3A_799 = vector.extract_strided_slice %bitcast3A_352 {offsets = [7], sizes = [1], strides = [1]} : vector<16xf32> to vector<1xf32>
      %squeeze3A_800 = vector.extract %slice3A_799[0] : f32 from vector<1xf32>
      %mul3A_801 = arith.constant 16 : i32
      %mul3A_802 = arith.muli %scan3A_326, %mul3A_801 : i32
      %add3A_803 = arith.constant 7 : i32
      %add3A_804 = arith.addi %mul3A_802, %add3A_803 : i32
      %mul3A_805 = arith.constant 128 : i32
      %mul3A_806 = arith.muli %add3A_804, %mul3A_805 : i32
      %add3A_807 = arith.constant 0 : i32
      %add3A_808 = arith.addi %mul3A_806, %add3A_807 : i32
      %get3A_809 = arith.index_cast %add3A_808 : i32 to index
      %get3A_810 = tpu.vector_load %arg8[%get3A_809] {strides = array<i32>} : memref<16384xf32, #tpu.memory_space<vmem>>, vector<16xf32>,
      %mul3A_811 = vector.broadcast %squeeze3A_800 : f32 to vector<16xf32>
      %mul3A_812 = arith.mulf %mul3A_811, %get3A_810 : vector<16xf32>
      %add3A_813 = arith.addf %add3A_749, %mul3A_812 : vector<16xf32>
      %add3A_814 = arith.constant 16 : i32
      %add3A_815 = arith.addi %mul3A_806, %add3A_814 : i32
      %get3A_816 = arith.index_cast %add3A_815 : i32 to index
      %get3A_817 = tpu.vector_load %arg8[%get3A_816] {strides = array<i32>} : memref<16384xf32, #tpu.memory_space<vmem>>, vector<16xf32>,
      %mul3A_818 = vector.broadcast %squeeze3A_800 : f32 to vector<16xf32>
      %mul3A_819 = arith.mulf %mul3A_818, %get3A_817 : vector<16xf32>
      %add3A_820 = arith.addf %add3A_756, %mul3A_819 : vector<16xf32>
      %add3A_821 = arith.constant 32 : i32
      %add3A_822 = arith.addi %mul3A_806, %add3A_821 : i32
      %get3A_823 = arith.index_cast %add3A_822 : i32 to index
      %get3A_824 = tpu.vector_load %arg8[%get3A_823] {strides = array<i32>} : memref<16384xf32, #tpu.memory_space<vmem>>, vector<16xf32>,
      %mul3A_825 = vector.broadcast %squeeze3A_800 : f32 to vector<16xf32>
      %mul3A_826 = arith.mulf %mul3A_825, %get3A_824 : vector<16xf32>
      %add3A_827 = arith.addf %add3A_763, %mul3A_826 : vector<16xf32>
      %add3A_828 = arith.constant 48 : i32
      %add3A_829 = arith.addi %mul3A_806, %add3A_828 : i32
      %get3A_830 = arith.index_cast %add3A_829 : i32 to index
      %get3A_831 = tpu.vector_load %arg8[%get3A_830] {strides = array<i32>} : memref<16384xf32, #tpu.memory_space<vmem>>, vector<16xf32>,
      %mul3A_832 = vector.broadcast %squeeze3A_800 : f32 to vector<16xf32>
      %mul3A_833 = arith.mulf %mul3A_832, %get3A_831 : vector<16xf32>
      %add3A_834 = arith.addf %add3A_770, %mul3A_833 : vector<16xf32>
      %add3A_835 = arith.constant 64 : i32
      %add3A_836 = arith.addi %mul3A_806, %add3A_835 : i32
      %get3A_837 = arith.index_cast %add3A_836 : i32 to index
      %get3A_838 = tpu.vector_load %arg8[%get3A_837] {strides = array<i32>} : memref<16384xf32, #tpu.memory_space<vmem>>, vector<16xf32>,
      %mul3A_839 = vector.broadcast %squeeze3A_800 : f32 to vector<16xf32>
      %mul3A_840 = arith.mulf %mul3A_839, %get3A_838 : vector<16xf32>
      %add3A_841 = arith.addf %add3A_777, %mul3A_840 : vector<16xf32>
      %add3A_842 = arith.constant 80 : i32
      %add3A_843 = arith.addi %mul3A_806, %add3A_842 : i32
      %get3A_844 = arith.index_cast %add3A_843 : i32 to index
      %get3A_845 = tpu.vector_load %arg8[%get3A_844] {strides = array<i32>} : memref<16384xf32, #tpu.memory_space<vmem>>, vector<16xf32>,
      %mul3A_846 = vector.broadcast %squeeze3A_800 : f32 to vector<16xf32>
      %mul3A_847 = arith.mulf %mul3A_846, %get3A_845 : vector<16xf32>
      %add3A_848 = arith.addf %add3A_784, %mul3A_847 : vector<16xf32>
      %add3A_849 = arith.constant 96 : i32
      %add3A_850 = arith.addi %mul3A_806, %add3A_849 : i32
      %get3A_851 = arith.index_cast %add3A_850 : i32 to index
      %get3A_852 = tpu.vector_load %arg8[%get3A_851] {strides = array<i32>} : memref<16384xf32, #tpu.memory_space<vmem>>, vector<16xf32>,
      %mul3A_853 = vector.broadcast %squeeze3A_800 : f32 to vector<16xf32>
      %mul3A_854 = arith.mulf %mul3A_853, %get3A_852 : vector<16xf32>
      %add3A_855 = arith.addf %add3A_791, %mul3A_854 : vector<16xf32>
      %add3A_856 = arith.constant 112 : i32
      %add3A_857 = arith.addi %mul3A_806, %add3A_856 : i32
      %get3A_858 = arith.index_cast %add3A_857 : i32 to index
      %get3A_859 = tpu.vector_load %arg8[%get3A_858] {strides = array<i32>} : memref<16384xf32, #tpu.memory_space<vmem>>, vector<16xf32>,
      %mul3A_860 = vector.broadcast %squeeze3A_800 : f32 to vector<16xf32>
      %mul3A_861 = arith.mulf %mul3A_860, %get3A_859 : vector<16xf32>
      %add3A_862 = arith.addf %add3A_798, %mul3A_861 : vector<16xf32>
      %slice3A_863 = vector.extract_strided_slice %bitcast3A_352 {offsets = [8], sizes = [1], strides = [1]} : vector<16xf32> to vector<1xf32>
      %squeeze3A_864 = vector.extract %slice3A_863[0] : f32 from vector<1xf32>
      %mul3A_865 = arith.constant 16 : i32
      %mul3A_866 = arith.muli %scan3A_326, %mul3A_865 : i32
      %add3A_867 = arith.constant 8 : i32
      %add3A_868 = arith.addi %mul3A_866, %add3A_867 : i32
      %mul3A_869 = arith.constant 128 : i32
      %mul3A_870 = arith.muli %add3A_868, %mul3A_869 : i32
      %add3A_871 = arith.constant 0 : i32
      %add3A_872 = arith.addi %mul3A_870, %add3A_871 : i32
      %get3A_873 = arith.index_cast %add3A_872 : i32 to index
      %get3A_874 = tpu.vector_load %arg8[%get3A_873] {strides = array<i32>} : memref<16384xf32, #tpu.memory_space<vmem>>, vector<16xf32>,
      %mul3A_875 = vector.broadcast %squeeze3A_864 : f32 to vector<16xf32>
      %mul3A_876 = arith.mulf %mul3A_875, %get3A_874 : vector<16xf32>
      %add3A_877 = arith.addf %add3A_813, %mul3A_876 : vector<16xf32>
      %add3A_878 = arith.constant 16 : i32
      %add3A_879 = arith.addi %mul3A_870, %add3A_878 : i32
      %get3A_880 = arith.index_cast %add3A_879 : i32 to index
      %get3A_881 = tpu.vector_load %arg8[%get3A_880] {strides = array<i32>} : memref<16384xf32, #tpu.memory_space<vmem>>, vector<16xf32>,
      %mul3A_882 = vector.broadcast %squeeze3A_864 : f32 to vector<16xf32>
      %mul3A_883 = arith.mulf %mul3A_882, %get3A_881 : vector<16xf32>
      %add3A_884 = arith.addf %add3A_820, %mul3A_883 : vector<16xf32>
      %add3A_885 = arith.constant 32 : i32
      %add3A_886 = arith.addi %mul3A_870, %add3A_885 : i32
      %get3A_887 = arith.index_cast %add3A_886 : i32 to index
      %get3A_888 = tpu.vector_load %arg8[%get3A_887] {strides = array<i32>} : memref<16384xf32, #tpu.memory_space<vmem>>, vector<16xf32>,
      %mul3A_889 = vector.broadcast %squeeze3A_864 : f32 to vector<16xf32>
      %mul3A_890 = arith.mulf %mul3A_889, %get3A_888 : vector<16xf32>
      %add3A_891 = arith.addf %add3A_827, %mul3A_890 : vector<16xf32>
      %add3A_892 = arith.constant 48 : i32
      %add3A_893 = arith.addi %mul3A_870, %add3A_892 : i32
      %get3A_894 = arith.index_cast %add3A_893 : i32 to index
      %get3A_895 = tpu.vector_load %arg8[%get3A_894] {strides = array<i32>} : memref<16384xf32, #tpu.memory_space<vmem>>, vector<16xf32>,
      %mul3A_896 = vector.broadcast %squeeze3A_864 : f32 to vector<16xf32>
      %mul3A_897 = arith.mulf %mul3A_896, %get3A_895 : vector<16xf32>
      %add3A_898 = arith.addf %add3A_834, %mul3A_897 : vector<16xf32>
      %add3A_899 = arith.constant 64 : i32
      %add3A_900 = arith.addi %mul3A_870, %add3A_899 : i32
      %get3A_901 = arith.index_cast %add3A_900 : i32 to index
      %get3A_902 = tpu.vector_load %arg8[%get3A_901] {strides = array<i32>} : memref<16384xf32, #tpu.memory_space<vmem>>, vector<16xf32>,
      %mul3A_903 = vector.broadcast %squeeze3A_864 : f32 to vector<16xf32>
      %mul3A_904 = arith.mulf %mul3A_903, %get3A_902 : vector<16xf32>
      %add3A_905 = arith.addf %add3A_841, %mul3A_904 : vector<16xf32>
      %add3A_906 = arith.constant 80 : i32
      %add3A_907 = arith.addi %mul3A_870, %add3A_906 : i32
      %get3A_908 = arith.index_cast %add3A_907 : i32 to index
      %get3A_909 = tpu.vector_load %arg8[%get3A_908] {strides = array<i32>} : memref<16384xf32, #tpu.memory_space<vmem>>, vector<16xf32>,
      %mul3A_910 = vector.broadcast %squeeze3A_864 : f32 to vector<16xf32>
      %mul3A_911 = arith.mulf %mul3A_910, %get3A_909 : vector<16xf32>
      %add3A_912 = arith.addf %add3A_848, %mul3A_911 : vector<16xf32>
      %add3A_913 = arith.constant 96 : i32
      %add3A_914 = arith.addi %mul3A_870, %add3A_913 : i32
      %get3A_915 = arith.index_cast %add3A_914 : i32 to index
      %get3A_916 = tpu.vector_load %arg8[%get3A_915] {strides = array<i32>} : memref<16384xf32, #tpu.memory_space<vmem>>, vector<16xf32>,
      %mul3A_917 = vector.broadcast %squeeze3A_864 : f32 to vector<16xf32>
      %mul3A_918 = arith.mulf %mul3A_917, %get3A_916 : vector<16xf32>
      %add3A_919 = arith.addf %add3A_855, %mul3A_918 : vector<16xf32>
      %add3A_920 = arith.constant 112 : i32
      %add3A_921 = arith.addi %mul3A_870, %add3A_920 : i32
      %get3A_922 = arith.index_cast %add3A_921 : i32 to index
      %get3A_923 = tpu.vector_load %arg8[%get3A_922] {strides = array<i32>} : memref<16384xf32, #tpu.memory_space<vmem>>, vector<16xf32>,
      %mul3A_924 = vector.broadcast %squeeze3A_864 : f32 to vector<16xf32>
      %mul3A_925 = arith.mulf %mul3A_924, %get3A_923 : vector<16xf32>
      %add3A_926 = arith.addf %add3A_862, %mul3A_925 : vector<16xf32>
      %slice3A_927 = vector.extract_strided_slice %bitcast3A_352 {offsets = [9], sizes = [1], strides = [1]} : vector<16xf32> to vector<1xf32>
      %squeeze3A_928 = vector.extract %slice3A_927[0] : f32 from vector<1xf32>
      %mul3A_929 = arith.constant 16 : i32
      %mul3A_930 = arith.muli %scan3A_326, %mul3A_929 : i32
      %add3A_931 = arith.constant 9 : i32
      %add3A_932 = arith.addi %mul3A_930, %add3A_931 : i32
      %mul3A_933 = arith.constant 128 : i32
      %mul3A_934 = arith.muli %add3A_932, %mul3A_933 : i32
      %add3A_935 = arith.constant 0 : i32
      %add3A_936 = arith.addi %mul3A_934, %add3A_935 : i32
      %get3A_937 = arith.index_cast %add3A_936 : i32 to index
      %get3A_938 = tpu.vector_load %arg8[%get3A_937] {strides = array<i32>} : memref<16384xf32, #tpu.memory_space<vmem>>, vector<16xf32>,
      %mul3A_939 = vector.broadcast %squeeze3A_928 : f32 to vector<16xf32>
      %mul3A_940 = arith.mulf %mul3A_939, %get3A_938 : vector<16xf32>
      %add3A_941 = arith.addf %add3A_877, %mul3A_940 : vector<16xf32>
      %add3A_942 = arith.constant 16 : i32
      %add3A_943 = arith.addi %mul3A_934, %add3A_942 : i32
      %get3A_944 = arith.index_cast %add3A_943 : i32 to index
      %get3A_945 = tpu.vector_load %arg8[%get3A_944] {strides = array<i32>} : memref<16384xf32, #tpu.memory_space<vmem>>, vector<16xf32>,
      %mul3A_946 = vector.broadcast %squeeze3A_928 : f32 to vector<16xf32>
      %mul3A_947 = arith.mulf %mul3A_946, %get3A_945 : vector<16xf32>
      %add3A_948 = arith.addf %add3A_884, %mul3A_947 : vector<16xf32>
      %add3A_949 = arith.constant 32 : i32
      %add3A_950 = arith.addi %mul3A_934, %add3A_949 : i32
      %get3A_951 = arith.index_cast %add3A_950 : i32 to index
      %get3A_952 = tpu.vector_load %arg8[%get3A_951] {strides = array<i32>} : memref<16384xf32, #tpu.memory_space<vmem>>, vector<16xf32>,
      %mul3A_953 = vector.broadcast %squeeze3A_928 : f32 to vector<16xf32>
      %mul3A_954 = arith.mulf %mul3A_953, %get3A_952 : vector<16xf32>
      %add3A_955 = arith.addf %add3A_891, %mul3A_954 : vector<16xf32>
      %add3A_956 = arith.constant 48 : i32
      %add3A_957 = arith.addi %mul3A_934, %add3A_956 : i32
      %get3A_958 = arith.index_cast %add3A_957 : i32 to index
      %get3A_959 = tpu.vector_load %arg8[%get3A_958] {strides = array<i32>} : memref<16384xf32, #tpu.memory_space<vmem>>, vector<16xf32>,
      %mul3A_960 = vector.broadcast %squeeze3A_928 : f32 to vector<16xf32>
      %mul3A_961 = arith.mulf %mul3A_960, %get3A_959 : vector<16xf32>
      %add3A_962 = arith.addf %add3A_898, %mul3A_961 : vector<16xf32>
      %add3A_963 = arith.constant 64 : i32
      %add3A_964 = arith.addi %mul3A_934, %add3A_963 : i32
      %get3A_965 = arith.index_cast %add3A_964 : i32 to index
      %get3A_966 = tpu.vector_load %arg8[%get3A_965] {strides = array<i32>} : memref<16384xf32, #tpu.memory_space<vmem>>, vector<16xf32>,
      %mul3A_967 = vector.broadcast %squeeze3A_928 : f32 to vector<16xf32>
      %mul3A_968 = arith.mulf %mul3A_967, %get3A_966 : vector<16xf32>
      %add3A_969 = arith.addf %add3A_905, %mul3A_968 : vector<16xf32>
      %add3A_970 = arith.constant 80 : i32
      %add3A_971 = arith.addi %mul3A_934, %add3A_970 : i32
      %get3A_972 = arith.index_cast %add3A_971 : i32 to index
      %get3A_973 = tpu.vector_load %arg8[%get3A_972] {strides = array<i32>} : memref<16384xf32, #tpu.memory_space<vmem>>, vector<16xf32>,
      %mul3A_974 = vector.broadcast %squeeze3A_928 : f32 to vector<16xf32>
      %mul3A_975 = arith.mulf %mul3A_974, %get3A_973 : vector<16xf32>
      %add3A_976 = arith.addf %add3A_912, %mul3A_975 : vector<16xf32>
      %add3A_977 = arith.constant 96 : i32
      %add3A_978 = arith.addi %mul3A_934, %add3A_977 : i32
      %get3A_979 = arith.index_cast %add3A_978 : i32 to index
      %get3A_980 = tpu.vector_load %arg8[%get3A_979] {strides = array<i32>} : memref<16384xf32, #tpu.memory_space<vmem>>, vector<16xf32>,
      %mul3A_981 = vector.broadcast %squeeze3A_928 : f32 to vector<16xf32>
      %mul3A_982 = arith.mulf %mul3A_981, %get3A_980 : vector<16xf32>
      %add3A_983 = arith.addf %add3A_919, %mul3A_982 : vector<16xf32>
      %add3A_984 = arith.constant 112 : i32
      %add3A_985 = arith.addi %mul3A_934, %add3A_984 : i32
      %get3A_986 = arith.index_cast %add3A_985 : i32 to index
      %get3A_987 = tpu.vector_load %arg8[%get3A_986] {strides = array<i32>} : memref<16384xf32, #tpu.memory_space<vmem>>, vector<16xf32>,
      %mul3A_988 = vector.broadcast %squeeze3A_928 : f32 to vector<16xf32>
      %mul3A_989 = arith.mulf %mul3A_988, %get3A_987 : vector<16xf32>
      %add3A_990 = arith.addf %add3A_926, %mul3A_989 : vector<16xf32>
      %slice3A_991 = vector.extract_strided_slice %bitcast3A_352 {offsets = [10], sizes = [1], strides = [1]} : vector<16xf32> to vector<1xf32>
      %squeeze3A_992 = vector.extract %slice3A_991[0] : f32 from vector<1xf32>
      %mul3A_993 = arith.constant 16 : i32
      %mul3A_994 = arith.muli %scan3A_326, %mul3A_993 : i32
      %add3A_995 = arith.constant 10 : i32
      %add3A_996 = arith.addi %mul3A_994, %add3A_995 : i32
      %mul3A_997 = arith.constant 128 : i32
      %mul3A_998 = arith.muli %add3A_996, %mul3A_997 : i32
      %add3A_999 = arith.constant 0 : i32
      %add3A_1000 = arith.addi %mul3A_998, %add3A_999 : i32
      %get3A_1001 = arith.index_cast %add3A_1000 : i32 to index
      %get3A_1002 = tpu.vector_load %arg8[%get3A_1001] {strides = array<i32>} : memref<16384xf32, #tpu.memory_space<vmem>>, vector<16xf32>,
      %mul3A_1003 = vector.broadcast %squeeze3A_992 : f32 to vector<16xf32>
      %mul3A_1004 = arith.mulf %mul3A_1003, %get3A_1002 : vector<16xf32>
      %add3A_1005 = arith.addf %add3A_941, %mul3A_1004 : vector<16xf32>
      %add3A_1006 = arith.constant 16 : i32
      %add3A_1007 = arith.addi %mul3A_998, %add3A_1006 : i32
      %get3A_1008 = arith.index_cast %add3A_1007 : i32 to index
      %get3A_1009 = tpu.vector_load %arg8[%get3A_1008] {strides = array<i32>} : memref<16384xf32, #tpu.memory_space<vmem>>, vector<16xf32>,
      %mul3A_1010 = vector.broadcast %squeeze3A_992 : f32 to vector<16xf32>
      %mul3A_1011 = arith.mulf %mul3A_1010, %get3A_1009 : vector<16xf32>
      %add3A_1012 = arith.addf %add3A_948, %mul3A_1011 : vector<16xf32>
      %add3A_1013 = arith.constant 32 : i32
      %add3A_1014 = arith.addi %mul3A_998, %add3A_1013 : i32
      %get3A_1015 = arith.index_cast %add3A_1014 : i32 to index
      %get3A_1016 = tpu.vector_load %arg8[%get3A_1015] {strides = array<i32>} : memref<16384xf32, #tpu.memory_space<vmem>>, vector<16xf32>,
      %mul3A_1017 = vector.broadcast %squeeze3A_992 : f32 to vector<16xf32>
      %mul3A_1018 = arith.mulf %mul3A_1017, %get3A_1016 : vector<16xf32>
      %add3A_1019 = arith.addf %add3A_955, %mul3A_1018 : vector<16xf32>
      %add3A_1020 = arith.constant 48 : i32
      %add3A_1021 = arith.addi %mul3A_998, %add3A_1020 : i32
      %get3A_1022 = arith.index_cast %add3A_1021 : i32 to index
      %get3A_1023 = tpu.vector_load %arg8[%get3A_1022] {strides = array<i32>} : memref<16384xf32, #tpu.memory_space<vmem>>, vector<16xf32>,
      %mul3A_1024 = vector.broadcast %squeeze3A_992 : f32 to vector<16xf32>
      %mul3A_1025 = arith.mulf %mul3A_1024, %get3A_1023 : vector<16xf32>
      %add3A_1026 = arith.addf %add3A_962, %mul3A_1025 : vector<16xf32>
      %add3A_1027 = arith.constant 64 : i32
      %add3A_1028 = arith.addi %mul3A_998, %add3A_1027 : i32
      %get3A_1029 = arith.index_cast %add3A_1028 : i32 to index
      %get3A_1030 = tpu.vector_load %arg8[%get3A_1029] {strides = array<i32>} : memref<16384xf32, #tpu.memory_space<vmem>>, vector<16xf32>,
      %mul3A_1031 = vector.broadcast %squeeze3A_992 : f32 to vector<16xf32>
      %mul3A_1032 = arith.mulf %mul3A_1031, %get3A_1030 : vector<16xf32>
      %add3A_1033 = arith.addf %add3A_969, %mul3A_1032 : vector<16xf32>
      %add3A_1034 = arith.constant 80 : i32
      %add3A_1035 = arith.addi %mul3A_998, %add3A_1034 : i32
      %get3A_1036 = arith.index_cast %add3A_1035 : i32 to index
      %get3A_1037 = tpu.vector_load %arg8[%get3A_1036] {strides = array<i32>} : memref<16384xf32, #tpu.memory_space<vmem>>, vector<16xf32>,
      %mul3A_1038 = vector.broadcast %squeeze3A_992 : f32 to vector<16xf32>
      %mul3A_1039 = arith.mulf %mul3A_1038, %get3A_1037 : vector<16xf32>
      %add3A_1040 = arith.addf %add3A_976, %mul3A_1039 : vector<16xf32>
      %add3A_1041 = arith.constant 96 : i32
      %add3A_1042 = arith.addi %mul3A_998, %add3A_1041 : i32
      %get3A_1043 = arith.index_cast %add3A_1042 : i32 to index
      %get3A_1044 = tpu.vector_load %arg8[%get3A_1043] {strides = array<i32>} : memref<16384xf32, #tpu.memory_space<vmem>>, vector<16xf32>,
      %mul3A_1045 = vector.broadcast %squeeze3A_992 : f32 to vector<16xf32>
      %mul3A_1046 = arith.mulf %mul3A_1045, %get3A_1044 : vector<16xf32>
      %add3A_1047 = arith.addf %add3A_983, %mul3A_1046 : vector<16xf32>
      %add3A_1048 = arith.constant 112 : i32
      %add3A_1049 = arith.addi %mul3A_998, %add3A_1048 : i32
      %get3A_1050 = arith.index_cast %add3A_1049 : i32 to index
      %get3A_1051 = tpu.vector_load %arg8[%get3A_1050] {strides = array<i32>} : memref<16384xf32, #tpu.memory_space<vmem>>, vector<16xf32>,
      %mul3A_1052 = vector.broadcast %squeeze3A_992 : f32 to vector<16xf32>
      %mul3A_1053 = arith.mulf %mul3A_1052, %get3A_1051 : vector<16xf32>
      %add3A_1054 = arith.addf %add3A_990, %mul3A_1053 : vector<16xf32>
      %slice3A_1055 = vector.extract_strided_slice %bitcast3A_352 {offsets = [11], sizes = [1], strides = [1]} : vector<16xf32> to vector<1xf32>
      %squeeze3A_1056 = vector.extract %slice3A_1055[0] : f32 from vector<1xf32>
      %mul3A_1057 = arith.constant 16 : i32
      %mul3A_1058 = arith.muli %scan3A_326, %mul3A_1057 : i32
      %add3A_1059 = arith.constant 11 : i32
      %add3A_1060 = arith.addi %mul3A_1058, %add3A_1059 : i32
      %mul3A_1061 = arith.constant 128 : i32
      %mul3A_1062 = arith.muli %add3A_1060, %mul3A_1061 : i32
      %add3A_1063 = arith.constant 0 : i32
      %add3A_1064 = arith.addi %mul3A_1062, %add3A_1063 : i32
      %get3A_1065 = arith.index_cast %add3A_1064 : i32 to index
      %get3A_1066 = tpu.vector_load %arg8[%get3A_1065] {strides = array<i32>} : memref<16384xf32, #tpu.memory_space<vmem>>, vector<16xf32>,
      %mul3A_1067 = vector.broadcast %squeeze3A_1056 : f32 to vector<16xf32>
      %mul3A_1068 = arith.mulf %mul3A_1067, %get3A_1066 : vector<16xf32>
      %add3A_1069 = arith.addf %add3A_1005, %mul3A_1068 : vector<16xf32>
      %add3A_1070 = arith.constant 16 : i32
      %add3A_1071 = arith.addi %mul3A_1062, %add3A_1070 : i32
      %get3A_1072 = arith.index_cast %add3A_1071 : i32 to index
      %get3A_1073 = tpu.vector_load %arg8[%get3A_1072] {strides = array<i32>} : memref<16384xf32, #tpu.memory_space<vmem>>, vector<16xf32>,
      %mul3A_1074 = vector.broadcast %squeeze3A_1056 : f32 to vector<16xf32>
      %mul3A_1075 = arith.mulf %mul3A_1074, %get3A_1073 : vector<16xf32>
      %add3A_1076 = arith.addf %add3A_1012, %mul3A_1075 : vector<16xf32>
      %add3A_1077 = arith.constant 32 : i32
      %add3A_1078 = arith.addi %mul3A_1062, %add3A_1077 : i32
      %get3A_1079 = arith.index_cast %add3A_1078 : i32 to index
      %get3A_1080 = tpu.vector_load %arg8[%get3A_1079] {strides = array<i32>} : memref<16384xf32, #tpu.memory_space<vmem>>, vector<16xf32>,
      %mul3A_1081 = vector.broadcast %squeeze3A_1056 : f32 to vector<16xf32>
      %mul3A_1082 = arith.mulf %mul3A_1081, %get3A_1080 : vector<16xf32>
      %add3A_1083 = arith.addf %add3A_1019, %mul3A_1082 : vector<16xf32>
      %add3A_1084 = arith.constant 48 : i32
      %add3A_1085 = arith.addi %mul3A_1062, %add3A_1084 : i32
      %get3A_1086 = arith.index_cast %add3A_1085 : i32 to index
      %get3A_1087 = tpu.vector_load %arg8[%get3A_1086] {strides = array<i32>} : memref<16384xf32, #tpu.memory_space<vmem>>, vector<16xf32>,
      %mul3A_1088 = vector.broadcast %squeeze3A_1056 : f32 to vector<16xf32>
      %mul3A_1089 = arith.mulf %mul3A_1088, %get3A_1087 : vector<16xf32>
      %add3A_1090 = arith.addf %add3A_1026, %mul3A_1089 : vector<16xf32>
      %add3A_1091 = arith.constant 64 : i32
      %add3A_1092 = arith.addi %mul3A_1062, %add3A_1091 : i32
      %get3A_1093 = arith.index_cast %add3A_1092 : i32 to index
      %get3A_1094 = tpu.vector_load %arg8[%get3A_1093] {strides = array<i32>} : memref<16384xf32, #tpu.memory_space<vmem>>, vector<16xf32>,
      %mul3A_1095 = vector.broadcast %squeeze3A_1056 : f32 to vector<16xf32>
      %mul3A_1096 = arith.mulf %mul3A_1095, %get3A_1094 : vector<16xf32>
      %add3A_1097 = arith.addf %add3A_1033, %mul3A_1096 : vector<16xf32>
      %add3A_1098 = arith.constant 80 : i32
      %add3A_1099 = arith.addi %mul3A_1062, %add3A_1098 : i32
      %get3A_1100 = arith.index_cast %add3A_1099 : i32 to index
      %get3A_1101 = tpu.vector_load %arg8[%get3A_1100] {strides = array<i32>} : memref<16384xf32, #tpu.memory_space<vmem>>, vector<16xf32>,
      %mul3A_1102 = vector.broadcast %squeeze3A_1056 : f32 to vector<16xf32>
      %mul3A_1103 = arith.mulf %mul3A_1102, %get3A_1101 : vector<16xf32>
      %add3A_1104 = arith.addf %add3A_1040, %mul3A_1103 : vector<16xf32>
      %add3A_1105 = arith.constant 96 : i32
      %add3A_1106 = arith.addi %mul3A_1062, %add3A_1105 : i32
      %get3A_1107 = arith.index_cast %add3A_1106 : i32 to index
      %get3A_1108 = tpu.vector_load %arg8[%get3A_1107] {strides = array<i32>} : memref<16384xf32, #tpu.memory_space<vmem>>, vector<16xf32>,
      %mul3A_1109 = vector.broadcast %squeeze3A_1056 : f32 to vector<16xf32>
      %mul3A_1110 = arith.mulf %mul3A_1109, %get3A_1108 : vector<16xf32>
      %add3A_1111 = arith.addf %add3A_1047, %mul3A_1110 : vector<16xf32>
      %add3A_1112 = arith.constant 112 : i32
      %add3A_1113 = arith.addi %mul3A_1062, %add3A_1112 : i32
      %get3A_1114 = arith.index_cast %add3A_1113 : i32 to index
      %get3A_1115 = tpu.vector_load %arg8[%get3A_1114] {strides = array<i32>} : memref<16384xf32, #tpu.memory_space<vmem>>, vector<16xf32>,
      %mul3A_1116 = vector.broadcast %squeeze3A_1056 : f32 to vector<16xf32>
      %mul3A_1117 = arith.mulf %mul3A_1116, %get3A_1115 : vector<16xf32>
      %add3A_1118 = arith.addf %add3A_1054, %mul3A_1117 : vector<16xf32>
      %slice3A_1119 = vector.extract_strided_slice %bitcast3A_352 {offsets = [12], sizes = [1], strides = [1]} : vector<16xf32> to vector<1xf32>
      %squeeze3A_1120 = vector.extract %slice3A_1119[0] : f32 from vector<1xf32>
      %mul3A_1121 = arith.constant 16 : i32
      %mul3A_1122 = arith.muli %scan3A_326, %mul3A_1121 : i32
      %add3A_1123 = arith.constant 12 : i32
      %add3A_1124 = arith.addi %mul3A_1122, %add3A_1123 : i32
      %mul3A_1125 = arith.constant 128 : i32
      %mul3A_1126 = arith.muli %add3A_1124, %mul3A_1125 : i32
      %add3A_1127 = arith.constant 0 : i32
      %add3A_1128 = arith.addi %mul3A_1126, %add3A_1127 : i32
      %get3A_1129 = arith.index_cast %add3A_1128 : i32 to index
      %get3A_1130 = tpu.vector_load %arg8[%get3A_1129] {strides = array<i32>} : memref<16384xf32, #tpu.memory_space<vmem>>, vector<16xf32>,
      %mul3A_1131 = vector.broadcast %squeeze3A_1120 : f32 to vector<16xf32>
      %mul3A_1132 = arith.mulf %mul3A_1131, %get3A_1130 : vector<16xf32>
      %add3A_1133 = arith.addf %add3A_1069, %mul3A_1132 : vector<16xf32>
      %add3A_1134 = arith.constant 16 : i32
      %add3A_1135 = arith.addi %mul3A_1126, %add3A_1134 : i32
      %get3A_1136 = arith.index_cast %add3A_1135 : i32 to index
      %get3A_1137 = tpu.vector_load %arg8[%get3A_1136] {strides = array<i32>} : memref<16384xf32, #tpu.memory_space<vmem>>, vector<16xf32>,
      %mul3A_1138 = vector.broadcast %squeeze3A_1120 : f32 to vector<16xf32>
      %mul3A_1139 = arith.mulf %mul3A_1138, %get3A_1137 : vector<16xf32>
      %add3A_1140 = arith.addf %add3A_1076, %mul3A_1139 : vector<16xf32>
      %add3A_1141 = arith.constant 32 : i32
      %add3A_1142 = arith.addi %mul3A_1126, %add3A_1141 : i32
      %get3A_1143 = arith.index_cast %add3A_1142 : i32 to index
      %get3A_1144 = tpu.vector_load %arg8[%get3A_1143] {strides = array<i32>} : memref<16384xf32, #tpu.memory_space<vmem>>, vector<16xf32>,
      %mul3A_1145 = vector.broadcast %squeeze3A_1120 : f32 to vector<16xf32>
      %mul3A_1146 = arith.mulf %mul3A_1145, %get3A_1144 : vector<16xf32>
      %add3A_1147 = arith.addf %add3A_1083, %mul3A_1146 : vector<16xf32>
      %add3A_1148 = arith.constant 48 : i32
      %add3A_1149 = arith.addi %mul3A_1126, %add3A_1148 : i32
      %get3A_1150 = arith.index_cast %add3A_1149 : i32 to index
      %get3A_1151 = tpu.vector_load %arg8[%get3A_1150] {strides = array<i32>} : memref<16384xf32, #tpu.memory_space<vmem>>, vector<16xf32>,
      %mul3A_1152 = vector.broadcast %squeeze3A_1120 : f32 to vector<16xf32>
      %mul3A_1153 = arith.mulf %mul3A_1152, %get3A_1151 : vector<16xf32>
      %add3A_1154 = arith.addf %add3A_1090, %mul3A_1153 : vector<16xf32>
      %add3A_1155 = arith.constant 64 : i32
      %add3A_1156 = arith.addi %mul3A_1126, %add3A_1155 : i32
      %get3A_1157 = arith.index_cast %add3A_1156 : i32 to index
      %get3A_1158 = tpu.vector_load %arg8[%get3A_1157] {strides = array<i32>} : memref<16384xf32, #tpu.memory_space<vmem>>, vector<16xf32>,
      %mul3A_1159 = vector.broadcast %squeeze3A_1120 : f32 to vector<16xf32>
      %mul3A_1160 = arith.mulf %mul3A_1159, %get3A_1158 : vector<16xf32>
      %add3A_1161 = arith.addf %add3A_1097, %mul3A_1160 : vector<16xf32>
      %add3A_1162 = arith.constant 80 : i32
      %add3A_1163 = arith.addi %mul3A_1126, %add3A_1162 : i32
      %get3A_1164 = arith.index_cast %add3A_1163 : i32 to index
      %get3A_1165 = tpu.vector_load %arg8[%get3A_1164] {strides = array<i32>} : memref<16384xf32, #tpu.memory_space<vmem>>, vector<16xf32>,
      %mul3A_1166 = vector.broadcast %squeeze3A_1120 : f32 to vector<16xf32>
      %mul3A_1167 = arith.mulf %mul3A_1166, %get3A_1165 : vector<16xf32>
      %add3A_1168 = arith.addf %add3A_1104, %mul3A_1167 : vector<16xf32>
      %add3A_1169 = arith.constant 96 : i32
      %add3A_1170 = arith.addi %mul3A_1126, %add3A_1169 : i32
      %get3A_1171 = arith.index_cast %add3A_1170 : i32 to index
      %get3A_1172 = tpu.vector_load %arg8[%get3A_1171] {strides = array<i32>} : memref<16384xf32, #tpu.memory_space<vmem>>, vector<16xf32>,
      %mul3A_1173 = vector.broadcast %squeeze3A_1120 : f32 to vector<16xf32>
      %mul3A_1174 = arith.mulf %mul3A_1173, %get3A_1172 : vector<16xf32>
      %add3A_1175 = arith.addf %add3A_1111, %mul3A_1174 : vector<16xf32>
      %add3A_1176 = arith.constant 112 : i32
      %add3A_1177 = arith.addi %mul3A_1126, %add3A_1176 : i32
      %get3A_1178 = arith.index_cast %add3A_1177 : i32 to index
      %get3A_1179 = tpu.vector_load %arg8[%get3A_1178] {strides = array<i32>} : memref<16384xf32, #tpu.memory_space<vmem>>, vector<16xf32>,
      %mul3A_1180 = vector.broadcast %squeeze3A_1120 : f32 to vector<16xf32>
      %mul3A_1181 = arith.mulf %mul3A_1180, %get3A_1179 : vector<16xf32>
      %add3A_1182 = arith.addf %add3A_1118, %mul3A_1181 : vector<16xf32>
      %slice3A_1183 = vector.extract_strided_slice %bitcast3A_352 {offsets = [13], sizes = [1], strides = [1]} : vector<16xf32> to vector<1xf32>
      %squeeze3A_1184 = vector.extract %slice3A_1183[0] : f32 from vector<1xf32>
      %mul3A_1185 = arith.constant 16 : i32
      %mul3A_1186 = arith.muli %scan3A_326, %mul3A_1185 : i32
      %add3A_1187 = arith.constant 13 : i32
      %add3A_1188 = arith.addi %mul3A_1186, %add3A_1187 : i32
      %mul3A_1189 = arith.constant 128 : i32
      %mul3A_1190 = arith.muli %add3A_1188, %mul3A_1189 : i32
      %add3A_1191 = arith.constant 0 : i32
      %add3A_1192 = arith.addi %mul3A_1190, %add3A_1191 : i32
      %get3A_1193 = arith.index_cast %add3A_1192 : i32 to index
      %get3A_1194 = tpu.vector_load %arg8[%get3A_1193] {strides = array<i32>} : memref<16384xf32, #tpu.memory_space<vmem>>, vector<16xf32>,
      %mul3A_1195 = vector.broadcast %squeeze3A_1184 : f32 to vector<16xf32>
      %mul3A_1196 = arith.mulf %mul3A_1195, %get3A_1194 : vector<16xf32>
      %add3A_1197 = arith.addf %add3A_1133, %mul3A_1196 : vector<16xf32>
      %add3A_1198 = arith.constant 16 : i32
      %add3A_1199 = arith.addi %mul3A_1190, %add3A_1198 : i32
      %get3A_1200 = arith.index_cast %add3A_1199 : i32 to index
      %get3A_1201 = tpu.vector_load %arg8[%get3A_1200] {strides = array<i32>} : memref<16384xf32, #tpu.memory_space<vmem>>, vector<16xf32>,
      %mul3A_1202 = vector.broadcast %squeeze3A_1184 : f32 to vector<16xf32>
      %mul3A_1203 = arith.mulf %mul3A_1202, %get3A_1201 : vector<16xf32>
      %add3A_1204 = arith.addf %add3A_1140, %mul3A_1203 : vector<16xf32>
      %add3A_1205 = arith.constant 32 : i32
      %add3A_1206 = arith.addi %mul3A_1190, %add3A_1205 : i32
      %get3A_1207 = arith.index_cast %add3A_1206 : i32 to index
      %get3A_1208 = tpu.vector_load %arg8[%get3A_1207] {strides = array<i32>} : memref<16384xf32, #tpu.memory_space<vmem>>, vector<16xf32>,
      %mul3A_1209 = vector.broadcast %squeeze3A_1184 : f32 to vector<16xf32>
      %mul3A_1210 = arith.mulf %mul3A_1209, %get3A_1208 : vector<16xf32>
      %add3A_1211 = arith.addf %add3A_1147, %mul3A_1210 : vector<16xf32>
      %add3A_1212 = arith.constant 48 : i32
      %add3A_1213 = arith.addi %mul3A_1190, %add3A_1212 : i32
      %get3A_1214 = arith.index_cast %add3A_1213 : i32 to index
      %get3A_1215 = tpu.vector_load %arg8[%get3A_1214] {strides = array<i32>} : memref<16384xf32, #tpu.memory_space<vmem>>, vector<16xf32>,
      %mul3A_1216 = vector.broadcast %squeeze3A_1184 : f32 to vector<16xf32>
      %mul3A_1217 = arith.mulf %mul3A_1216, %get3A_1215 : vector<16xf32>
      %add3A_1218 = arith.addf %add3A_1154, %mul3A_1217 : vector<16xf32>
      %add3A_1219 = arith.constant 64 : i32
      %add3A_1220 = arith.addi %mul3A_1190, %add3A_1219 : i32
      %get3A_1221 = arith.index_cast %add3A_1220 : i32 to index
      %get3A_1222 = tpu.vector_load %arg8[%get3A_1221] {strides = array<i32>} : memref<16384xf32, #tpu.memory_space<vmem>>, vector<16xf32>,
      %mul3A_1223 = vector.broadcast %squeeze3A_1184 : f32 to vector<16xf32>
      %mul3A_1224 = arith.mulf %mul3A_1223, %get3A_1222 : vector<16xf32>
      %add3A_1225 = arith.addf %add3A_1161, %mul3A_1224 : vector<16xf32>
      %add3A_1226 = arith.constant 80 : i32
      %add3A_1227 = arith.addi %mul3A_1190, %add3A_1226 : i32
      %get3A_1228 = arith.index_cast %add3A_1227 : i32 to index
      %get3A_1229 = tpu.vector_load %arg8[%get3A_1228] {strides = array<i32>} : memref<16384xf32, #tpu.memory_space<vmem>>, vector<16xf32>,
      %mul3A_1230 = vector.broadcast %squeeze3A_1184 : f32 to vector<16xf32>
      %mul3A_1231 = arith.mulf %mul3A_1230, %get3A_1229 : vector<16xf32>
      %add3A_1232 = arith.addf %add3A_1168, %mul3A_1231 : vector<16xf32>
      %add3A_1233 = arith.constant 96 : i32
      %add3A_1234 = arith.addi %mul3A_1190, %add3A_1233 : i32
      %get3A_1235 = arith.index_cast %add3A_1234 : i32 to index
      %get3A_1236 = tpu.vector_load %arg8[%get3A_1235] {strides = array<i32>} : memref<16384xf32, #tpu.memory_space<vmem>>, vector<16xf32>,
      %mul3A_1237 = vector.broadcast %squeeze3A_1184 : f32 to vector<16xf32>
      %mul3A_1238 = arith.mulf %mul3A_1237, %get3A_1236 : vector<16xf32>
      %add3A_1239 = arith.addf %add3A_1175, %mul3A_1238 : vector<16xf32>
      %add3A_1240 = arith.constant 112 : i32
      %add3A_1241 = arith.addi %mul3A_1190, %add3A_1240 : i32
      %get3A_1242 = arith.index_cast %add3A_1241 : i32 to index
      %get3A_1243 = tpu.vector_load %arg8[%get3A_1242] {strides = array<i32>} : memref<16384xf32, #tpu.memory_space<vmem>>, vector<16xf32>,
      %mul3A_1244 = vector.broadcast %squeeze3A_1184 : f32 to vector<16xf32>
      %mul3A_1245 = arith.mulf %mul3A_1244, %get3A_1243 : vector<16xf32>
      %add3A_1246 = arith.addf %add3A_1182, %mul3A_1245 : vector<16xf32>
      %slice3A_1247 = vector.extract_strided_slice %bitcast3A_352 {offsets = [14], sizes = [1], strides = [1]} : vector<16xf32> to vector<1xf32>
      %squeeze3A_1248 = vector.extract %slice3A_1247[0] : f32 from vector<1xf32>
      %mul3A_1249 = arith.constant 16 : i32
      %mul3A_1250 = arith.muli %scan3A_326, %mul3A_1249 : i32
      %add3A_1251 = arith.constant 14 : i32
      %add3A_1252 = arith.addi %mul3A_1250, %add3A_1251 : i32
      %mul3A_1253 = arith.constant 128 : i32
      %mul3A_1254 = arith.muli %add3A_1252, %mul3A_1253 : i32
      %add3A_1255 = arith.constant 0 : i32
      %add3A_1256 = arith.addi %mul3A_1254, %add3A_1255 : i32
      %get3A_1257 = arith.index_cast %add3A_1256 : i32 to index
      %get3A_1258 = tpu.vector_load %arg8[%get3A_1257] {strides = array<i32>} : memref<16384xf32, #tpu.memory_space<vmem>>, vector<16xf32>,
      %mul3A_1259 = vector.broadcast %squeeze3A_1248 : f32 to vector<16xf32>
      %mul3A_1260 = arith.mulf %mul3A_1259, %get3A_1258 : vector<16xf32>
      %add3A_1261 = arith.addf %add3A_1197, %mul3A_1260 : vector<16xf32>
      %add3A_1262 = arith.constant 16 : i32
      %add3A_1263 = arith.addi %mul3A_1254, %add3A_1262 : i32
      %get3A_1264 = arith.index_cast %add3A_1263 : i32 to index
      %get3A_1265 = tpu.vector_load %arg8[%get3A_1264] {strides = array<i32>} : memref<16384xf32, #tpu.memory_space<vmem>>, vector<16xf32>,
      %mul3A_1266 = vector.broadcast %squeeze3A_1248 : f32 to vector<16xf32>
      %mul3A_1267 = arith.mulf %mul3A_1266, %get3A_1265 : vector<16xf32>
      %add3A_1268 = arith.addf %add3A_1204, %mul3A_1267 : vector<16xf32>
      %add3A_1269 = arith.constant 32 : i32
      %add3A_1270 = arith.addi %mul3A_1254, %add3A_1269 : i32
      %get3A_1271 = arith.index_cast %add3A_1270 : i32 to index
      %get3A_1272 = tpu.vector_load %arg8[%get3A_1271] {strides = array<i32>} : memref<16384xf32, #tpu.memory_space<vmem>>, vector<16xf32>,
      %mul3A_1273 = vector.broadcast %squeeze3A_1248 : f32 to vector<16xf32>
      %mul3A_1274 = arith.mulf %mul3A_1273, %get3A_1272 : vector<16xf32>
      %add3A_1275 = arith.addf %add3A_1211, %mul3A_1274 : vector<16xf32>
      %add3A_1276 = arith.constant 48 : i32
      %add3A_1277 = arith.addi %mul3A_1254, %add3A_1276 : i32
      %get3A_1278 = arith.index_cast %add3A_1277 : i32 to index
      %get3A_1279 = tpu.vector_load %arg8[%get3A_1278] {strides = array<i32>} : memref<16384xf32, #tpu.memory_space<vmem>>, vector<16xf32>,
      %mul3A_1280 = vector.broadcast %squeeze3A_1248 : f32 to vector<16xf32>
      %mul3A_1281 = arith.mulf %mul3A_1280, %get3A_1279 : vector<16xf32>
      %add3A_1282 = arith.addf %add3A_1218, %mul3A_1281 : vector<16xf32>
      %add3A_1283 = arith.constant 64 : i32
      %add3A_1284 = arith.addi %mul3A_1254, %add3A_1283 : i32
      %get3A_1285 = arith.index_cast %add3A_1284 : i32 to index
      %get3A_1286 = tpu.vector_load %arg8[%get3A_1285] {strides = array<i32>} : memref<16384xf32, #tpu.memory_space<vmem>>, vector<16xf32>,
      %mul3A_1287 = vector.broadcast %squeeze3A_1248 : f32 to vector<16xf32>
      %mul3A_1288 = arith.mulf %mul3A_1287, %get3A_1286 : vector<16xf32>
      %add3A_1289 = arith.addf %add3A_1225, %mul3A_1288 : vector<16xf32>
      %add3A_1290 = arith.constant 80 : i32
      %add3A_1291 = arith.addi %mul3A_1254, %add3A_1290 : i32
      %get3A_1292 = arith.index_cast %add3A_1291 : i32 to index
      %get3A_1293 = tpu.vector_load %arg8[%get3A_1292] {strides = array<i32>} : memref<16384xf32, #tpu.memory_space<vmem>>, vector<16xf32>,
      %mul3A_1294 = vector.broadcast %squeeze3A_1248 : f32 to vector<16xf32>
      %mul3A_1295 = arith.mulf %mul3A_1294, %get3A_1293 : vector<16xf32>
      %add3A_1296 = arith.addf %add3A_1232, %mul3A_1295 : vector<16xf32>
      %add3A_1297 = arith.constant 96 : i32
      %add3A_1298 = arith.addi %mul3A_1254, %add3A_1297 : i32
      %get3A_1299 = arith.index_cast %add3A_1298 : i32 to index
      %get3A_1300 = tpu.vector_load %arg8[%get3A_1299] {strides = array<i32>} : memref<16384xf32, #tpu.memory_space<vmem>>, vector<16xf32>,
      %mul3A_1301 = vector.broadcast %squeeze3A_1248 : f32 to vector<16xf32>
      %mul3A_1302 = arith.mulf %mul3A_1301, %get3A_1300 : vector<16xf32>
      %add3A_1303 = arith.addf %add3A_1239, %mul3A_1302 : vector<16xf32>
      %add3A_1304 = arith.constant 112 : i32
      %add3A_1305 = arith.addi %mul3A_1254, %add3A_1304 : i32
      %get3A_1306 = arith.index_cast %add3A_1305 : i32 to index
      %get3A_1307 = tpu.vector_load %arg8[%get3A_1306] {strides = array<i32>} : memref<16384xf32, #tpu.memory_space<vmem>>, vector<16xf32>,
      %mul3A_1308 = vector.broadcast %squeeze3A_1248 : f32 to vector<16xf32>
      %mul3A_1309 = arith.mulf %mul3A_1308, %get3A_1307 : vector<16xf32>
      %add3A_1310 = arith.addf %add3A_1246, %mul3A_1309 : vector<16xf32>
      %slice3A_1311 = vector.extract_strided_slice %bitcast3A_352 {offsets = [15], sizes = [1], strides = [1]} : vector<16xf32> to vector<1xf32>
      %squeeze3A_1312 = vector.extract %slice3A_1311[0] : f32 from vector<1xf32>
      %mul3A_1313 = arith.constant 16 : i32
      %mul3A_1314 = arith.muli %scan3A_326, %mul3A_1313 : i32
      %add3A_1315 = arith.constant 15 : i32
      %add3A_1316 = arith.addi %mul3A_1314, %add3A_1315 : i32
      %mul3A_1317 = arith.constant 128 : i32
      %mul3A_1318 = arith.muli %add3A_1316, %mul3A_1317 : i32
      %add3A_1319 = arith.constant 0 : i32
      %add3A_1320 = arith.addi %mul3A_1318, %add3A_1319 : i32
      %get3A_1321 = arith.index_cast %add3A_1320 : i32 to index
      %get3A_1322 = tpu.vector_load %arg8[%get3A_1321] {strides = array<i32>} : memref<16384xf32, #tpu.memory_space<vmem>>, vector<16xf32>,
      %mul3A_1323 = vector.broadcast %squeeze3A_1312 : f32 to vector<16xf32>
      %mul3A_1324 = arith.mulf %mul3A_1323, %get3A_1322 : vector<16xf32>
      %add3A_1325 = arith.addf %add3A_1261, %mul3A_1324 : vector<16xf32>
      %add3A_1326 = arith.constant 16 : i32
      %add3A_1327 = arith.addi %mul3A_1318, %add3A_1326 : i32
      %get3A_1328 = arith.index_cast %add3A_1327 : i32 to index
      %get3A_1329 = tpu.vector_load %arg8[%get3A_1328] {strides = array<i32>} : memref<16384xf32, #tpu.memory_space<vmem>>, vector<16xf32>,
      %mul3A_1330 = vector.broadcast %squeeze3A_1312 : f32 to vector<16xf32>
      %mul3A_1331 = arith.mulf %mul3A_1330, %get3A_1329 : vector<16xf32>
      %add3A_1332 = arith.addf %add3A_1268, %mul3A_1331 : vector<16xf32>
      %add3A_1333 = arith.constant 32 : i32
      %add3A_1334 = arith.addi %mul3A_1318, %add3A_1333 : i32
      %get3A_1335 = arith.index_cast %add3A_1334 : i32 to index
      %get3A_1336 = tpu.vector_load %arg8[%get3A_1335] {strides = array<i32>} : memref<16384xf32, #tpu.memory_space<vmem>>, vector<16xf32>,
      %mul3A_1337 = vector.broadcast %squeeze3A_1312 : f32 to vector<16xf32>
      %mul3A_1338 = arith.mulf %mul3A_1337, %get3A_1336 : vector<16xf32>
      %add3A_1339 = arith.addf %add3A_1275, %mul3A_1338 : vector<16xf32>
      %add3A_1340 = arith.constant 48 : i32
      %add3A_1341 = arith.addi %mul3A_1318, %add3A_1340 : i32
      %get3A_1342 = arith.index_cast %add3A_1341 : i32 to index
      %get3A_1343 = tpu.vector_load %arg8[%get3A_1342] {strides = array<i32>} : memref<16384xf32, #tpu.memory_space<vmem>>, vector<16xf32>,
      %mul3A_1344 = vector.broadcast %squeeze3A_1312 : f32 to vector<16xf32>
      %mul3A_1345 = arith.mulf %mul3A_1344, %get3A_1343 : vector<16xf32>
      %add3A_1346 = arith.addf %add3A_1282, %mul3A_1345 : vector<16xf32>
      %add3A_1347 = arith.constant 64 : i32
      %add3A_1348 = arith.addi %mul3A_1318, %add3A_1347 : i32
      %get3A_1349 = arith.index_cast %add3A_1348 : i32 to index
      %get3A_1350 = tpu.vector_load %arg8[%get3A_1349] {strides = array<i32>} : memref<16384xf32, #tpu.memory_space<vmem>>, vector<16xf32>,
      %mul3A_1351 = vector.broadcast %squeeze3A_1312 : f32 to vector<16xf32>
      %mul3A_1352 = arith.mulf %mul3A_1351, %get3A_1350 : vector<16xf32>
      %add3A_1353 = arith.addf %add3A_1289, %mul3A_1352 : vector<16xf32>
      %add3A_1354 = arith.constant 80 : i32
      %add3A_1355 = arith.addi %mul3A_1318, %add3A_1354 : i32
      %get3A_1356 = arith.index_cast %add3A_1355 : i32 to index
      %get3A_1357 = tpu.vector_load %arg8[%get3A_1356] {strides = array<i32>} : memref<16384xf32, #tpu.memory_space<vmem>>, vector<16xf32>,
      %mul3A_1358 = vector.broadcast %squeeze3A_1312 : f32 to vector<16xf32>
      %mul3A_1359 = arith.mulf %mul3A_1358, %get3A_1357 : vector<16xf32>
      %add3A_1360 = arith.addf %add3A_1296, %mul3A_1359 : vector<16xf32>
      %add3A_1361 = arith.constant 96 : i32
      %add3A_1362 = arith.addi %mul3A_1318, %add3A_1361 : i32
      %get3A_1363 = arith.index_cast %add3A_1362 : i32 to index
      %get3A_1364 = tpu.vector_load %arg8[%get3A_1363] {strides = array<i32>} : memref<16384xf32, #tpu.memory_space<vmem>>, vector<16xf32>,
      %mul3A_1365 = vector.broadcast %squeeze3A_1312 : f32 to vector<16xf32>
      %mul3A_1366 = arith.mulf %mul3A_1365, %get3A_1364 : vector<16xf32>
      %add3A_1367 = arith.addf %add3A_1303, %mul3A_1366 : vector<16xf32>
      %add3A_1368 = arith.constant 112 : i32
      %add3A_1369 = arith.addi %mul3A_1318, %add3A_1368 : i32
      %get3A_1370 = arith.index_cast %add3A_1369 : i32 to index
      %get3A_1371 = tpu.vector_load %arg8[%get3A_1370] {strides = array<i32>} : memref<16384xf32, #tpu.memory_space<vmem>>, vector<16xf32>,
      %mul3A_1372 = vector.broadcast %squeeze3A_1312 : f32 to vector<16xf32>
      %mul3A_1373 = arith.mulf %mul3A_1372, %get3A_1371 : vector<16xf32>
      %add3A_1374 = arith.addf %add3A_1310, %mul3A_1373 : vector<16xf32>
      scf.yield %add3A_1325, %add3A_1332, %add3A_1339, %add3A_1346, %add3A_1353, %add3A_1360, %add3A_1367, %add3A_1374 : vector<16xf32>, vector<16xf32>, vector<16xf32>, vector<16xf32>, vector<16xf32>, vector<16xf32>, vector<16xf32>, vector<16xf32>
    }
    %scan3A_147 = arith.constant 8 : i32
    %bitcast3A = vector.bitcast %scan3A_146#0 : vector<16xf32> to vector<16xi32>
    %shift_right_logical3A = arith.constant 16 : i32
    %shift_right_logical3A_148 = vector.broadcast %shift_right_logical3A : i32 to vector<16xi32>
    %shift_right_logical3A_149 = arith.shrui %bitcast3A, %shift_right_logical3A_148 : vector<16xi32>
    %and3A_150 = arith.constant 1 : i32
    %and3A_151 = vector.broadcast %and3A_150 : i32 to vector<16xi32>
    %and3A_152 = arith.andi %shift_right_logical3A_149, %and3A_151 : vector<16xi32>
    %add3A_153 = arith.addi %bitcast3A, %and3A_152 : vector<16xi32>
    %add3A_154 = arith.constant 32767 : i32
    %add3A_155 = vector.broadcast %add3A_154 : i32 to vector<16xi32>
    %add3A_156 = arith.addi %add3A_153, %add3A_155 : vector<16xi32>
    %and3A_157 = arith.constant -65536 : i32
    %and3A_158 = vector.broadcast %and3A_157 : i32 to vector<16xi32>
    %and3A_159 = arith.andi %add3A_156, %and3A_158 : vector<16xi32>
    %bitcast3A_160 = vector.bitcast %and3A_159 : vector<16xi32> to vector<16xf32>
    %swap3A_161 = arith.constant 0 : index
    %swap3A_162 = tpu.vector_load %arg10[%swap3A_161] {strides = array<i32>} : memref<128xf32, #tpu.memory_space<vmem>>, vector<16xf32>,
    tpu.vector_store %arg10[%swap3A_161], %bitcast3A_160 {strides = array<i32>} : memref<128xf32, #tpu.memory_space<vmem>>, vector<16xf32>,
    %bitcast3A_163 = vector.bitcast %scan3A_146#1 : vector<16xf32> to vector<16xi32>
    %shift_right_logical3A_164 = arith.constant 16 : i32
    %shift_right_logical3A_165 = vector.broadcast %shift_right_logical3A_164 : i32 to vector<16xi32>
    %shift_right_logical3A_166 = arith.shrui %bitcast3A_163, %shift_right_logical3A_165 : vector<16xi32>
    %and3A_167 = arith.constant 1 : i32
    %and3A_168 = vector.broadcast %and3A_167 : i32 to vector<16xi32>
    %and3A_169 = arith.andi %shift_right_logical3A_166, %and3A_168 : vector<16xi32>
    %add3A_170 = arith.addi %bitcast3A_163, %and3A_169 : vector<16xi32>
    %add3A_171 = arith.constant 32767 : i32
    %add3A_172 = vector.broadcast %add3A_171 : i32 to vector<16xi32>
    %add3A_173 = arith.addi %add3A_170, %add3A_172 : vector<16xi32>
    %and3A_174 = arith.constant -65536 : i32
    %and3A_175 = vector.broadcast %and3A_174 : i32 to vector<16xi32>
    %and3A_176 = arith.andi %add3A_173, %and3A_175 : vector<16xi32>
    %bitcast3A_177 = vector.bitcast %and3A_176 : vector<16xi32> to vector<16xf32>
    %swap3A_178 = arith.constant 16 : index
    %swap3A_179 = tpu.vector_load %arg10[%swap3A_178] {strides = array<i32>} : memref<128xf32, #tpu.memory_space<vmem>>, vector<16xf32>,
    tpu.vector_store %arg10[%swap3A_178], %bitcast3A_177 {strides = array<i32>} : memref<128xf32, #tpu.memory_space<vmem>>, vector<16xf32>,
    %bitcast3A_180 = vector.bitcast %scan3A_146#2 : vector<16xf32> to vector<16xi32>
    %shift_right_logical3A_181 = arith.constant 16 : i32
    %shift_right_logical3A_182 = vector.broadcast %shift_right_logical3A_181 : i32 to vector<16xi32>
    %shift_right_logical3A_183 = arith.shrui %bitcast3A_180, %shift_right_logical3A_182 : vector<16xi32>
    %and3A_184 = arith.constant 1 : i32
    %and3A_185 = vector.broadcast %and3A_184 : i32 to vector<16xi32>
    %and3A_186 = arith.andi %shift_right_logical3A_183, %and3A_185 : vector<16xi32>
    %add3A_187 = arith.addi %bitcast3A_180, %and3A_186 : vector<16xi32>
    %add3A_188 = arith.constant 32767 : i32
    %add3A_189 = vector.broadcast %add3A_188 : i32 to vector<16xi32>
    %add3A_190 = arith.addi %add3A_187, %add3A_189 : vector<16xi32>
    %and3A_191 = arith.constant -65536 : i32
    %and3A_192 = vector.broadcast %and3A_191 : i32 to vector<16xi32>
    %and3A_193 = arith.andi %add3A_190, %and3A_192 : vector<16xi32>
    %bitcast3A_194 = vector.bitcast %and3A_193 : vector<16xi32> to vector<16xf32>
    %swap3A_195 = arith.constant 32 : index
    %swap3A_196 = tpu.vector_load %arg10[%swap3A_195] {strides = array<i32>} : memref<128xf32, #tpu.memory_space<vmem>>, vector<16xf32>,
    tpu.vector_store %arg10[%swap3A_195], %bitcast3A_194 {strides = array<i32>} : memref<128xf32, #tpu.memory_space<vmem>>, vector<16xf32>,
    %bitcast3A_197 = vector.bitcast %scan3A_146#3 : vector<16xf32> to vector<16xi32>
    %shift_right_logical3A_198 = arith.constant 16 : i32
    %shift_right_logical3A_199 = vector.broadcast %shift_right_logical3A_198 : i32 to vector<16xi32>
    %shift_right_logical3A_200 = arith.shrui %bitcast3A_197, %shift_right_logical3A_199 : vector<16xi32>
    %and3A_201 = arith.constant 1 : i32
    %and3A_202 = vector.broadcast %and3A_201 : i32 to vector<16xi32>
    %and3A_203 = arith.andi %shift_right_logical3A_200, %and3A_202 : vector<16xi32>
    %add3A_204 = arith.addi %bitcast3A_197, %and3A_203 : vector<16xi32>
    %add3A_205 = arith.constant 32767 : i32
    %add3A_206 = vector.broadcast %add3A_205 : i32 to vector<16xi32>
    %add3A_207 = arith.addi %add3A_204, %add3A_206 : vector<16xi32>
    %and3A_208 = arith.constant -65536 : i32
    %and3A_209 = vector.broadcast %and3A_208 : i32 to vector<16xi32>
    %and3A_210 = arith.andi %add3A_207, %and3A_209 : vector<16xi32>
    %bitcast3A_211 = vector.bitcast %and3A_210 : vector<16xi32> to vector<16xf32>
    %swap3A_212 = arith.constant 48 : index
    %swap3A_213 = tpu.vector_load %arg10[%swap3A_212] {strides = array<i32>} : memref<128xf32, #tpu.memory_space<vmem>>, vector<16xf32>,
    tpu.vector_store %arg10[%swap3A_212], %bitcast3A_211 {strides = array<i32>} : memref<128xf32, #tpu.memory_space<vmem>>, vector<16xf32>,
    %bitcast3A_214 = vector.bitcast %scan3A_146#4 : vector<16xf32> to vector<16xi32>
    %shift_right_logical3A_215 = arith.constant 16 : i32
    %shift_right_logical3A_216 = vector.broadcast %shift_right_logical3A_215 : i32 to vector<16xi32>
    %shift_right_logical3A_217 = arith.shrui %bitcast3A_214, %shift_right_logical3A_216 : vector<16xi32>
    %and3A_218 = arith.constant 1 : i32
    %and3A_219 = vector.broadcast %and3A_218 : i32 to vector<16xi32>
    %and3A_220 = arith.andi %shift_right_logical3A_217, %and3A_219 : vector<16xi32>
    %add3A_221 = arith.addi %bitcast3A_214, %and3A_220 : vector<16xi32>
    %add3A_222 = arith.constant 32767 : i32
    %add3A_223 = vector.broadcast %add3A_222 : i32 to vector<16xi32>
    %add3A_224 = arith.addi %add3A_221, %add3A_223 : vector<16xi32>
    %and3A_225 = arith.constant -65536 : i32
    %and3A_226 = vector.broadcast %and3A_225 : i32 to vector<16xi32>
    %and3A_227 = arith.andi %add3A_224, %and3A_226 : vector<16xi32>
    %bitcast3A_228 = vector.bitcast %and3A_227 : vector<16xi32> to vector<16xf32>
    %swap3A_229 = arith.constant 64 : index
    %swap3A_230 = tpu.vector_load %arg10[%swap3A_229] {strides = array<i32>} : memref<128xf32, #tpu.memory_space<vmem>>, vector<16xf32>,
    tpu.vector_store %arg10[%swap3A_229], %bitcast3A_228 {strides = array<i32>} : memref<128xf32, #tpu.memory_space<vmem>>, vector<16xf32>,
    %bitcast3A_231 = vector.bitcast %scan3A_146#5 : vector<16xf32> to vector<16xi32>
    %shift_right_logical3A_232 = arith.constant 16 : i32
    %shift_right_logical3A_233 = vector.broadcast %shift_right_logical3A_232 : i32 to vector<16xi32>
    %shift_right_logical3A_234 = arith.shrui %bitcast3A_231, %shift_right_logical3A_233 : vector<16xi32>
    %and3A_235 = arith.constant 1 : i32
    %and3A_236 = vector.broadcast %and3A_235 : i32 to vector<16xi32>
    %and3A_237 = arith.andi %shift_right_logical3A_234, %and3A_236 : vector<16xi32>
    %add3A_238 = arith.addi %bitcast3A_231, %and3A_237 : vector<16xi32>
    %add3A_239 = arith.constant 32767 : i32
    %add3A_240 = vector.broadcast %add3A_239 : i32 to vector<16xi32>
    %add3A_241 = arith.addi %add3A_238, %add3A_240 : vector<16xi32>
    %and3A_242 = arith.constant -65536 : i32
    %and3A_243 = vector.broadcast %and3A_242 : i32 to vector<16xi32>
    %and3A_244 = arith.andi %add3A_241, %and3A_243 : vector<16xi32>
    %bitcast3A_245 = vector.bitcast %and3A_244 : vector<16xi32> to vector<16xf32>
    %swap3A_246 = arith.constant 80 : index
    %swap3A_247 = tpu.vector_load %arg10[%swap3A_246] {strides = array<i32>} : memref<128xf32, #tpu.memory_space<vmem>>, vector<16xf32>,
    tpu.vector_store %arg10[%swap3A_246], %bitcast3A_245 {strides = array<i32>} : memref<128xf32, #tpu.memory_space<vmem>>, vector<16xf32>,
    %bitcast3A_248 = vector.bitcast %scan3A_146#6 : vector<16xf32> to vector<16xi32>
    %shift_right_logical3A_249 = arith.constant 16 : i32
    %shift_right_logical3A_250 = vector.broadcast %shift_right_logical3A_249 : i32 to vector<16xi32>
    %shift_right_logical3A_251 = arith.shrui %bitcast3A_248, %shift_right_logical3A_250 : vector<16xi32>
    %and3A_252 = arith.constant 1 : i32
    %and3A_253 = vector.broadcast %and3A_252 : i32 to vector<16xi32>
    %and3A_254 = arith.andi %shift_right_logical3A_251, %and3A_253 : vector<16xi32>
    %add3A_255 = arith.addi %bitcast3A_248, %and3A_254 : vector<16xi32>
    %add3A_256 = arith.constant 32767 : i32
    %add3A_257 = vector.broadcast %add3A_256 : i32 to vector<16xi32>
    %add3A_258 = arith.addi %add3A_255, %add3A_257 : vector<16xi32>
    %and3A_259 = arith.constant -65536 : i32
    %and3A_260 = vector.broadcast %and3A_259 : i32 to vector<16xi32>
    %and3A_261 = arith.andi %add3A_258, %and3A_260 : vector<16xi32>
    %bitcast3A_262 = vector.bitcast %and3A_261 : vector<16xi32> to vector<16xf32>
    %swap3A_263 = arith.constant 96 : index
    %swap3A_264 = tpu.vector_load %arg10[%swap3A_263] {strides = array<i32>} : memref<128xf32, #tpu.memory_space<vmem>>, vector<16xf32>,
    tpu.vector_store %arg10[%swap3A_263], %bitcast3A_262 {strides = array<i32>} : memref<128xf32, #tpu.memory_space<vmem>>, vector<16xf32>,
    %bitcast3A_265 = vector.bitcast %scan3A_146#7 : vector<16xf32> to vector<16xi32>
    %shift_right_logical3A_266 = arith.constant 16 : i32
    %shift_right_logical3A_267 = vector.broadcast %shift_right_logical3A_266 : i32 to vector<16xi32>
    %shift_right_logical3A_268 = arith.shrui %bitcast3A_265, %shift_right_logical3A_267 : vector<16xi32>
    %and3A_269 = arith.constant 1 : i32
    %and3A_270 = vector.broadcast %and3A_269 : i32 to vector<16xi32>
    %and3A_271 = arith.andi %shift_right_logical3A_268, %and3A_270 : vector<16xi32>
    %add3A_272 = arith.addi %bitcast3A_265, %and3A_271 : vector<16xi32>
    %add3A_273 = arith.constant 32767 : i32
    %add3A_274 = vector.broadcast %add3A_273 : i32 to vector<16xi32>
    %add3A_275 = arith.addi %add3A_272, %add3A_274 : vector<16xi32>
    %and3A_276 = arith.constant -65536 : i32
    %and3A_277 = vector.broadcast %and3A_276 : i32 to vector<16xi32>
    %and3A_278 = arith.andi %add3A_275, %and3A_277 : vector<16xi32>
    %bitcast3A_279 = vector.bitcast %and3A_278 : vector<16xi32> to vector<16xf32>
    %swap3A_280 = arith.constant 112 : index
    %swap3A_281 = tpu.vector_load %arg10[%swap3A_280] {strides = array<i32>} : memref<128xf32, #tpu.memory_space<vmem>>, vector<16xf32>,
    tpu.vector_store %arg10[%swap3A_280], %bitcast3A_279 {strides = array<i32>} : memref<128xf32, #tpu.memory_space<vmem>>, vector<16xf32>,
    %broadcast_in_dim3A_282 = arith.constant 0xFF800000 : f32
    %broadcast_in_dim3A_283 = vector.broadcast %broadcast_in_dim3A_282 : f32 to vector<16xf32>
    %broadcast_in_dim3A_284 = arith.constant 0 : i32
    %broadcast_in_dim3A_285 = vector.broadcast %broadcast_in_dim3A_284 : i32 to vector<16xi32>
    %scan3A_286 = arith.constant 0 : i32
    %scan3A_287 = arith.constant 128 : i32
    %scan3A_288 = arith.addi %scan3A_286, %scan3A_287 : i32
    %scan3A_289 = arith.constant 2 : i32
    %scan3A_290:2 = scf.for %scan3A_326 = %scan3A_286 to %scan3A_288 step %scan3A_289 iter_args(%scan3A_327 = %broadcast_in_dim3A_283, %scan3A_328 = %broadcast_in_dim3A_285) -> (vector<16xf32>, vector<16xi32>)  : i32 {
      %mul3A_329 = arith.constant 16 : i32
      %mul3A_330 = arith.muli %scan3A_326, %mul3A_329 : i32
      %add3A_331 = vector.broadcast %mul3A_330 : i32 to vector<16xi32>
      %add3A_332 = arith.addi %add3A_331, %iota3A : vector<16xi32>
      %get3A = arith.index_cast %mul3A_330 : i32 to index
      %get3A_333 = tpu.vector_load %arg6[%get3A] {strides = array<i32>} : memref<2048xi32, #tpu.memory_space<vmem>>, vector<16xi32>,
      %gather3A = tpu.vector_load_idx %arg10[%get3A_333] : memref<128xf32, #tpu.memory_space<vmem>>[vector<16xi32>], vector<16xf32>,
      %gt3A = arith.cmpf ogt, %gather3A, %scan3A_327 : vector<16xf32>
      %select_n3A_334 = arith.select %gt3A, %gather3A, %scan3A_327 : vector<16xi1>, vector<16xf32>
      %select_n3A_335 = arith.select %gt3A, %add3A_332, %scan3A_328 : vector<16xi1>, vector<16xi32>
      %scan3A_336 = arith.constant 1 : i32
      %scan3A_337 = arith.addi %scan3A_326, %scan3A_336 : i32
      %mul3A_338 = arith.constant 16 : i32
      %mul3A_339 = arith.muli %scan3A_337, %mul3A_338 : i32
      %add3A_340 = vector.broadcast %mul3A_339 : i32 to vector<16xi32>
      %add3A_341 = arith.addi %add3A_340, %iota3A : vector<16xi32>
      %get3A_342 = arith.index_cast %mul3A_339 : i32 to index
      %get3A_343 = tpu.vector_load %arg6[%get3A_342] {strides = array<i32>} : memref<2048xi32, #tpu.memory_space<vmem>>, vector<16xi32>,
      %gather3A_344 = tpu.vector_load_idx %arg10[%get3A_343] : memref<128xf32, #tpu.memory_space<vmem>>[vector<16xi32>], vector<16xf32>,
      %gt3A_345 = arith.cmpf ogt, %gather3A_344, %select_n3A_334 : vector<16xf32>
      %select_n3A_346 = arith.select %gt3A_345, %gather3A_344, %select_n3A_334 : vector<16xi1>, vector<16xf32>
      %select_n3A_347 = arith.select %gt3A_345, %add3A_341, %select_n3A_335 : vector<16xi1>, vector<16xi32>
      scf.yield %select_n3A_346, %select_n3A_347 : vector<16xf32>, vector<16xi32>
    }
    %scan3A_291 = arith.constant 128 : i32
    %reduce_max3A = arith.constant true
    %reduce_max3A_292 = vector.broadcast %reduce_max3A : i1 to vector<16xi1>
    %reduce_max3A_293 = tpu.scan <max>, %scan3A_290#0 masked %reduce_max3A_292 : vector<16xf32>, vector<16xi1> -> vector<16xf32>
    %reduce_max3A_294 = vector.extract %reduce_max3A_293[15] : f32 from vector<16xf32>
    %eq3A_295 = vector.broadcast %reduce_max3A_294 : f32 to vector<16xf32>
    %eq3A_296 = arith.cmpf oeq, %scan3A_290#0, %eq3A_295 : vector<16xf32>
    %jit3A_297 = arith.constant 1073741824 : i32
    %broadcast_in_dim3A_298 = vector.broadcast %jit3A_297 : i32 to vector<16xi32>
    %select_n3A_299 = arith.select %eq3A_296, %scan3A_290#1, %broadcast_in_dim3A_298 : vector<16xi1>, vector<16xi32>
    %reduce_min3A_300 = arith.constant true
    %reduce_min3A_301 = vector.broadcast %reduce_min3A_300 : i1 to vector<16xi1>
    %reduce_min3A_302 = arith.constant -2147483648 : i32
    %reduce_min3A_303 = vector.broadcast %reduce_min3A_302 : i32 to vector<16xi32>
    %reduce_min3A_304 = arith.xori %select_n3A_299, %reduce_min3A_303 : vector<16xi32>
    %reduce_min3A_305 = tpu.scan <min>, %reduce_min3A_304 masked %reduce_min3A_301 : vector<16xi32>, vector<16xi1> -> vector<16xi32>
    %reduce_min3A_306 = arith.xori %reduce_min3A_305, %reduce_min3A_303 : vector<16xi32>
    %reduce_min3A_307 = vector.extract %reduce_min3A_306[15] : i32 from vector<16xi32>
    %sub3A_308 = arith.subi %reduce_sum3A_29, %sub3A_113 : i32
    %max3A_309 = arith.constant 0 : i32
    %max3A_310 = arith.maxsi %sub3A_308, %max3A_309 : i32
    %jit3A_311 = arith.constant 0 : i32
    %max3A_312 = arith.maxsi %jit3A_311, %reduce_min3A_307 : i32
    %min3A = arith.minsi %max3A_310, %max3A_312 : i32
    %min3A_313 = arith.minsi %reduce_sum3A_29, %select_n3A_55 : i32
    %sub3A_314 = arith.subi %min3A_313, %sub3A_113 : i32
    %add3A_315 = arith.constant 1 : i32
    %add3A_316 = arith.addi %select_n3A_55, %add3A_315 : i32
    %mul3A_317 = arith.constant 1024 : i32
    %mul3A_318 = arith.muli %arg0, %mul3A_317 : i32
    %scan3A_319 = arith.constant 0 : i32
    %scan3A_320 = arith.constant 0 : i32
    %scan3A_321 = arith.constant 64 : i32
    %scan3A_322 = arith.addi %scan3A_320, %scan3A_321 : i32
    %scan3A_323 = arith.constant 2 : i32
    %scan3A_324 = scf.for %scan3A_326 = %scan3A_320 to %scan3A_322 step %scan3A_323 iter_args(%scan3A_327 = %scan3A_319) -> (i32)  : i32 {
      %mul3A_328 = arith.constant 16 : i32
      %mul3A_329 = arith.muli %scan3A_326, %mul3A_328 : i32
      %add3A_330 = arith.addi %mul3A_318, %mul3A_329 : i32
      %add3A_331 = vector.broadcast %add3A_330 : i32 to vector<16xi32>
      %add3A_332 = arith.addi %add3A_331, %iota3A : vector<16xi32>
      %get3A = arith.index_cast %add3A_330 : i32 to index
      %get3A_333 = tpu.vector_load %arg6[%get3A] {strides = array<i32>} : memref<2048xi32, #tpu.memory_space<vmem>>, vector<16xi32>,
      %sub3A_334 = vector.broadcast %min3A : i32 to vector<16xi32>
      %sub3A_335 = arith.subi %add3A_332, %sub3A_334 : vector<16xi32>
      %add3A_336 = vector.broadcast %add3A_316 : i32 to vector<16xi32>
      %add3A_337 = arith.addi %add3A_336, %sub3A_335 : vector<16xi32>
      %jit3A_338 = arith.constant 0 : i32
      %jit3A_339 = arith.constant 2047 : i32
      %max3A_340 = vector.broadcast %jit3A_338 : i32 to vector<16xi32>
      %max3A_341 = arith.maxsi %max3A_340, %add3A_337 : vector<16xi32>
      %min3A_342 = vector.broadcast %jit3A_339 : i32 to vector<16xi32>
      %min3A_343 = arith.minsi %min3A_342, %max3A_341 : vector<16xi32>
      %gather3A = tpu.vector_load_idx %arg7[%min3A_343] : memref<2048xi32, #tpu.memory_space<vmem>>[vector<16xi32>], vector<16xi32>,
      %add3A_344 = vector.broadcast %sub3A_314 : i32 to vector<16xi32>
      %add3A_345 = arith.addi %add3A_332, %add3A_344 : vector<16xi32>
      %jit3A_346 = arith.constant 0 : i32
      %jit3A_347 = arith.constant 2047 : i32
      %max3A_348 = vector.broadcast %jit3A_346 : i32 to vector<16xi32>
      %max3A_349 = arith.maxsi %max3A_348, %add3A_345 : vector<16xi32>
      %min3A_350 = vector.broadcast %jit3A_347 : i32 to vector<16xi32>
      %min3A_351 = arith.minsi %min3A_350, %max3A_349 : vector<16xi32>
      %gather3A_352 = tpu.vector_load_idx %arg6[%min3A_351] : memref<2048xi32, #tpu.memory_space<vmem>>[vector<16xi32>], vector<16xi32>,
      %add3A_353 = vector.broadcast %sub3A_314 : i32 to vector<16xi32>
      %add3A_354 = arith.addi %add3A_332, %add3A_353 : vector<16xi32>
      %lt3A_355 = vector.broadcast %reduce_sum3A_29 : i32 to vector<16xi32>
      %lt3A_356 = arith.cmpi slt, %add3A_354, %lt3A_355 : vector<16xi32>
      %jit3A_357 = arith.constant 0 : i32
      %broadcast_in_dim3A_358 = vector.broadcast %jit3A_357 : i32 to vector<16xi32>
      %select_n3A_359 = arith.select %lt3A_356, %gather3A_352, %broadcast_in_dim3A_358 : vector<16xi1>, vector<16xi32>
      %lt3A_360 = vector.broadcast %min3A : i32 to vector<16xi32>
      %lt3A_361 = arith.cmpi slt, %add3A_332, %lt3A_360 : vector<16xi32>
      %add3A_362 = arith.addi %min3A, %sub3A_113 : i32
      %lt3A_363 = vector.broadcast %add3A_362 : i32 to vector<16xi32>
      %lt3A_364 = arith.cmpi slt, %add3A_332, %lt3A_363 : vector<16xi32>
      %select_n3A_365 = arith.select %lt3A_364, %gather3A, %select_n3A_359 : vector<16xi1>, vector<16xi32>
      %select_n3A_366 = arith.select %lt3A_361, %get3A_333, %select_n3A_365 : vector<16xi1>, vector<16xi32>
      %select_n3A_367 = arith.select %and3A_110, %select_n3A_366, %get3A_333 : vector<16xi32>
      %mul3A_368 = arith.constant 16 : i32
      %mul3A_369 = arith.muli %scan3A_326, %mul3A_368 : i32
      %swap3A_370 = arith.index_cast %mul3A_369 : i32 to index
      %swap3A_371 = tpu.vector_load %arg11[%swap3A_370] {strides = array<i32>} : memref<1024xi32, #tpu.memory_space<vmem>>, vector<16xi32>,
      tpu.vector_store %arg11[%swap3A_370], %select_n3A_367 {strides = array<i32>} : memref<1024xi32, #tpu.memory_space<vmem>>, vector<16xi32>,
      %scan3A_372 = arith.constant 0 : i32
      %scan3A_373 = arith.constant 1 : i32
      %scan3A_374 = arith.addi %scan3A_326, %scan3A_373 : i32
      %mul3A_375 = arith.constant 16 : i32
      %mul3A_376 = arith.muli %scan3A_374, %mul3A_375 : i32
      %add3A_377 = arith.addi %mul3A_318, %mul3A_376 : i32
      %add3A_378 = vector.broadcast %add3A_377 : i32 to vector<16xi32>
      %add3A_379 = arith.addi %add3A_378, %iota3A : vector<16xi32>
      %get3A_380 = arith.index_cast %add3A_377 : i32 to index
      %get3A_381 = tpu.vector_load %arg6[%get3A_380] {strides = array<i32>} : memref<2048xi32, #tpu.memory_space<vmem>>, vector<16xi32>,
      %sub3A_382 = vector.broadcast %min3A : i32 to vector<16xi32>
      %sub3A_383 = arith.subi %add3A_379, %sub3A_382 : vector<16xi32>
      %add3A_384 = vector.broadcast %add3A_316 : i32 to vector<16xi32>
      %add3A_385 = arith.addi %add3A_384, %sub3A_383 : vector<16xi32>
      %jit3A_386 = arith.constant 0 : i32
      %jit3A_387 = arith.constant 2047 : i32
      %max3A_388 = vector.broadcast %jit3A_386 : i32 to vector<16xi32>
      %max3A_389 = arith.maxsi %max3A_388, %add3A_385 : vector<16xi32>
      %min3A_390 = vector.broadcast %jit3A_387 : i32 to vector<16xi32>
      %min3A_391 = arith.minsi %min3A_390, %max3A_389 : vector<16xi32>
      %gather3A_392 = tpu.vector_load_idx %arg7[%min3A_391] : memref<2048xi32, #tpu.memory_space<vmem>>[vector<16xi32>], vector<16xi32>,
      %add3A_393 = vector.broadcast %sub3A_314 : i32 to vector<16xi32>
      %add3A_394 = arith.addi %add3A_379, %add3A_393 : vector<16xi32>
      %jit3A_395 = arith.constant 0 : i32
      %jit3A_396 = arith.constant 2047 : i32
      %max3A_397 = vector.broadcast %jit3A_395 : i32 to vector<16xi32>
      %max3A_398 = arith.maxsi %max3A_397, %add3A_394 : vector<16xi32>
      %min3A_399 = vector.broadcast %jit3A_396 : i32 to vector<16xi32>
      %min3A_400 = arith.minsi %min3A_399, %max3A_398 : vector<16xi32>
      %gather3A_401 = tpu.vector_load_idx %arg6[%min3A_400] : memref<2048xi32, #tpu.memory_space<vmem>>[vector<16xi32>], vector<16xi32>,
      %add3A_402 = vector.broadcast %sub3A_314 : i32 to vector<16xi32>
      %add3A_403 = arith.addi %add3A_379, %add3A_402 : vector<16xi32>
      %lt3A_404 = vector.broadcast %reduce_sum3A_29 : i32 to vector<16xi32>
      %lt3A_405 = arith.cmpi slt, %add3A_403, %lt3A_404 : vector<16xi32>
      %jit3A_406 = arith.constant 0 : i32
      %broadcast_in_dim3A_407 = vector.broadcast %jit3A_406 : i32 to vector<16xi32>
      %select_n3A_408 = arith.select %lt3A_405, %gather3A_401, %broadcast_in_dim3A_407 : vector<16xi1>, vector<16xi32>
      %lt3A_409 = vector.broadcast %min3A : i32 to vector<16xi32>
      %lt3A_410 = arith.cmpi slt, %add3A_379, %lt3A_409 : vector<16xi32>
      %add3A_411 = arith.addi %min3A, %sub3A_113 : i32
      %lt3A_412 = vector.broadcast %add3A_411 : i32 to vector<16xi32>
      %lt3A_413 = arith.cmpi slt, %add3A_379, %lt3A_412 : vector<16xi32>
      %select_n3A_414 = arith.select %lt3A_413, %gather3A_392, %select_n3A_408 : vector<16xi1>, vector<16xi32>
      %select_n3A_415 = arith.select %lt3A_410, %get3A_381, %select_n3A_414 : vector<16xi1>, vector<16xi32>
      %select_n3A_416 = arith.select %and3A_110, %select_n3A_415, %get3A_381 : vector<16xi32>
      %mul3A_417 = arith.constant 16 : i32
      %mul3A_418 = arith.muli %scan3A_374, %mul3A_417 : i32
      %swap3A_419 = arith.index_cast %mul3A_418 : i32 to index
      %swap3A_420 = tpu.vector_load %arg11[%swap3A_419] {strides = array<i32>} : memref<1024xi32, #tpu.memory_space<vmem>>, vector<16xi32>,
      tpu.vector_store %arg11[%swap3A_419], %select_n3A_416 {strides = array<i32>} : memref<1024xi32, #tpu.memory_space<vmem>>, vector<16xi32>,
      %scan3A_421 = arith.constant 0 : i32
      scf.yield %scan3A_421 : i32
    }
    %scan3A_325 = arith.constant 64 : i32
    "tpu.region"() ({
      %run_scoped3A = tpu.sem_alloc : memref<!tpu.dma_semaphore, #tpu.memory_space<semaphore_mem>>
      %dma_start3A = tpu.memref_slice %arg5[%arg1, %mul3A_318] : memref<16x2048xi32, #tpu.memory_space<hbm>> -> memref<1x1024xi32, #tpu.memory_space<hbm>>
      %dma_start3A_326 = tpu.memref_squeeze %dma_start3A : memref<1x1024xi32, #tpu.memory_space<hbm>> -> memref<1024xi32, #tpu.memory_space<hbm>>
      %dma_start3A_327 = tpu.memref_slice %arg5[%arg1, %mul3A_318] : memref<16x2048xi32, #tpu.memory_space<hbm>> -> memref<1x1024xi32, #tpu.memory_space<hbm>>
      %dma_start3A_328 = tpu.memref_squeeze %dma_start3A_327 : memref<1x1024xi32, #tpu.memory_space<hbm>> -> memref<1024xi32, #tpu.memory_space<hbm>>
      tpu.enqueue_dma source(%arg11 : memref<1024xi32, #tpu.memory_space<vmem>>) target(%dma_start3A_328 : memref<1024xi32, #tpu.memory_space<hbm>>) target_semaphore(%run_scoped3A : memref<!tpu.dma_semaphore, #tpu.memory_space<semaphore_mem>>)
      %dma_wait3A = tpu.memref_slice %arg5[%arg1, %mul3A_318] : memref<16x2048xi32, #tpu.memory_space<hbm>> -> memref<1x1024xi32, #tpu.memory_space<hbm>>
      %dma_wait3A_329 = tpu.memref_squeeze %dma_wait3A : memref<1x1024xi32, #tpu.memory_space<hbm>> -> memref<1024xi32, #tpu.memory_space<hbm>>
      %dma_wait3A_330 = tpu.memref_slice %arg5[%arg1, %mul3A_318] : memref<16x2048xi32, #tpu.memory_space<hbm>> -> memref<1x1024xi32, #tpu.memory_space<hbm>>
      %dma_wait3A_331 = tpu.memref_squeeze %dma_wait3A_330 : memref<1x1024xi32, #tpu.memory_space<hbm>> -> memref<1024xi32, #tpu.memory_space<hbm>>
      tpu.wait_dma2 semaphore(%run_scoped3A : memref<!tpu.dma_semaphore, #tpu.memory_space<semaphore_mem>>) src(%arg11 : memref<1024xi32, #tpu.memory_space<vmem>>) dst(%dma_wait3A_331 : memref<1024xi32, #tpu.memory_space<hbm>>)
      tpu.yield
    }) : () -> ()
    return
  }
}

</mosaic_0001>

<sc_bundles>
// kernel: _sc_splice.3.cloned.1.call-start
scs
__scs_entry_jumppad:
0x0: {  	(pc) =	sbr.rel $0x88, $3  }
0x1: {  	(tag) =	ssettag $0x0;
	lr =	simm.s32 $0x1  }
0x2: {  	[smem:$0x3F9E] =	sst lr;
	_ =	strace $0xD0000000  }
0x3: {  	_ = 	snop  }
0x4: {  	_ = 	snop  }
0x5: {  	_ = 	snop  }
0x6: {  	_ = 	snop  }
0x7: {  	_ = 	snop  }
__scs_overlays_trampoline_lowered:
0x8: {  	[smem:$0x3FAD] =	sst s0  }
0x9: {  	[smem:$0x3FAE] =	sst s1  }
0xa: {  	[smem:$0x3FAF] =	sst s2  }
0xb: {  	[smem:$0x3FB0] =	sst s3  }
0xc: {  	[smem:$0x3FB1] =	sst s4  }
0xd: {  	[smem:$0x3FB2] =	sst s5  }
0xe: {  	[smem:$0x3FB3] =	sst s6  }
0xf: {  	[smem:$0x3FB4] =	sst s7  }
0x10: {  	[smem:$0x3FB5] =	sst s8  }
0x11: {  	[smem:$0x3FB6] =	sst s9;
	s0 =	simm.s32 @!p0 $0x0  }
0x12: {  	s1 =	sld [smem:$0x3F9C];
	s0 =	simm.s32 @p0 $0x1  }
0x13: {  	[smem:$0x3FB7] =	sst s0;
	s0 =	simm.s32 @!p1 $0x0  }
0x14: {  	s2 =	sld [smem:$0x3F9B];
	s0 =	simm.s32 @p1 $0x1  }
0x15: {  	[smem:$0x3FB8] =	sst s0;
	s0 =	simm.s32 @!p2 $0x0  }
0x16: {  	s3 =	sld [smem:$0x3FDB];
	s0 =	simm.s32 @p2 $0x1  }
0x17: {  	s4 =	simm.s32 $0x1BF5;
	[smem:$0x3FBA] =	sst s0  }
0x18: {  	s0 =	sld [smem:$0x3F9D];
	_ =	swait.ge [sflag:s4], $0x0  }
0x19: {  	s7 =	sld [smem:$0x3F9E]  }
0x1a: {  	s8 =	sadd.s32 $0xFFFFE003, lr  }
0x1b: {  	s9 =	sadd.s32 $0xFFFFFEF7, lr;
	s5 =	simm.s32 $0xFFFFFFFF;
	p2 =	slt.u32 s8, $0xFFFFF086  }
0x1c: {  	p1 =	slt.u32 s9, $0xF7A;
	s5 =	simm.s32 @!p2 $0x0  }
0x1d: {  	s5 =	simm.s32 @p1 $0x1;
	p0 =	seq.s32 s7, s2  }
0x1e: {  	s7 =	smul.u32 @!p0 $0xF7A, s2;
	p2 =	seq.s32 @!p0 s5, $0x0  }
0x1f: {  	s9 =	smul.u32 $0xF7A, s1;
	s8 =	simm.s32 @!p0 $0x1BF5;
	p2 =	por !p2, p0  }
0x20: {  	[sflag:s8] =	ssyncset.s32 @!p0 $0xFFFFF086;
	s6 =	sadd.s32 @!p0 s3, s7;
	s7 =	simm.s32 @!p0 $0x108  }
0x21: {  	s3 =	sadd.s32 s3, s9;
	s6 =	sadd.s32 @!p0 $0x88, s6;
	s7 =	simm.s32 @p2 $0x1082  }
0x22: {  	[simem:s7], [sflag:s8] =	dma.local @!p0 [hbm:s6], $0xF7A  }
0x23: {  	s9 =	sor.u32 $0xD0000000, s2;
	s6 =	simm.s32 $0x108;
	_ =	swait.ge @!p0 [sflag:s8], $0x0  }
0x24: {  	s3 =	sadd.s32 $0x88, s3;
	s6 =	simm.s32 @!p1 $0x1082;
	[sflag:s4] =	ssyncset.s32 $0xFFFFF086  }
0x25: {  	[simem:s6], [sflag:s4] =	dma.local [hbm:s3], $0xF7A  }
0x26: {  	[smem:$0x3F9E] =	sst s1;
	(tag) =	ssettag s2;
	_ =	strace s9  }
0x27: {  	s1 =	sld [smem:$0x3FAE]  }
0x28: {  	s2 =	sld [smem:$0x3FAF]  }
0x29: {  	s4 =	sld [smem:$0x3FB1]  }
0x2a: {  	p0 =	seq.s32 s5, $0x0;
	s5 =	sld [smem:$0x3FB2]  }
0x2b: {  	s6 =	sld [smem:$0x3FB3]  }
0x2c: {  	s7 =	sld [smem:$0x3FB4]  }
0x2d: {  	s3 =	simm.s32 $0x108;
	s8 =	sld [smem:$0x3FB5]  }
0x2e: {  	s3 =	simm.s32 @!p0 $0x1082;
	s9 =	sld [smem:$0x3FB6]  }
0x2f: {  	lr =	sadd.s32 s0, s3;
	s0 =	sld [smem:$0x3FAD]  }
0x30: {  	s3 =	sld [smem:$0x3FB0]  }
0x31: {  	[smem:$0x3FB9] =	sst s10  }
0x32: {  	s10 =	sld [smem:$0x3FB7];
	_ =	sdelay $0x3  }
0x33: {  	p0 =	seq.s32 s10, $0x1;
	s10 =	sld [smem:$0x3FB9];
	_ =	sdelay $0x3  }
0x34: {  	[smem:$0x3FB9] =	sst s10  }
0x35: {  	s10 =	sld [smem:$0x3FB8];
	_ =	sdelay $0x3  }
0x36: {  	p1 =	seq.s32 s10, $0x1;
	s10 =	sld [smem:$0x3FB9];
	_ =	sdelay $0x3  }
0x37: {  	[smem:$0x3FB9] =	sst s10  }
0x38: {  	s10 =	sld [smem:$0x3FBA]  }
0x39: {  	_ = 	snop;
	(pc) =	sbr.ind lr, $3  }
0x3a: {  	_ = 	snop  }
0x3b: {  	_ = 	snop  }
0x3c: {  	p2 =	seq.s32 s10, $0x1;
	s10 =	sld [smem:$0x3FB9]  }
0x3d: {  	_ =	shalt  }
0x3e: {  	_ =	shalt  }
0x3f: {  	_ =	shalt  }
0x40: {  	_ =	shalt  }
0x41: {  	_ =	shalt  }
0x42: {  	_ =	shalt  }
0x43: {  	_ =	shalt  }
0x44: {  	_ =	shalt  }
0x45: {  	_ =	shalt  }
0x46: {  	_ =	shalt  }
0x47: {  	_ =	shalt  }
0x48: {  	_ =	shalt  }
0x49: {  	_ =	shalt  }
0x4a: {  	_ =	shalt  }
0x4b: {  	_ =	shalt  }
0x4c: {  	_ =	shalt  }
0x4d: {  	_ =	shalt  }
0x4e: {  	_ =	shalt  }
0x4f: {  	_ =	shalt  }
0x50: {  	_ =	shalt  }
0x51: {  	_ =	shalt  }
0x52: {  	_ =	shalt  }
0x53: {  	_ =	shalt  }
0x54: {  	_ =	shalt  }
0x55: {  	_ =	shalt  }
0x56: {  	_ =	shalt  }
0x57: {  	_ =	shalt  }
0x58: {  	_ =	shalt  }
0x59: {  	_ =	shalt  }
0x5a: {  	_ =	shalt  }
0x5b: {  	_ =	shalt  }
0x5c: {  	_ =	shalt  }
0x5d: {  	_ =	shalt  }
0x5e: {  	_ =	shalt  }
0x5f: {  	_ =	shalt  }
0x60: {  	_ =	shalt  }
0x61: {  	_ =	shalt  }
0x62: {  	_ =	shalt  }
0x63: {  	_ =	shalt  }
0x64: {  	_ =	shalt  }
0x65: {  	_ =	shalt  }
0x66: {  	_ =	shalt  }
0x67: {  	_ =	shalt  }
0x68: {  	_ =	shalt  }
0x69: {  	_ =	shalt  }
0x6a: {  	_ =	shalt  }
0x6b: {  	_ =	shalt  }
0x6c: {  	_ =	shalt  }
0x6d: {  	_ =	shalt  }
0x6e: {  	_ =	shalt  }
0x6f: {  	_ =	shalt  }
0x70: {  	_ =	shalt  }
0x71: {  	_ =	shalt  }
0x72: {  	_ =	shalt  }
0x73: {  	_ =	shalt  }
0x74: {  	_ =	shalt  }
0x75: {  	_ =	shalt  }
0x76: {  	_ =	shalt  }
0x77: {  	_ =	shalt  }
0x78: {  	_ =	shalt  }
0x79: {  	_ =	shalt  }
0x7a: {  	_ =	shalt  }
0x7b: {  	_ =	shalt  }
0x7c: {  	_ =	shalt  }
0x7d: {  	_ =	shalt  }
0x7e: {  	_ =	shalt  }
0x7f: {  	_ =	shalt  }
0x80: {  	_ =	shalt  }
0x81: {  	_ =	shalt  }
0x82: {  	_ =	shalt  }
0x83: {  	_ =	shalt  }
0x84: {  	_ =	shalt  }
0x85: {  	_ =	shalt  }
0x86: {  	_ =	shalt  }
0x87: {  	_ =	shalt  }
.Lfunc_end0:
.L_simem_size_0:
called_computation_lowered:
.L_overlay_start_0:
0x88: {  	s2 =	sld [smem:$0x3FD9]  }
0x89: {  	s3 =	sld [smem:$0x3FFE];
	_ =	sdelay $0x1  }
0x8a: {  	s1 =	srdreg.scid  }
0x8b: {  	s0 =	sand.u32 $0x1, s1  }
0x8c: {  	s18 =	sshll.u32 s0, $0xA;
	s2 =	sadd.s32 s3, s2  }
0x8d: {  	s2 =	sadd.s32 s2, s18  }
0x8e: {  	[smem:$0x3FC5] =	sst s2  }
0x8f: {  	_ = 	snop  }
0x90: {  	s2 =	sld [smem:$0x3FC9]  }
0x91: {  	s19 =	sld [smem:$0x3FC8]  }
0x92: {  	s4 =	sld [smem:$0x3FC7]  }
0x93: {  	s5 =	sld [smem:$0x3FD0];
	(tm) =	ssettm $0x1  }
0x94: {  	s6 =	sld [smem:$0x3FFB];
	_ =	sdelay $0x3  }
0x95: {  	_ =	strace s6  }
0x96: {  	s6 =	sld [smem:$0x3FFC];
	_ =	sdelay $0x3  }
0x97: {  	_ =	strace s6  }
0x98: {  	s6 =	sld [smem:$0x3FFD];
	_ =	sdelay $0x3  }
0x99: {  	_ =	strace s6  }
0x9a: {  	_ =	strace $0x8FFFFFFF  }
0x9b: {  	s20 =	sld [smem:$0x3FDB];
	_ =	sdelay $0x1  }
0x9c: {  	s7 =	simm.s32 $_scs_section_size  }
0x9d: {  	s8 =	simm.s32 $_size__tile_overlayer_lowered;
	s9 =	simm.s32 $_tile_overlayer_lowered  }
0x9e: {  	s23 =	simm.s32 $0x1BFF;
	s22 =	sshll.u32 s9, $0x1;
	s6 =	sadd.s32 s7, s20  }
0x9f: {  	s10 =	simm.s32 $0x0;
	s21 =	sshll.u32 s8, $0x1;
	s8 =	sadd.s32 s22, s6  }
0xa0: {  	[timem:s10], [sflag:s23] =	dma.local [hbm:s8], s21  }
0xa1: {  	_ =	swait.ge [sflag:s23], s21  }
0xa2: {  	s7 =	ssub.s32 $0x0, s21;
	[sflag:s23] =	ssyncset.done $0x0  }
0xa3: {  	[sflag:s23] =	ssyncadd.s32 s7;
	_ =	sdelay $0x1  }
0xa4: {  	s24 =	simm.s32 $0x1B8B  }
0xa5: {  	_ =	swait.ge [sflag:s24], $0x1  }
0xa6: {  	[sflag:s24] =	ssyncset.done $0x0  }
0xa7: {  	s25 =	simm.s32 $0x1B8E;
	[sflag:s24] =	ssyncadd.s32 $0xFFFFFFFF  }
0xa8: {  	s26 =	simm.s32 $execute0_lowered;
	[smem:$0x3FD2] =	sst s25  }
0xa9: {  	s7 =	sshll.u32 s26, $0x1;
	_ =	strace $0x80000046;
	[dreg:$0x1] =	wrdreg $0xFFFFFFFF  }
0xaa: {  	s28 =	simm.s32 $_size_execute0_lowered;
	s6 =	sadd.s32 s6, s7;
	[dreg:$0x0] =	wrdreg $0x0  }
0xab: {  	s7 =	sshll.u32 s28, $0x1;
	[dreg:$0x2] =	wrdreg s6  }
0xac: {  	[dreg:$0x3] =	wrdreg s7  }
0xad: {  	[dreg:$0x4] =	wrdreg $0xC0  }
0xae: {  	_ =	task [dreg:s10], $0x5FFFF  }
0xaf: {  	[dreg:$0x1] =	wrdreg $0xFFFFFFFF  }
0xb0: {  	[dreg:$0x0] =	wrdreg $0x60  }
0xb1: {  	[dreg:$0x2] =	wrdreg s2  }
0xb2: {  	[dreg:$0x3] =	wrdreg s19  }
0xb3: {  	[dreg:$0x4] =	wrdreg s4  }
0xb4: {  	[dreg:$0x5] =	wrdreg s5  }
0xb5: {  	[dreg:$0x6] =	wrdreg $0x56800  }
0xb6: {  	[dreg:$0x7] =	wrdreg $0x9  }
0xb7: {  	_ =	task.clear_ibuf [dreg:s10], $0x8FFFF;
	_ =	strace $0x90000046  }
0xb8: {  	s29 =	simm.s32 $0x9;
	_ =	strace $0x80000048  }
0xb9: {  	_ =	swait.ge [sflag:s29], $0x1  }
0xba: {  	[sflag:s29] =	ssyncadd.s32 $0xFFFFFFFF  }
0xbb: {  	_ =	strace $0x90000048  }
0xbc: {  	_ =	sfence  }
0xbd: {  	s30 =	sld [smem:$0x0];
	_ =	sdelay $0x2  }
0xbe: {  	s31 =	sshll.u32 s1, $0xD;
	s1 =	sshrl.u32 s1, $0x2  }
0xbf: {  	s3 =	sand.u32 $0x4000, s31;
	s1 =	sadd.s32 s1, s30  }
0xc0: {  	s0 =	sor.u32 s3, s0;
	s1 =	sshll.u32 s1, $0x11  }
0xc1: {  	s0 =	sor.u32 s1, s0  }
0xc2: {  	s0 =	sadd.s32 $0x8F2B, s0  }
0xc3: {  	[sflag:s0] =	ssyncadd.remote.s32 $0x1  }
0xc4: {  	_ =	sfence.sel $0xFFFF  }
0xc5: {  	[dreg:$0x0] =	wrdreg $0xFFFFFFFF;
	(pc) =	sbr.abs _section_cstart, $3  }
0xc6: {  	[dreg:$0x1] =	wrdreg $0xFFFFFFFF  }
0xc7: {  	_ =	task.clear_ibuf [dreg:s10], $0x2FFFF;
	_ =	strace $0x9FFFFFFF  }
0xc8: {  	(tm) =	ssettm $0x7FFFFFFF  }
0xc9: {  	_ =	shalt  }
tec
execute0_lowered:
.L_overlay_start_1:
0x0: {  	(tag) =	ssettag $0x1  }
0x1: {  	s0 =	rddreg [dreg:$0x0]  }
0x2: {  	s6 =	rddreg [dreg:$0x1]  }
0x3: {  	s1 =	rddreg [dreg:$0x2]  }
0x4: {  	s9 =	rddreg [dreg:$0x3]  }
0x5: {  	s3 =	rddreg [dreg:$0x4]  }
0x6: {  	s4 =	simm.s32 $0x0;
	s5 =	srdreg.scid;
	s2 =	stileid.u32  }
0x7: {  	s13 =	simm.s32 $0x400;
	s14 =	simm.s32 $0x2;
	s15 =	simm.s32 $0x800  }
0x8: {  	s16 =	simm.s32 $0x5000;
	s17 =	simm.s32 $0x5500;
	s18 =	simm.s32 $0x5580  }
0x9: {  	s19 =	simm.s32 $0x1;
	s20 =	simm.s32 $0x5080;
	s21 =	simm.s32 $0x5100  }
0xa: {  	s22 =	simm.s32 $0x0;
	s8 =	sand.u32 $0x1, s5;
	s26 =	sshll.u32 s2, $0xB  }
0xb: {  	s7 =	sshll.u32 s2, $0x7;
	[smem:$0x7FF] =	sst s4;
	s30 =	sshll.u32 s2, $0x4  }
0xc: {  	s10 =	ssub.s32 $0x2, s8;
	s5 =	sor.u32 s7, s26;
	_ =	strace $0x80000047  }
0xd: {  	s12 =	sshll.u32 s8, $0xD;
	s7 =	sadd.s32 s30, s3;
	s28 =	sshrl.u32 s10, $0x1  }
0xe: {  	s8 =	sshll.u32 s8, $0xA;
	s11 =	sand.u32 $0x4380, s5;
	s10 =	ssub.s32 s10, s28  }
0xf: {  	s29 =	sshrl.u32 s11, $0x3;
	s11 =	sor.u32 s12, s11;
	s12 =	simm.s32 $0x80  }
0x10: {  	s5 =	sadd.s32 s0, s29;
	s6 =	sadd.s32 s6, s29;
	s31 =	sshrl.u32 s11, $0x3  }
0x11: {  	vm0 =	vmxor vm0, vm0;
	v14 =	vlaneseq.u32;
	v11 =	vimm.s32 $0x0;
	s10 =	smax.u32 s10, $0x1;
	s11 =	simm.s32 $0x1000;
	s9 =	sadd.s32 s9, s31  }
.LBB2_1:
0x12: {  	[tilespmem:s11], [sflag:$0x1] =	stream.linear.gather [hbm4b:s1+s4], $0x4000, $0x38;
	[tilespmem:$0x5690] =	vst v63  }
0x13: {  	_ = 	snop  }
0x14: {  	[tilespmem:s4], [sflag:$0x2] =	stream.strided.gather [hbm4b:s5+s12], $0x800, s13, s12, $0x38;
	[tilespmem:$0x5690] =	vst v63  }
0x15: {  	_ =	swait.ge [sflag:s14], $0x800  }
0x16: {  	[sflag:s14] =	ssyncset.done $0x0  }
0x17: {  	[sflag:s14] =	ssyncadd.s32 $0xFFFFF800  }
0x18: {  	[tilespmem:s15], [sflag:$0x2] =	stream.strided.gather [hbm4b:s6+s12], $0x800, s13, s12, $0x38;
	[tilespmem:$0x5690] =	vst v63  }
0x19: {  	_ =	swait.ge [sflag:s14], $0x800  }
0x1a: {  	[sflag:s14] =	ssyncset.done $0x0  }
0x1b: {  	s0 =	simm.s32 $0x810;
	[sflag:s14] =	ssyncadd.s32 $0xFFFFF800  }
0x1c: {  	v2 =	vld [tilespmem:s0+$0x0]  }
0x1d: {  	s23 =	simm.s32 $0x10;
	v3 =	vld [tilespmem:s0+$0xFFFFFFF0]  }
0x1e: {  	v0 =	vld [tilespmem:s23+$0xFFFFFFF0];
	_ =	sdelay $0x2  }
0x1f: {  	s31 =	simm.s32 $0x0;
	v1 =	vimm.s32 $0x40000000;
	v5 =	vor.u32 s23, v14;
	v7 =	vld [tilespmem:s23+$0x0]  }
0x20: {  	v8 =	vor.u32 s31, v14;
	vm1 =	veq.s32 v2, $0x1;
	vm2 =	veq.s32 v3, $0x1  }
0x21: {  	vm3 =	veq.s32 v3, $0x2;
	vm4 =	veq.s32 v2, $0x2;
	vm6 =	vne.s32 v0, $0x0  }
0x22: {  	vm5 =	veq.s32 v0, $0x2;
	v3 =	vimm.s32 $0x40000000;
	v2 =	vimm.s32 $0x0  }
0x23: {  	v6 =	vnsel vm2, $0x40000000, v8;
	v4 =	vnsel vm1, $0x40000000, v5;
	v5 =	vnsel vm4, $0x40000000, v5  }
0x24: {  	v8 =	vnsel vm3, $0x40000000, v8;
	vm4 =	veq.s32 v7, $0x2;
	vm3 =	veq.s32 v7, $0x1  }
0x25: {  	vm1 =	vne.s32 v7, $0x0;
	vm2 =	vmmov vm0;
	vm7 =	vlt.s32 v1, v6  }
0x26: {  	s24 =	simm.s32 $0x0;
	s25 =	simm.s32 $0x830;
	s26 =	simm.s32 $0x10;
	vm8 =	vlt.s32 v1, v8;
	v7 =	vsel vm1, $0x1, v11;
	vm1 =	vmmov vm0  }
.LBB2_2:
0x27: {  	v9 =	vld [tilespmem:s25+$0x0];
	v1 =	vsel vm7, v1, v6;
	v3 =	vsel vm8, v3, v8;
	v6 =	vsel vm6, $0x1, v11  }
0x28: {  	v8 =	vld [tilespmem:s25+$0xFFFFFFF0];
	v2 =	vadd.s32 v6, v2;
	vm6 =	vlt.s32 v1, v4;
	vm7 =	vlt.s32 v3, v5  }
0x29: {  	s23 =	sadd.s32 $0x20, s23;
	v1 =	vsel vm6, v1, v4;
	v3 =	vsel vm7, v3, v5;
	v2 =	vadd.s32 v7, v2  }
0x2a: {  	s24 =	sadd.s32 $0x2, s24;
	vm4 =	vmor vm5, vm4;
	s26 =	sadd.s32 $0x20, s26;
	vm6 =	veq.s32 v0, $0x1;
	v7 =	vld [tilespmem:s23+$0x0]  }
0x2b: {  	s0 =	sadd.s32 $0xFFFFFFF0, s26;
	p0 =	slt.u32 s24, $0x7E;
	vm2 =	vmor vm2, vm4;
	v5 =	vor.u32 s26, v14;
	vm3 =	vmor vm6, vm3;
	v0 =	vld [tilespmem:s23+$0xFFFFFFF0]  }
0x2c: {  	v10 =	vor.u32 s0, v14;
	vm1 =	vmor vm1, vm3;
	vm4 =	veq.s32 v9, $0x1  }
.Ltmp0:
0x2d: {  	vm6 =	veq.s32 v9, $0x2;
	vm3 =	veq.s32 v8, $0x1;
	vm5 =	veq.s32 v8, $0x2;
	(pc) =	sbr.rel @p0 .LBB2_2-.Ltmp0, $4  }
0x2e: {  	v4 =	vnsel vm4, $0x40000000, v5;
	v5 =	vnsel vm6, $0x40000000, v5;
	v6 =	vnsel vm3, $0x40000000, v10  }
0x2f: {  	v8 =	vnsel vm5, $0x40000000, v10;
	vm4 =	veq.s32 v7, $0x2;
	vm3 =	veq.s32 v7, $0x1  }
0x30: {  	vm9 =	vne.s32 v7, $0x0;
	vm6 =	vne.s32 v0, $0x0;
	vm5 =	veq.s32 v0, $0x2  }
0x31: {  	s25 =	sadd.s32 $0x20, s25;
	vm7 =	vlt.s32 v1, v6;
	vm8 =	vlt.s32 v3, v8;
	v7 =	vsel vm9, $0x1, v11  }
0x32: {  	v1 =	vsel vm7, v1, v6  }
0x33: {  	v3 =	vsel vm8, v3, v8;
	vm7 =	vlt.s32 v1, v4  }
0x34: {  	vm8 =	vlt.s32 v3, v5;
	v1 =	vsel vm7, v1, v4  }
0x35: {  	v3 =	vsel vm8, v3, v5;
	v1 =	vxor.u32 $0x80000000, v1  }
0x36: {  	(xrf0) =	vmin.scan.msk.u32 $0xffff, v1;
	v1 =	vxor.u32 $0x80000000, v3  }
0x37: {  	(xrf0) =	vmin.scan.msk.u32 $0xffff, v1;
	_ =	sdelay $0x4  }
0x38: {  	vm15 =	veq.s32 v0, $0x1;
	v0, _, _ =	vpop (xrf0)  }
0x39: {  	(v2sf) =	vpush v0, $0xF;
	v0, _, _ =	vpop (xrf0)  }
0x3a: {  	v1 =	vsel vm6, $0x1, v11;
	(v2sf) =	vpush v0, $0xF  }
0x3b: {  	v1 =	vadd.s32 v1, v2  }
0x3c: {  	vm4 =	vmor vm5, vm4;
	v1 =	vadd.s32 v7, v1  }
0x3d: {  	vm2 =	vmor vm2, vm4;
	vm3 =	vmor vm15, vm3;
	(xrf0) =	vadd.scan.msk.s32 $0xffff, v1;
	v1 =	vimm.f32 $0.0e+00  }
0x3e: {  	vm1 =	vmor vm1, vm3;
	v0 =	vsel vm2, $0x3F800000, v1  }
0x3f: {  	(xrf0) =	vmax.scan.msk.f32 $0xffff, v0;
	v0 =	vsel vm1, $0x3F800000, v1  }
0x40: {  	(xrf0) =	vmax.scan.msk.f32 $0xffff, v0;
	_ =	sdelay $0x3  }
0x41: {  	v2, _, _ =	vpop (xrf0)  }
0x42: {  	(v2sf) =	vpush v2, $0xF;
	v0, _, _ =	vpop (xrf0)  }
0x43: {  	(v2sf) =	vpush v0, $0xF;
	v0, _, _ =	vpop (xrf0)  }
0x44: {  	(v2sf) =	vpush v0, $0xF  }
0x45: {  	s0 =	spop (v2sf)  }
0x46: {  	s24 =	spop (v2sf)  }
0x47: {  	s23 =	sxor.u32 $0x80000000, s0;
	s26 =	sxor.u32 $0x80000000, s24  }
0x48: {  	p1 =	slt.s32 s23, $0x40000000;
	p0 =	slt.s32 s26, $0x40000000  }
0x49: {  	s23 =	simm.s32 @!p1 $0x0;
	s26 =	simm.s32 @!p0 $0x0  }
0x4a: {  	p1 =	sgt.s32 s23, s26;
	s0 =	smov.u32 s26  }
0x4b: {  	[tilespmem:$0x5000] =	vst v1;
	s0 =	smov.u32 @p1 s23  }
0x4c: {  	[tilespmem:$0x5010] =	vst v1;
	s0 =	sadd.s32 $0xF, s0  }
0x4d: {  	[tilespmem:$0x5020] =	vst v1;
	s0 =	sshra.s32 s0, $0x4  }
0x4e: {  	[tilespmem:$0x5030] =	vst v1;
	p1 =	slt.s32 s0, $0x1  }
.Ltmp1:
0x4f: {  	[tilespmem:$0x5040] =	vst v1;
	(pc) =	sbr.rel @p1 .LBB2_4-.Ltmp1, $4  }
0x50: {  	[tilespmem:$0x5050] =	vst v1  }
0x51: {  	[tilespmem:$0x5060] =	vst v1;
	s28 =	spop (v2sf)  }
0x52: {  	[tilespmem:$0x5070] =	vst v1;
	s24 =	spop (v2sf)  }
0x53: {  	[tilespmem:$0x1FFF0] =	vst v2;
	v0 =	vmov s23;
	s25 =	spop (v2sf)  }
0x54: {  	p2 =	sne.s32 s0, $0x1  }
.Ltmp2:
0x55: {  	_ = 	snop;
	(pc) =	sbr.rel @!p2 .LBB2_6-.Ltmp2, $3  }
0x56: {  	_ =	sdelay $0x1  }
0x57: {  	s30 =	simm.s32 $0x800  }
0x58: {  	v2 =	vmov s26;
	v1 =	vimm.s32 $0x0;
	s29 =	simm.s32 $0x0;
	s0 =	sadd.s32 $0xFFFFFFFF, s0;
	p1 =	por $0x0, $0x0;
	v3 =	vld [tilespmem:s30+$0x0]  }
0x59: {  	_ =	sdelay $0x2  }
0x5a: {  	v4 =	vor.u32 s29, v14  }
0x5b: {  	vm1 =	vlt.s32 v4, v0;
	vm2 =	vne.s32 v3, $0x0  }
0x5c: {  	vm1 =	vmand vm1, vm2;
	_ =	sdelay $0x1  }
0x5d: {  	p2 =	sne.s32 s0, $0x1  }
.Ltmp3:
0x5e: {  	_ = 	snop;
	(pc) =	sbr.rel @!p2 .LBB2_8-.Ltmp3, $4  }
0x5f: {  	vm3 =	vlt.s32 v4, v2;
	vm2 =	veq.s32 v3, $0x1  }
0x60: {  	v5 =	vimm.f32 $1.000000000e+00;
	vm2 =	vmand vm3, vm2  }
0x61: {  	s31 =	simm.s32 $0x810;
	v4 =	vsel vm2, $0x1, v11;
	[tilespmem:v3+s16+$0x0] =	vst.idx.add.f32.msk vm1, v5  }
0x62: {  	s0 =	sadd.s32 $0xFFFFFFFF, s0;
	p1 =	por $0x1, $0x1;
	s30 =	simm.s32 $0x0;
	v1 =	vadd.s32 v4, v1;
	v3 =	vld [tilespmem:s31+$0x0]  }
.LBB2_9:
0x63: {  	p2 =	sne.s32 s0, $0x1;
	_ =	sdelay $0x1  }
0x64: {  	s30 =	sadd.s32 $0x10, s30  }
0x65: {  	v4 =	vor.u32 s30, v14  }
0x66: {  	vm1 =	vlt.s32 v4, v0;
	vm2 =	vne.s32 v3, $0x0;
	vm3 =	veq.s32 v3, $0x1  }
0x67: {  	vm1 =	vmand vm1, vm2;
	vm2 =	vlt.s32 v4, v2  }
0x68: {  	vm2 =	vmand vm2, vm3  }
0x69: {  	v4 =	vsel vm2, $0x1, v11  }
.Ltmp4:
0x6a: {  	v1 =	vadd.s32 v4, v1;
	(pc) =	sbr.rel @p2 .LBB2_9-.Ltmp4, $3  }
0x6b: {  	_ =	sdelay $0x1  }
0x6c: {  	s31 =	sadd.s32 $0x10, s31;
	[tilespmem:v3+s16+$0x0] =	vst.idx.add.f32.msk vm1, v5  }
0x6d: {  	s0 =	sadd.s32 $0xFFFFFFFF, s0;
	v3 =	vld [tilespmem:s31+$0x0]  }
.LBB2_10:
0x6e: {  	_ = 	snop  }
0x6f: {  	s0 =	sadd.s32 @p1 $0x10, s30  }
0x70: {  	s29 =	smov.u32 @p1 s0  }
0x71: {  	v4 =	vor.u32 s29, v14  }
0x72: {  	vm1 =	vlt.s32 v4, v0;
	vm2 =	vne.s32 v3, $0x0  }
0x73: {  	vm1 =	vmand vm1, vm2  }
0x74: {  	vm3 =	vlt.s32 v4, v2;
	vm2 =	veq.s32 v3, $0x1  }
.Ltmp5:
0x75: {  	vm2 =	vmand vm3, vm2;
	(pc) =	sbr.rel .LBB2_11-.Ltmp5, $4  }
0x76: {  	v2 =	vsel vm2, $0x1, v11  }
0x77: {  	v1 =	vadd.s32 v2, v1  }
0x78: {  	[tilespmem:$0x1FFE0] =	vst v1  }
0x79: {  	[tilespmem:v3+s16+$0x0] =	vst.idx.add.f32.msk vm1, v5  }
.LBB2_4:
0x7a: {  	v1 =	vimm.s32 $0x0  }
0x7b: {  	[tilespmem:$0x1FFE0] =	vst v1  }
.LBB2_11:
0x7c: {  	[tilespmem:$0x5500] =	vst v0  }
0x7d: {  	[spmem:s7] =	stream.linear.scatter [tilespmem:s17], [sflag:$0x2], $0x10, $0x38;
	[tilespmem:$0x5690] =	vst v63  }
0x7e: {  	_ =	swait.ge [sflag:s14], $0x10  }
0x7f: {  	[sflag:s14] =	ssyncset.done $0x0  }
0x80: {  	[sflag:s14] =	ssyncadd.s32 $0xFFFFFFF0  }
0x81: {  	[bflag:$0x0] =	sbarrier.arrive $0xFFFF  }
0x82: {  	[tilespmem:s18], [sflag:$0x2] =	stream.linear.gather [spmem:s3], $0x100, $0x38;
	[tilespmem:$0x5690] =	vst v63  }
0x83: {  	_ =	swait.ge [sflag:s14], $0x100  }
0x84: {  	[sflag:s14] =	ssyncset.done $0x0  }
0x85: {  	[sflag:s14] =	ssyncadd.s32 $0xFFFFFF00  }
0x86: {  	v0 =	vld [tilespmem:$0x5580]  }
0x87: {  	v1 =	vld [tilespmem:$0x5590];
	_ =	sdelay $0x1  }
0x88: {  	v2 =	vld [tilespmem:$0x55A0];
	_ =	sdelay $0x1  }
0x89: {  	v3 =	vld [tilespmem:$0x55B0]  }
0x8a: {  	vm1 =	vgt.s32 v0, v1  }
0x8b: {  	v4 =	vld [tilespmem:$0x55C0];
	v0 =	vsel vm1, v0, v1  }
0x8c: {  	v5 =	vld [tilespmem:$0x55D0];
	vm1 =	vgt.s32 v0, v2  }
0x8d: {  	v6 =	vld [tilespmem:$0x55E0];
	v0 =	vsel vm1, v0, v2  }
0x8e: {  	v7 =	vld [tilespmem:$0x55F0];
	vm1 =	vgt.s32 v0, v3  }
0x8f: {  	v8 =	vld [tilespmem:$0x5610];
	v0 =	vsel vm1, v0, v3  }
0x90: {  	v9 =	vld [tilespmem:$0x5630];
	vm1 =	vgt.s32 v0, v4  }
0x91: {  	v10 =	vld [tilespmem:$0x5650];
	v0 =	vsel vm1, v0, v4  }
0x92: {  	v11 =	vld [tilespmem:$0x5670];
	vm1 =	vgt.s32 v0, v5  }
0x93: {  	v1 =	vld [tilespmem:$0x5600];
	v0 =	vsel vm1, v0, v5  }
0x94: {  	v2 =	vld [tilespmem:$0x5620];
	vm1 =	vgt.s32 v0, v6  }
0x95: {  	v3 =	vld [tilespmem:$0x5640];
	v0 =	vsel vm1, v0, v6  }
0x96: {  	v4 =	vld [tilespmem:$0x5660];
	_ =	swait.ge [sflag:s19], $0x4000;
	vm1 =	vgt.s32 v0, v7  }
0x97: {  	[sflag:s19] =	ssyncset.done $0x0;
	v0 =	vsel vm1, v0, v7  }
0x98: {  	s29 =	simm.s32 $0x1400;
	[sflag:s19] =	ssyncadd.s32 $0xFFFFC000;
	vm1 =	vgt.s32 v0, v1  }
0x99: {  	v5 =	vld [tilespmem:s29+$0x380];
	v0 =	vsel vm1, v0, v1  }
0x9a: {  	v27 =	vld [tilespmem:s29+$0x390];
	vm1 =	vgt.s32 v0, v8  }
0x9b: {  	v28 =	vld [tilespmem:s29+$0x3A0];
	v0 =	vsel vm1, v0, v8  }
0x9c: {  	v30 =	vld [tilespmem:s29+$0x3B0];
	vm1 =	vgt.s32 v0, v2  }
0x9d: {  	v36 =	vld [tilespmem:s29+$0x3C0];
	v0 =	vsel vm1, v0, v2  }
0x9e: {  	v42 =	vld [tilespmem:s29+$0x3D0];
	vm1 =	vgt.s32 v0, v9  }
0x9f: {  	v43 =	vld [tilespmem:s29+$0x300];
	v0 =	vsel vm1, v0, v9  }
0xa0: {  	v48 =	vld [tilespmem:s29+$0x320];
	vm1 =	vgt.s32 v0, v3  }
0xa1: {  	v49 =	vld [tilespmem:s29+$0x330];
	v0 =	vsel vm1, v0, v3  }
0xa2: {  	v50 =	vld [tilespmem:s29+$0x340];
	vm1 =	vgt.s32 v0, v10  }
0xa3: {  	v51 =	vld [tilespmem:s29+$0x350];
	v0 =	vsel vm1, v0, v10  }
0xa4: {  	v52 =	vld [tilespmem:s29+$0x280];
	vm1 =	vgt.s32 v0, v4  }
0xa5: {  	v53 =	vld [tilespmem:s29+$0x290];
	v0 =	vsel vm1, v0, v4  }
0xa6: {  	v54 =	vld [tilespmem:s29+$0x2A0];
	vm1 =	vgt.s32 v0, v11  }
0xa7: {  	v55 =	vld [tilespmem:s29+$0x2C0];
	v0 =	vsel vm1, v0, v11  }
0xa8: {  	v56 =	vld [tilespmem:s29+$0x2D0];
	vm1 =	vgt.s32 v0, $0x0  }
0xa9: {  	v57 =	vld [tilespmem:s29+$0x200];
	v0 =	vnsel vm1, $0x0, v0  }
0xaa: {  	v58 =	vld [tilespmem:s29+$0x210];
	v0 =	vcvt.s32.f32 v0  }
0xab: {  	v61 =	vld [tilespmem:s29+$0x220]  }
0xac: {  	v62 =	vld [tilespmem:s29+$0x230];
	(erf) = vrcp.f32 v0  }
0xad: {  	v63 =	vld [tilespmem:s29+$0x240]  }
0xae: {  	v13 =	vld [tilespmem:s29+$0x1B0]  }
0xaf: {  	v15 =	vld [tilespmem:s29+$0x1C0]  }
0xb0: {  	s0 =	simm.s32 $0x0;
	v24 =	vld [tilespmem:s29+$0x1D0]  }
0xb1: {  	v1 =	vld [tilespmem:s0+$0x5000]  }
0xb2: {  	v16 =	vld [tilespmem:s29+$0x100]  }
0xb3: {  	v23 =	vld [tilespmem:s29+$0x110]  }
0xb4: {  	v41 =	vld [tilespmem:s29+$0x120]  }
0xb5: {  	v40 =	vld [tilespmem:s29+$0x130];
	v6 =	vpop (erf)  }
0xb6: {  	v33 =	vld [tilespmem:s29+$0x140];
	v1 =	vmul.f32 v1, v6  }
0xb7: {  	v34 =	vld [tilespmem:s29+$0x150]  }
0xb8: {  	v12 =	vld [tilespmem:s29+$0xC0];
	[tilespmem:$0x1FE40] =	vst v6;
	v6 =	vshrl.u32 v1, $0x10  }
0xb9: {  	v17 =	vld [tilespmem:s29+$0xD0];
	v6 =	vand.u32 $0x1, v6  }
0xba: {  	v21 =	vld [tilespmem:s29+$0x0];
	v1 =	vadd.s32 v6, v1  }
0xbb: {  	v25 =	vld [tilespmem:s29+$0x10];
	v1 =	vadd.s32 $0x7FFF, v1  }
0xbc: {  	v20 =	vld [tilespmem:s29+$0x80];
	v32 =	vand.u32 $0xFFFF0000, v1  }
0xbd: {  	v37 =	vld [tilespmem:s29+$0x30];
	[tilespmem:$0x1FF30] =	vst v12;
	v6 =	vbroadcast v32, $0xF  }
0xbe: {  	v19 =	vld [tilespmem:s29+$0xA0];
	[tilespmem:$0x1FF50] =	vst v17;
	v7 =	vbroadcast v32, $0xE;
	v9 =	vbroadcast v32, $0xC  }
0xbf: {  	v29 =	vld [tilespmem:s29+$0x20];
	[tilespmem:$0x1FF70] =	vst v21;
	v8 =	vbroadcast v32, $0xD;
	v5 =	vmul.f32 v5, v6  }
0xc0: {  	v59 =	vld [tilespmem:s29+$0xFFFFFCB0];
	[tilespmem:$0x1FF80] =	vst v25;
	v14 =	vbroadcast v32, $0xA;
	v12 =	vbroadcast v32, $0xB  }
0xc1: {  	v2 =	vld [tilespmem:s29+$0x310];
	v18 =	vbroadcast v32, $0x8;
	[tilespmem:$0x1FE50] =	vst v5;
	v5 =	vmul.f32 v27, v6  }
0xc2: {  	[tilespmem:$0x1FFA0] =	vst v37;
	v37 =	vld [tilespmem:s29+$0xFFFFFCA0];
	v17 =	vbroadcast v32, $0x9;
	v22 =	vbroadcast v32, $0x6  }
0xc3: {  	v3 =	vld [tilespmem:s29+$0x180];
	v21 =	vbroadcast v32, $0x7;
	[tilespmem:$0x1FE60] =	vst v5;
	v5 =	vmul.f32 v28, v6  }
0xc4: {  	[tilespmem:$0x1FF90] =	vst v29;
	v4 =	vld [tilespmem:s29+$0x2B0];
	v26 =	vbroadcast v32, $0x4;
	v27 =	vmul.f32 v30, v6  }
0xc5: {  	v25 =	vbroadcast v32, $0x5;
	v28 =	vmul.f32 v42, v6;
	[tilespmem:$0x1FE70] =	vst v5;
	v5 =	vld [tilespmem:s29+$0xFFFFFC00]  }
0xc6: {  	v31 =	vbroadcast v32, $0x2;
	v2 =	vmul.f32 v2, v7;
	[tilespmem:$0x1FE80] =	vst v27;
	v27 =	vld [tilespmem:s29+$0xFFFFFC10]  }
0xc7: {  	v29 =	vbroadcast v32, $0x3;
	v35 =	vbroadcast v32, $0x0;
	[tilespmem:$0x1FE90] =	vst v28;
	v28 =	vld [tilespmem:s29+$0xFFFFFC80]  }
0xc8: {  	v32 =	vbroadcast v32, $0x1;
	[tilespmem:$0x1FEA0] =	vst v2;
	v2 =	vld [tilespmem:s29+$0xFFFFFC90];
	v30 =	vmul.f32 v49, v7  }
0xc9: {  	v45 =	vmul.f32 v36, v6;
	v44 =	vmul.f32 v43, v7;
	v36 =	vld [tilespmem:s29+$0xFFFFFC30]  }
0xca: {  	v43 =	vmul.f32 v50, v7;
	[tilespmem:$0x1FEB0] =	vst v30;
	v30 =	vld [tilespmem:s29+$0xFFFFFC20];
	v5 =	vmul.f32 v35, v5  }
0xcb: {  	v38 =	vimm.f32 $0.0e+00;
	v10 =	vld [tilespmem:s29+$0x190];
	v60 =	vmul.f32 v51, v7;
	v27 =	vmul.f32 v35, v27  }
0xcc: {  	v0 =	vld [tilespmem:s29+$0x250];
	v51 =	vmul.f32 v52, v8;
	v28 =	vmul.f32 v28, v32;
	v5 =	vadd.f32 v5, v38  }
0xcd: {  	v52 =	vmul.f32 v53, v8;
	v50 =	vld [tilespmem:s29+$0xFFFFFD00];
	v2 =	vmul.f32 v2, v32;
	v27 =	vadd.f32 v27, v38  }
0xce: {  	v53 =	vmul.f32 v56, v8;
	[tilespmem:$0x1FEC0] =	vst v60;
	v60 =	vmul.f32 v4, v8;
	v5 =	vadd.f32 v28, v5;
	v28 =	vld [tilespmem:s29+$0xFFFFFD10]  }
0xcf: {  	v4 =	vmul.f32 v35, v30;
	v30 =	vld [tilespmem:s29+$0xFFFFFD20];
	v2 =	vadd.f32 v2, v27;
	v27 =	vmul.f32 v35, v36  }
0xd0: {  	v56 =	vmul.f32 v57, v9;
	v49 =	vmul.f32 v59, v32;
	v59 =	vld [tilespmem:s29+$0xFFFFFD80]  }
0xd1: {  	v57 =	vimm.f32 $0.0e+00;
	v42 =	vmul.f32 v48, v7;
	v48 =	vld [tilespmem:s29+$0xFFFFFD30];
	v27 =	vadd.f32 v27, v38  }
0xd2: {  	[tilespmem:$0x1FED0] =	vst v56;
	v56 =	vmul.f32 v50, v31;
	v50 =	vld [tilespmem:s29+$0xFFFFFD90];
	v4 =	vadd.f32 v4, v38;
	v36 =	vmul.f32 v37, v32  }
0xd3: {  	v0 =	vmul.f32 v0, v9;
	v27 =	vadd.f32 v49, v27;
	v49 =	vld [tilespmem:s29+$0xFFFFFDA0];
	v28 =	vmul.f32 v28, v31  }
0xd4: {  	v11 =	vld [tilespmem:s29+$0x1A0];
	v47 =	vmul.f32 v55, v8;
	[tilespmem:$0x1FEE0] =	vst v57;
	v30 =	vmul.f32 v30, v31;
	v4 =	vadd.f32 v36, v4  }
0xd5: {  	v57 =	vld [tilespmem:s29+$0xFFFFFDB0];
	[tilespmem:$0x1FF00] =	vst v0;
	v0 =	vmul.f32 v59, v29;
	v2 =	vadd.f32 v28, v2;
	v28 =	vmul.f32 v63, v9  }
0xd6: {  	v59 =	vld [tilespmem:s29+$0xFFFFFE10];
	v38 =	vmul.f32 v58, v9;
	v30 =	vadd.f32 v30, v4;
	v4 =	vmul.f32 v10, v12  }
0xd7: {  	v58 =	vld [tilespmem:s29+$0xFFFFFE00];
	v63 =	vmul.f32 v3, v12;
	[tilespmem:$0x1FEF0] =	vst v28;
	v28 =	vmul.f32 v48, v31  }
0xd8: {  	v3 =	vmul.f32 v50, v29;
	v10 =	vmul.f32 v49, v29;
	v49 =	vld [tilespmem:s29+$0xFFFFFE30]  }
0xd9: {  	v55 =	vmul.f32 v23, v14;
	v5 =	vadd.f32 v56, v5;
	v27 =	vadd.f32 v28, v27;
	v28 =	vld [tilespmem:s29+$0xFFFFFE20]  }
0xda: {  	v36 =	vld [tilespmem:s29+$0xFFFFFE80];
	v3 =	vadd.f32 v3, v2;
	v2 =	vmul.f32 v11, v12;
	v11 =	vmul.f32 v57, v29  }
0xdb: {  	v0 =	vadd.f32 v0, v5;
	v5 =	vmul.f32 v13, v12;
	v10 =	vadd.f32 v10, v30;
	v30 =	vld [tilespmem:s29+$0xFFFFFE90]  }
0xdc: {  	v50 =	vmul.f32 v15, v12;
	v15 =	vmul.f32 v59, v26;
	v11 =	vadd.f32 v11, v27;
	v27 =	vld [tilespmem:s29+$0xFFFFFEA0]  }
0xdd: {  	v46 =	vld [tilespmem:s29+$0xB0];
	v13 =	vmul.f32 v58, v26;
	v59 =	vmul.f32 v24, v12  }
0xde: {  	v3 =	vadd.f32 v15, v3;
	v15 =	vmul.f32 v49, v26;
	v24 =	vmul.f32 v28, v26;
	v28 =	vld [tilespmem:s29+$0xFFFFFEB0]  }
0xdf: {  	v23 =	vmul.f32 v36, v25;
	v13 =	vadd.f32 v13, v0;
	v0 =	vmul.f32 v16, v14;
	v16 =	vld [tilespmem:s29+$0xFFFFFF00]  }
0xe0: {  	v11 =	vadd.f32 v15, v11;
	v15 =	vmul.f32 v30, v25;
	v10 =	vadd.f32 v24, v10;
	v24 =	vld [tilespmem:s29+$0xFFFFFF10]  }
0xe1: {  	v1 =	vld [tilespmem:s29+$0x90];
	v13 =	vadd.f32 v23, v13;
	v23 =	vmul.f32 v27, v25  }
0xe2: {  	[tilespmem:$0x1FF10] =	vst v5;
	v5 =	vld [tilespmem:$0x1FF30];
	v3 =	vadd.f32 v15, v3  }
0xe3: {  	v27 =	vld [tilespmem:s29+$0xFFFFFF30];
	v23 =	vadd.f32 v23, v10;
	v10 =	vmul.f32 v34, v14;
	v15 =	vmul.f32 v28, v25  }
0xe4: {  	v30 =	vld [tilespmem:s29+$0xFFFFFF20]  }
0xe5: {  	[tilespmem:$0x1FF20] =	vst v10;
	v10 =	vmul.f32 v16, v22;
	v16 =	vld [tilespmem:s29+$0xFFFFFF90];
	v37 =	vadd.f32 v15, v11;
	v11 =	vmul.f32 v24, v22  }
0xe6: {  	v28 =	vld [tilespmem:s29+$0xFFFFFF80]  }
0xe7: {  	v39 =	vld [tilespmem:s29+$0x40];
	v58 =	vmul.f32 v20, v17;
	v3 =	vadd.f32 v11, v3;
	v11 =	vmul.f32 v19, v17  }
0xe8: {  	v19 =	vmul.f32 v27, v22;
	v27 =	vmul.f32 v5, v17;
	v5 =	vld [tilespmem:$0x1FF50]  }
0xe9: {  	v20 =	vld [tilespmem:s29+$0xFFFFFFA0];
	v13 =	vadd.f32 v10, v13;
	v10 =	vmul.f32 v1, v17;
	v1 =	vmul.f32 v30, v22  }
0xea: {  	v57 =	vmul.f32 v40, v14;
	v40 =	vld [tilespmem:s29+$0xFFFFFF40];
	v16 =	vmul.f32 v16, v21  }
0xeb: {  	v24 =	vld [tilespmem:s29+$0xFFFFFFB0];
	v1 =	vadd.f32 v1, v23;
	v23 =	vmul.f32 v28, v21  }
0xec: {  	v56 =	vmul.f32 v41, v14;
	v41 =	vadd.f32 v16, v3;
	v3 =	vld [tilespmem:$0x1FF70]  }
0xed: {  	v13 =	vadd.f32 v23, v13;
	v23 =	vmul.f32 v5, v17;
	v5 =	vld [tilespmem:$0x1FF90]  }
0xee: {  	v20 =	vmul.f32 v20, v21;
	v49 =	vmul.f32 v33, v14;
	v33 =	vld [tilespmem:s29+$0xFFFFFFD0]  }
0xef: {  	v30 =	vld [tilespmem:s29+$0x50]  }
0xf0: {  	v34 =	vadd.f32 v20, v1;
	v1 =	vld [tilespmem:$0x1FF80]  }
0xf1: {  	v54 =	vmul.f32 v54, v8;
	v28 =	vld [tilespmem:s29+$0xFFFFFFC0];
	v19 =	vadd.f32 v19, v37;
	[tilespmem:$0x1FF60] =	vst v23;
	v23 =	vmul.f32 v24, v21  }
0xf2: {  	v48 =	vimm.f32 $0.0e+00;
	v3 =	vmul.f32 v3, v18;
	v16 =	vmul.f32 v5, v18;
	v5 =	vld [tilespmem:$0x1FFA0]  }
0xf3: {  	v61 =	vmul.f32 v61, v9;
	[tilespmem:$0x1FFD0] =	vst v48;
	v20 =	vld [tilespmem:s29+$0xFFFFFF50];
	v36 =	vadd.f32 v23, v19;
	v23 =	vmul.f32 v39, v18  }
0xf4: {  	v62 =	vmul.f32 v62, v9;
	[tilespmem:$0x1FF40] =	vst v27;
	v24 =	vld [tilespmem:s29+$0xFFFFFED0];
	v27 =	vadd.f32 v3, v13;
	v3 =	vmul.f32 v30, v18  }
0xf5: {  	v48 =	vimm.f32 $0.0e+00;
	v15 =	vmul.f32 v46, v17;
	v1 =	vmul.f32 v1, v18;
	[tilespmem:$0x1FFB0] =	vst v23;
	v23 =	vld [tilespmem:s29+$0xFFFFFEC0]  }
0xf6: {  	v46 =	vimm.f32 $0.0e+00;
	v13 =	vmul.f32 v40, v22;
	v30 =	vld [tilespmem:s29+$0xFFFFFE50];
	[tilespmem:$0x1FFC0] =	vst v3;
	v3 =	vmul.f32 v28, v21  }
0xf7: {  	s30 =	simm.s32 $0x40;
	v28 =	vadd.f32 v1, v41;
	v1 =	vmul.f32 v33, v21;
	v33 =	vld [tilespmem:s29+$0xFFFFFE40];
	v19 =	vmul.f32 v5, v18  }
.LBB2_12:
0xf8: {  	v16 =	vadd.f32 v16, v34;
	_ =	sdelay $0x1  }
0xf9: {  	v10 =	vadd.f32 v10, v28;
	v11 =	vadd.f32 v11, v16;
	_ =	sdelay $0x1  }
0xfa: {  	v10 =	vadd.f32 v55, v10;
	v11 =	vadd.f32 v56, v11  }
0xfb: {  	v19 =	vadd.f32 v19, v36;
	v28 =	vld [tilespmem:s29+$0xFFFFFD40]  }
0xfc: {  	v5 =	vadd.f32 v4, v10;
	v4 =	vadd.f32 v2, v11;
	v2 =	vld [tilespmem:$0x1FF10]  }
0xfd: {  	v15 =	vadd.f32 v15, v19;
	_ =	sdelay $0x1  }
0xfe: {  	v37 =	vld [tilespmem:s29+$0xFFFFFDC0];
	v15 =	vadd.f32 v57, v15  }
0xff: {  	v41 =	vld [tilespmem:s29+$0xFFFFFDD0];
	v27 =	vadd.f32 v58, v27  }
0x100: {  	v4 =	vadd.f32 v61, v4;
	v2 =	vadd.f32 v2, v15;
	v15 =	vmul.f32 v28, v31;
	v28 =	vld [tilespmem:$0x1FED0]  }
0x101: {  	v39 =	vld [tilespmem:$0x1FE70];
	v0 =	vadd.f32 v0, v27  }
0x102: {  	v58 =	vld [tilespmem:$0x1FEA0];
	v4 =	vadd.f32 v54, v4  }
0x103: {  	v16 =	vld [tilespmem:s29+$0xFFFFFD50];
	v0 =	vadd.f32 v63, v0  }
0x104: {  	v27 =	vld [tilespmem:s29+$0xFFFFFCC0];
	v4 =	vadd.f32 v42, v4  }
0x105: {  	v63 =	vld [tilespmem:$0x1FE50];
	v0 =	vadd.f32 v28, v0  }
0x106: {  	v61 =	vld [tilespmem:$0x1FEB0];
	v4 =	vadd.f32 v39, v4  }
0x107: {  	v55 =	vld [tilespmem:s29+$0xFFFFFCD0];
	v2 =	vadd.f32 v62, v2;
	v0 =	vadd.f32 v51, v0  }
0x108: {  	[tilespmem:$0x1FD80] =	vst v4;
	v4 =	vld [tilespmem:$0x1FE80]  }
0x109: {  	v10 =	vld [tilespmem:s29+$0xFFFFFC40];
	v2 =	vadd.f32 v60, v2;
	v0 =	vadd.f32 v44, v0  }
0x10a: {  	v36 =	vmul.f32 v37, v29;
	v37 =	vld [tilespmem:s29+$0xFFFFFC70]  }
0x10b: {  	v56 =	vld [tilespmem:s29+$0xFFFFFCE0];
	v2 =	vadd.f32 v61, v2;
	v0 =	vadd.f32 v63, v0  }
0x10c: {  	v11 =	vld [tilespmem:s29+$0xFFFFFC50];
	v5 =	vadd.f32 v38, v5  }
0x10d: {  	v2 =	vadd.f32 v4, v2;
	[tilespmem:$0x1FD60] =	vst v0;
	v0 =	vld [tilespmem:$0x1FE60]  }
0x10e: {  	v5 =	vadd.f32 v52, v5;
	v28 =	vld [tilespmem:s29+$0xFFFFFC60]  }
0x10f: {  	[tilespmem:$0x1FD90] =	vst v2;
	v2 =	vld [tilespmem:$0x1FEE0]  }
0x110: {  	v19 =	vmul.f32 v33, v26;
	v5 =	vadd.f32 v58, v5;
	v4 =	vld [tilespmem:$0x1FFD0]  }
0x111: {  	v34 =	vmul.f32 v41, v29;
	v57 =	vld [tilespmem:s29+$0xFFFFFCF0];
	v16 =	vmul.f32 v16, v31  }
0x112: {  	v27 =	vmul.f32 v27, v32;
	v10 =	vmul.f32 v35, v10;
	v60 =	vld [tilespmem:s29+$0xFFFFFD60];
	v0 =	vadd.f32 v0, v5  }
0x113: {  	v11 =	vmul.f32 v35, v11;
	v62 =	vld [tilespmem:s29+$0xFFFFFD70];
	v28 =	vmul.f32 v35, v28  }
0x114: {  	v33 =	vmul.f32 v55, v32;
	v2 =	vadd.f32 v10, v2;
	v5 =	vld [tilespmem:s29+$0xFFFFFDE0];
	[tilespmem:$0x1FD70] =	vst v0;
	v0 =	vmul.f32 v37, v35  }
0x115: {  	v28 =	vadd.f32 v28, v48;
	v4 =	vadd.f32 v11, v4;
	v11 =	vld [tilespmem:s29+$0xFFFFFDF0];
	v10 =	vmul.f32 v56, v32  }
0x116: {  	v41 =	vld [tilespmem:s29+$0xFFFFFE60];
	v40 =	vmul.f32 v57, v32;
	v2 =	vadd.f32 v27, v2;
	v0 =	vadd.f32 v0, v46  }
0x117: {  	v4 =	vadd.f32 v33, v4;
	v27 =	vmul.f32 v60, v31;
	v10 =	vadd.f32 v10, v28;
	v46 =	vld [tilespmem:s29+$0xFFFFFE70]  }
0x118: {  	v28 =	vmul.f32 v62, v31;
	v31 =	vld [tilespmem:s29+$0xFFFFFEE0];
	v2 =	vadd.f32 v15, v2;
	v0 =	vadd.f32 v40, v0  }
0x119: {  	v4 =	vadd.f32 v16, v4;
	v15 =	vld [tilespmem:s29+$0xFFFFFEF0];
	v10 =	vadd.f32 v27, v10;
	v5 =	vmul.f32 v5, v29  }
0x11a: {  	v16 =	vld [tilespmem:s29+$0xFFFFFF60];
	v11 =	vmul.f32 v11, v29;
	v2 =	vadd.f32 v36, v2;
	v0 =	vadd.f32 v28, v0  }
0x11b: {  	v23 =	vmul.f32 v23, v25;
	v27 =	vmul.f32 v41, v26;
	v5 =	vadd.f32 v5, v10  }
0x11c: {  	v2 =	vadd.f32 v19, v2;
	v10 =	vmul.f32 v46, v26;
	v0 =	vadd.f32 v11, v0;
	v11 =	vld [tilespmem:s29+$0xFFFFFFE0]  }
0x11d: {  	v19 =	vmul.f32 v31, v25;
	v5 =	vadd.f32 v27, v5  }
0x11e: {  	v2 =	vadd.f32 v23, v2;
	v0 =	vadd.f32 v10, v0;
	v10 =	vmul.f32 v15, v25;
	v15 =	vld [tilespmem:s29+$0x60]  }
0x11f: {  	v16 =	vmul.f32 v16, v22;
	v5 =	vadd.f32 v19, v5  }
0x120: {  	v2 =	vadd.f32 v13, v2;
	v13 =	vld [tilespmem:s29+$0xF0]  }
0x121: {  	v5 =	vadd.f32 v16, v5;
	v11 =	vmul.f32 v11, v21  }
0x122: {  	v30 =	vmul.f32 v30, v26;
	v4 =	vadd.f32 v34, v4;
	v28 =	vld [tilespmem:s29+$0xFFFFFF70]  }
0x123: {  	v2 =	vadd.f32 v3, v2;
	v3 =	vmul.f32 v15, v18;
	v5 =	vadd.f32 v11, v5;
	v15 =	vld [tilespmem:$0x1FFB0]  }
0x124: {  	v24 =	vmul.f32 v24, v25;
	v26 =	vld [tilespmem:s29+$0xFFFFFFF0]  }
0x125: {  	v4 =	vadd.f32 v30, v4;
	v3 =	vadd.f32 v3, v5;
	v5 =	vmul.f32 v13, v17;
	v13 =	vld [tilespmem:$0x1FF40]  }
0x126: {  	v23 =	vld [tilespmem:s29+$0x70]  }
0x127: {  	v20 =	vmul.f32 v20, v22;
	v4 =	vadd.f32 v24, v4;
	v19 =	vld [tilespmem:s29+$0xE0]  }
0x128: {  	v2 =	vadd.f32 v15, v2;
	v15 =	vld [tilespmem:$0x1FFC0]  }
0x129: {  	v4 =	vadd.f32 v20, v4;
	v16 =	vld [tilespmem:s29+$0x160]  }
0x12a: {  	v0 =	vadd.f32 v10, v0;
	v10 =	vmul.f32 v28, v22;
	v2 =	vadd.f32 v13, v2;
	v13 =	vld [tilespmem:$0x1FF60]  }
0x12b: {  	v1 =	vadd.f32 v1, v4;
	v4 =	vld [tilespmem:s29+$0x170]  }
0x12c: {  	v0 =	vadd.f32 v10, v0;
	v10 =	vmul.f32 v26, v21;
	v11 =	vld [tilespmem:s29+$0x1E0]  }
0x12d: {  	v1 =	vadd.f32 v15, v1;
	v15 =	vmul.f32 v19, v17  }
0x12e: {  	v0 =	vadd.f32 v10, v0;
	v10 =	vmul.f32 v23, v18  }
0x12f: {  	v18 =	vld [tilespmem:s29+$0x1F0];
	v1 =	vadd.f32 v13, v1;
	v13 =	vmul.f32 v16, v14;
	v3 =	vadd.f32 v15, v3  }
0x130: {  	v4 =	vmul.f32 v4, v14;
	v14 =	vld [tilespmem:$0x1FF20]  }
0x131: {  	v0 =	vadd.f32 v10, v0;
	v10 =	vld [tilespmem:s29+$0x260];
	v11 =	vmul.f32 v11, v12;
	v3 =	vadd.f32 v13, v3  }
0x132: {  	v16 =	vld [tilespmem:s29+$0x270]  }
0x133: {  	v3 =	vadd.f32 v11, v3;
	v11 =	vld [tilespmem:$0x1FEF0]  }
0x134: {  	v0 =	vadd.f32 v5, v0;
	v5 =	vld [tilespmem:s29+$0x2E0];
	v2 =	vadd.f32 v49, v2  }
0x135: {  	v1 =	vadd.f32 v14, v1;
	v14 =	vld [tilespmem:s29+$0x2F0]  }
0x136: {  	v0 =	vadd.f32 v4, v0;
	v4 =	vmul.f32 v18, v12;
	v12 =	vld [tilespmem:s29+$0x360];
	v2 =	vadd.f32 v50, v2  }
0x137: {  	v13 =	vld [tilespmem:s29+$0x370]  }
0x138: {  	v0 =	vadd.f32 v4, v0;
	v4 =	vmul.f32 v16, v9;
	v2 =	vadd.f32 v11, v2;
	v11 =	vld [tilespmem:$0x1FF00];
	_ =	sdelay $0x1  }
0x139: {  	v0 =	vadd.f32 v4, v0;
	v4 =	vmul.f32 v14, v8  }
0x13a: {  	v10 =	vmul.f32 v10, v9;
	v5 =	vmul.f32 v5, v8;
	v9 =	vld [tilespmem:s29+$0x3E0];
	v1 =	vadd.f32 v59, v1  }
0x13b: {  	v8 =	vmul.f32 v12, v7;
	v0 =	vadd.f32 v4, v0;
	v4 =	vmul.f32 v13, v7;
	v7 =	vld [tilespmem:$0x1FEC0]  }
0x13c: {  	v1 =	vadd.f32 v11, v1;
	v11 =	vld [tilespmem:s29+$0x3F0];
	s29 =	sadd.s32 $0x800, s29  }
0x13d: {  	v15 =	vld [tilespmem:s29+$0x380]  }
0x13e: {  	v3 =	vadd.f32 v10, v3;
	v10 =	vld [tilespmem:s29+$0x390]  }
0x13f: {  	v16 =	vld [tilespmem:s29+$0x3A0]  }
0x140: {  	v3 =	vadd.f32 v5, v3;
	v5 =	vld [tilespmem:s29+$0x3B0]  }
0x141: {  	v13 =	vld [tilespmem:s29+$0x3C0]  }
0x142: {  	v19 =	vld [tilespmem:s29+$0x350]  }
0x143: {  	v20 =	vld [tilespmem:s29+$0x280]  }
0x144: {  	v23 =	vld [tilespmem:s29+$0x290]  }
0x145: {  	v24 =	vld [tilespmem:s29+$0x2A0]  }
0x146: {  	v27 =	vld [tilespmem:s29+$0x2B0]  }
0x147: {  	v28 =	vld [tilespmem:s29+$0x2C0]  }
0x148: {  	v2 =	vadd.f32 v47, v2;
	v30 =	vld [tilespmem:s29+$0x2D0]  }
0x149: {  	v33 =	vld [tilespmem:s29+$0x200]  }
0x14a: {  	v2 =	vadd.f32 v43, v2;
	v34 =	vld [tilespmem:s29+$0x210]  }
0x14b: {  	v36 =	vld [tilespmem:s29+$0x220]  }
0x14c: {  	v2 =	vadd.f32 v45, v2;
	v37 =	vld [tilespmem:s29+$0x230]  }
0x14d: {  	v40 =	vld [tilespmem:s29+$0x240]  }
0x14e: {  	[tilespmem:$0x1FEE0] =	vst v2;
	v2 =	vld [tilespmem:$0x1FE90]  }
0x14f: {  	v41 =	vld [tilespmem:s29+$0x250];
	v1 =	vadd.f32 v53, v1  }
0x150: {  	v49 =	vld [tilespmem:s29+$0x180]  }
0x151: {  	s0 =	sshra.s32 s30, $0x2;
	v3 =	vadd.f32 v8, v3;
	v50 =	vld [tilespmem:s29+$0x190];
	v1 =	vadd.f32 v7, v1;
	v7 =	vmul.f32 v9, v6  }
0x152: {  	v0 =	vadd.f32 v4, v0;
	v4 =	vmul.f32 v11, v6;
	v6 =	vld [tilespmem:s0+$0x5000]  }
0x153: {  	v1 =	vadd.f32 v2, v1;
	v2 =	vadd.f32 v7, v3;
	v7 =	vld [tilespmem:$0x1FE40]  }
0x154: {  	v55 =	vld [tilespmem:s29+$0x1A0]  }
0x155: {  	v56 =	vld [tilespmem:s29+$0x1B0]  }
0x156: {  	v57 =	vld [tilespmem:s29+$0x1C0]  }
0x157: {  	v58 =	vld [tilespmem:s29+$0x1D0]  }
0x158: {  	v38 =	vld [tilespmem:s29+$0x100];
	v6 =	vmul.f32 v6, v7  }
0x159: {  	v39 =	vld [tilespmem:s29+$0x110]  }
0x15a: {  	v42 =	vld [tilespmem:s29+$0x120];
	v7 =	vshrl.u32 v6, $0x10  }
0x15b: {  	v43 =	vld [tilespmem:s29+$0x130];
	v7 =	vand.u32 $0x1, v7  }
0x15c: {  	v44 =	vld [tilespmem:s29+$0x140];
	v6 =	vadd.s32 v7, v6  }
0x15d: {  	v45 =	vld [tilespmem:s29+$0x150];
	v6 =	vadd.s32 $0x7FFF, v6  }
0x15e: {  	v46 =	vld [tilespmem:s29+$0x80];
	v48 =	vand.u32 $0xFFFF0000, v6  }
0x15f: {  	v47 =	vld [tilespmem:s29+$0x90];
	v7 =	vbroadcast v48, $0xE;
	v6 =	vbroadcast v48, $0xF  }
0x160: {  	v51 =	vld [tilespmem:s29+$0xFFFFFD90];
	v9 =	vbroadcast v48, $0xC;
	v8 =	vbroadcast v48, $0xD  }
0x161: {  	v11 =	vld [tilespmem:s29+$0x3D0];
	v14 =	vbroadcast v48, $0xA;
	v12 =	vbroadcast v48, $0xB  }
0x162: {  	v0 =	vadd.f32 v4, v0;
	v4 =	vld [tilespmem:s29+$0x340];
	v18 =	vbroadcast v48, $0x8;
	v17 =	vbroadcast v48, $0x9  }
0x163: {  	v3 =	vld [tilespmem:s29+$0x330];
	v22 =	vbroadcast v48, $0x6;
	v21 =	vbroadcast v48, $0x7  }
0x164: {  	[tilespmem:$0x1FFD0] =	vst v1;
	v1 =	vld [tilespmem:s29+$0x300];
	v26 =	vbroadcast v48, $0x4;
	v25 =	vbroadcast v48, $0x5  }
0x165: {  	[tilespmem:$0x1FDC0] =	vst v0;
	v0 =	vld [tilespmem:s29+$0x310];
	v31 =	vbroadcast v48, $0x2;
	v29 =	vbroadcast v48, $0x3  }
0x166: {  	[tilespmem:$0x1FDA0] =	vst v2;
	v2 =	vld [tilespmem:s29+$0x320];
	v35 =	vbroadcast v48, $0x0;
	v32 =	vbroadcast v48, $0x1  }
0x167: {  	v48 =	vld [tilespmem:s29+$0xA0];
	v15 =	vmul.f32 v15, v6;
	v10 =	vmul.f32 v10, v6  }
0x168: {  	v5 =	vmul.f32 v5, v6;
	v54 =	vmul.f32 v24, v8;
	v24 =	vld [tilespmem:s29+$0x50]  }
0x169: {  	v1 =	vmul.f32 v1, v7;
	v61 =	vmul.f32 v36, v9;
	v36 =	vld [tilespmem:s29+$0xFFFFFF10]  }
0x16a: {  	v0 =	vmul.f32 v0, v7;
	v62 =	vmul.f32 v37, v9;
	v37 =	vld [tilespmem:s29+$0xFFFFFE80];
	[tilespmem:$0x1FE50] =	vst v15  }
0x16b: {  	v63 =	vmul.f32 v49, v12;
	v59 =	vmul.f32 v58, v12;
	v49 =	vld [tilespmem:s29+$0xFFFFFE10];
	[tilespmem:$0x1FE60] =	vst v10  }
0x16c: {  	v53 =	vmul.f32 v44, v14;
	v58 =	vmul.f32 v46, v17;
	v46 =	vld [tilespmem:s29+$0xFFFFFC30];
	[tilespmem:$0x1FE80] =	vst v5  }
0x16d: {  	v44 =	vmul.f32 v51, v29;
	v51 =	vld [tilespmem:$0x1FD80];
	[tilespmem:$0x1FEA0] =	vst v0;
	v0 =	vmul.f32 v2, v7  }
0x16e: {  	v15 =	vld [tilespmem:s29+$0xB0];
	v5 =	vmul.f32 v13, v6;
	[tilespmem:$0x1FDE0] =	vst v1  }
0x16f: {  	v10 =	vmul.f32 v16, v6;
	v16 =	vld [tilespmem:s29+$0xC0];
	[tilespmem:$0x1FDF0] =	vst v0;
	v0 =	vmul.f32 v3, v7  }
0x170: {  	v13 =	vld [tilespmem:s29+$0xD0];
	[tilespmem:$0x1FDD0] =	vst v5;
	v5 =	vmul.f32 v11, v6  }
0x171: {  	v1 =	vld [tilespmem:s29+$0x0];
	[tilespmem:$0x1FEB0] =	vst v0;
	v0 =	vmul.f32 v4, v7  }
0x172: {  	v2 =	vmul.f32 v55, v12;
	v55 =	vmul.f32 v39, v14;
	v39 =	vld [tilespmem:s29+$0xFFFFFE00];
	[tilespmem:$0x1FE90] =	vst v5  }
0x173: {  	v5 =	vmul.f32 v23, v8;
	v23 =	vld [tilespmem:s29+$0x40];
	[tilespmem:$0x1FE00] =	vst v0;
	v0 =	vmul.f32 v19, v7  }
0x174: {  	[tilespmem:$0x1FE70] =	vst v10;
	v10 =	vmul.f32 v45, v14;
	v19 =	vld [tilespmem:s29+$0x20]  }
0x175: {  	v60 =	vmul.f32 v27, v8;
	[tilespmem:$0x1FEC0] =	vst v0;
	v0 =	vmul.f32 v20, v8;
	v20 =	vld [tilespmem:s29+$0x30]  }
0x176: {  	v3 =	vld [tilespmem:s29+$0x10];
	v11 =	vmul.f32 v48, v17;
	[tilespmem:$0x1FF20] =	vst v10;
	v16 =	vmul.f32 v16, v17  }
0x177: {  	v45 =	vld [tilespmem:s29+$0xFFFFFD00];
	v4 =	vmul.f32 v50, v12;
	[tilespmem:$0x1FDB0] =	vst v0;
	v0 =	vmul.f32 v28, v8  }
0x178: {  	v48 =	vld [tilespmem:s29+$0xFFFFFCB0];
	v10 =	vmul.f32 v47, v17;
	v13 =	vmul.f32 v13, v17;
	[tilespmem:$0x1FF40] =	vst v16  }
0x179: {  	v50 =	vld [tilespmem:s29+$0xFFFFFD80];
	v16 =	vmul.f32 v19, v18;
	[tilespmem:$0x1FE20] =	vst v0;
	v0 =	vmul.f32 v30, v8  }
0x17a: {  	v47 =	vld [tilespmem:s29+$0xFFFFFCA0];
	[tilespmem:$0x1FF60] =	vst v13;
	v19 =	vmul.f32 v20, v18;
	v20 =	vmul.f32 v23, v18  }
0x17b: {  	v27 =	vmul.f32 v1, v18;
	v1 =	vld [tilespmem:s29+$0xFFFFFC80];
	[tilespmem:$0x1FE10] =	vst v0;
	v0 =	vmul.f32 v33, v9  }
0x17c: {  	v52 =	vmul.f32 v57, v12;
	v13 =	vld [tilespmem:s29+$0xFFFFFD10];
	[tilespmem:$0x1FFB0] =	vst v20  }
0x17d: {  	v20 =	vmul.f32 v24, v18;
	[tilespmem:$0x1FED0] =	vst v0;
	v0 =	vmul.f32 v34, v9;
	v34 =	vld [tilespmem:s29+$0xFFFFFF00]  }
0x17e: {  	v57 =	vmul.f32 v43, v14;
	v43 =	vmul.f32 v50, v29;
	v50 =	vld [tilespmem:$0x1FD60]  }
0x17f: {  	[tilespmem:$0x1FFC0] =	vst v20;
	v20 =	vld [tilespmem:s29+$0xFFFFFC00]  }
0x180: {  	v28 =	vmul.f32 v3, v18;
	v3 =	vld [tilespmem:s29+$0xFFFFFC90]  }
0x181: {  	v30 =	vld [tilespmem:s29+$0xFFFFFF80]  }
0x182: {  	v24 =	vmul.f32 v34, v22;
	v34 =	vmul.f32 v36, v22;
	v36 =	vld [tilespmem:s29+$0xFFFFFC20]  }
0x183: {  	v23 =	vld [tilespmem:s29+$0xFFFFFC10];
	[tilespmem:$0x1FE30] =	vst v0;
	v0 =	vmul.f32 v40, v9  }
0x184: {  	v33 =	vld [tilespmem:s29+$0xFFFFFF90];
	v20 =	vmul.f32 v35, v20  }
0x185: {  	v40 =	vld [tilespmem:s29+$0xFFFFFE90];
	[tilespmem:$0x1FEF0] =	vst v0;
	v0 =	vmul.f32 v41, v9  }
0x186: {  	v45 =	vmul.f32 v45, v31;
	v1 =	vmul.f32 v1, v32;
	v20 =	vadd.f32 v20, v50;
	v50 =	vld [tilespmem:$0x1FD70]  }
0x187: {  	v41 =	vld [tilespmem:s29+$0xFFFFFD30];
	[tilespmem:$0x1FF00] =	vst v0;
	v0 =	vmul.f32 v56, v12;
	v36 =	vmul.f32 v35, v36  }
0x188: {  	v56 =	vmul.f32 v42, v14;
	v42 =	vmul.f32 v49, v26;
	v49 =	vld [tilespmem:s29+$0xFFFFFDA0];
	v1 =	vadd.f32 v1, v20  }
0x189: {  	v23 =	vmul.f32 v35, v23;
	v36 =	vadd.f32 v36, v51;
	v51 =	vld [tilespmem:$0x1FD90]  }
0x18a: {  	[tilespmem:$0x1FF10] =	vst v0;
	v0 =	vmul.f32 v38, v14;
	v38 =	vld [tilespmem:s29+$0xFFFFFD20];
	v1 =	vadd.f32 v45, v1  }
0x18b: {  	v3 =	vmul.f32 v3, v32;
	v45 =	vld [tilespmem:s29+$0xFFFFFEB0];
	v23 =	vadd.f32 v23, v50  }
0x18c: {  	v46 =	vmul.f32 v35, v46;
	v39 =	vmul.f32 v39, v26;
	v50 =	vld [tilespmem:s29+$0xFFFFFDB0];
	v1 =	vadd.f32 v43, v1  }
0x18d: {  	v48 =	vmul.f32 v48, v32;
	v3 =	vadd.f32 v3, v23;
	v23 =	vld [tilespmem:s29+$0xFFFFFE30]  }
0x18e: {  	v13 =	vmul.f32 v13, v31;
	v1 =	vadd.f32 v39, v1;
	v39 =	vld [tilespmem:s29+$0xFFFFFFB0];
	v46 =	vadd.f32 v46, v51  }
0x18f: {  	v37 =	vmul.f32 v37, v25;
	v47 =	vmul.f32 v47, v32;
	v51 =	vld [tilespmem:s29+$0xFFFFFE20]  }
0x190: {  	v20 =	vmul.f32 v38, v31;
	v3 =	vadd.f32 v13, v3;
	v38 =	vadd.f32 v48, v46;
	v48 =	vld [tilespmem:$0x1FDA0]  }
0x191: {  	v1 =	vadd.f32 v37, v1;
	v46 =	vld [tilespmem:s29+$0xFFFFFEA0]  }
0x192: {  	v41 =	vmul.f32 v41, v31;
	v36 =	vadd.f32 v47, v36;
	v3 =	vadd.f32 v44, v3;
	v44 =	vld [tilespmem:s29+$0xFFFFFF30]  }
0x193: {  	v1 =	vadd.f32 v24, v1;
	v24 =	vld [tilespmem:s29+$0xFFFFFED0]  }
0x194: {  	v20 =	vadd.f32 v20, v36;
	v36 =	vadd.f32 v41, v38;
	v41 =	vld [tilespmem:s29+$0xFFFFFF20]  }
0x195: {  	v13 =	vmul.f32 v49, v29;
	v38 =	vmul.f32 v50, v29;
	v3 =	vadd.f32 v42, v3;
	v42 =	vld [tilespmem:s29+$0xFFFFFFC0]  }
0x196: {  	v40 =	vmul.f32 v40, v25;
	v43 =	vmul.f32 v51, v26;
	v51 =	vld [tilespmem:$0x1FDB0]  }
0x197: {  	v13 =	vadd.f32 v13, v20;
	v20 =	vadd.f32 v38, v36;
	v36 =	vld [tilespmem:s29+$0xFFFFFFA0]  }
0x198: {  	v23 =	vmul.f32 v23, v26;
	v3 =	vadd.f32 v40, v3;
	v40 =	vld [tilespmem:s29+$0xFFFFFFD0]  }
0x199: {  	v49 =	vmov v53;
	v53 =	vmul.f32 v46, v25;
	v46 =	vld [tilespmem:$0x1FDC0]  }
0x19a: {  	v13 =	vadd.f32 v43, v13;
	v43 =	vld [tilespmem:s29+$0xFFFFFF40];
	v20 =	vadd.f32 v23, v20;
	v23 =	vmul.f32 v45, v25  }
0x19b: {  	v45 =	vld [tilespmem:$0x1FDD0]  }
0x19c: {  	v13 =	vadd.f32 v53, v13;
	v53 =	vmul.f32 v44, v22;
	v44 =	vld [tilespmem:$0x1FDE0];
	v38 =	vadd.f32 v23, v20  }
0x19d: {  	v33 =	vmul.f32 v33, v21;
	v3 =	vadd.f32 v34, v3;
	v20 =	vld [tilespmem:s29+$0xFFFFFF50]  }
0x19e: {  	v30 =	vmul.f32 v30, v21;
	v37 =	vmul.f32 v41, v22;
	v23 =	vld [tilespmem:s29+$0xFFFFFEC0];
	v47 =	vadd.f32 v53, v38  }
0x19f: {  	v53 =	vmul.f32 v39, v21;
	v39 =	vadd.f32 v33, v3;
	v3 =	vmul.f32 v42, v21;
	v42 =	vld [tilespmem:$0x1FDF0]  }
0x1a0: {  	p1 =	sne.s32 s30, $0x1C0;
	v34 =	vmul.f32 v36, v21;
	v13 =	vadd.f32 v37, v13;
	v33 =	vld [tilespmem:s29+$0xFFFFFE40]  }
.Ltmp6:
0x1a1: {  	v38 =	vadd.f32 v30, v1;
	v30 =	vld [tilespmem:s29+$0xFFFFFE50];
	(pc) =	sbr.rel @p1 .LBB2_12-.Ltmp6, $4  }
0x1a2: {  	v34 =	vadd.f32 v34, v13;
	v13 =	vmul.f32 v43, v22;
	v43 =	vld [tilespmem:$0x1FE00]  }
0x1a3: {  	v36 =	vadd.f32 v53, v47;
	v53 =	vld [tilespmem:$0x1FE10]  }
0x1a4: {  	v15 =	vmul.f32 v15, v17;
	v50 =	vmov v52;
	v47 =	vld [tilespmem:$0x1FE20]  }
0x1a5: {  	s30 =	sadd.s32 $0x40, s30;
	v52 =	vmovc v5;
	v1 =	vmul.f32 v40, v21;
	v27 =	vadd.f32 v27, v38;
	v38 =	vld [tilespmem:$0x1FE30];
	v28 =	vadd.f32 v28, v39  }
0x1a6: {  	v37 =	vld [tilespmem:$0x1FEA0]  }
0x1a7: {  	v40 =	vld [tilespmem:s29+$0xFFFFFCF0]  }
0x1a8: {  	v16 =	vadd.f32 v16, v34;
	v41 =	vld [tilespmem:s29+$0xFFFFFD50]  }
0x1a9: {  	v19 =	vadd.f32 v19, v36;
	v27 =	vadd.f32 v58, v27;
	v58 =	vld [tilespmem:s29+$0xFFFFFC40]  }
0x1aa: {  	v11 =	vadd.f32 v11, v16;
	v16 =	vld [tilespmem:s29+$0xFFFFFDC0]  }
0x1ab: {  	v10 =	vadd.f32 v10, v28;
	v15 =	vadd.f32 v15, v19;
	v19 =	vld [tilespmem:s29+$0xFFFFFDD0]  }
0x1ac: {  	v0 =	vadd.f32 v0, v27;
	v27 =	vld [tilespmem:s29+$0xFFFFFD40]  }
0x1ad: {  	v10 =	vadd.f32 v55, v10;
	v55 =	vld [tilespmem:s29+$0xFFFFFD60]  }
0x1ae: {  	v11 =	vadd.f32 v56, v11;
	v15 =	vadd.f32 v57, v15;
	v57 =	vld [tilespmem:$0x1FED0]  }
0x1af: {  	v56 =	vld [tilespmem:$0x1FEE0]  }
0x1b0: {  	v5 =	vadd.f32 v4, v10;
	v4 =	vadd.f32 v2, v11;
	v2 =	vld [tilespmem:$0x1FF10]  }
0x1b1: {  	v10 =	vld [tilespmem:s29+$0xFFFFFCC0]  }
0x1b2: {  	v0 =	vadd.f32 v63, v0;
	v63 =	vld [tilespmem:s29+$0xFFFFFC70];
	v4 =	vadd.f32 v61, v4  }
0x1b3: {  	v11 =	vmul.f32 v35, v58;
	v58 =	vld [tilespmem:s29+$0xFFFFFD70];
	v5 =	vadd.f32 v38, v5  }
0x1b4: {  	v0 =	vadd.f32 v57, v0;
	v57 =	vld [tilespmem:$0x1FFD0];
	v4 =	vadd.f32 v54, v4  }
0x1b5: {  	v11 =	vadd.f32 v11, v56;
	v56 =	vld [tilespmem:s29+$0xFFFFFFE0];
	v2 =	vadd.f32 v2, v15  }
0x1b6: {  	v5 =	vadd.f32 v52, v5;
	v52 =	vadd.f32 v42, v4;
	v4 =	vld [tilespmem:$0x1FEB0]  }
0x1b7: {  	v54 =	vld [tilespmem:s29+$0xFFFFFCE0];
	v2 =	vadd.f32 v62, v2  }
0x1b8: {  	v34 =	vmul.f32 v63, v35;
	v63 =	vmul.f32 v41, v31;
	v41 =	vld [tilespmem:s29+$0xFFFFFE70]  }
0x1b9: {  	v15 =	vld [tilespmem:s29+$0xFFFFFC50];
	v2 =	vadd.f32 v60, v2  }
0x1ba: {  	v62 =	vld [tilespmem:s29+$0xFFFFFC60]  }
0x1bb: {  	v39 =	vadd.f32 v4, v2;
	v2 =	vld [tilespmem:$0x1FE50]  }
0x1bc: {  	v61 =	vmul.f32 v40, v32;
	v0 =	vadd.f32 v51, v0;
	v51 =	vld [tilespmem:s29+$0xFFFFFCD0]  }
0x1bd: {  	v10 =	vmul.f32 v10, v32;
	v40 =	vmul.f32 v58, v31;
	v58 =	vld [tilespmem:s29+$0x60]  }
0x1be: {  	v34 =	vadd.f32 v34, v46;
	v46 =	vmul.f32 v33, v26;
	v33 =	vld [tilespmem:$0x1FFB0];
	v0 =	vadd.f32 v44, v0  }
0x1bf: {  	v23 =	vmul.f32 v23, v25;
	v27 =	vmul.f32 v27, v31;
	v44 =	vld [tilespmem:s29+$0xFFFFFEE0]  }
0x1c0: {  	v10 =	vadd.f32 v10, v11;
	v28 =	vmul.f32 v35, v62;
	v2 =	vadd.f32 v2, v0;
	v0 =	vld [tilespmem:$0x1FE60]  }
0x1c1: {  	v16 =	vmul.f32 v16, v29;
	v5 =	vadd.f32 v37, v5;
	v15 =	vmul.f32 v35, v15;
	v62 =	vld [tilespmem:s29+$0xFFFFFDF0]  }
0x1c2: {  	v10 =	vadd.f32 v27, v10;
	v60 =	vld [tilespmem:s29+$0xFFFFFDE0];
	v38 =	vmul.f32 v54, v32;
	v28 =	vadd.f32 v28, v48  }
0x1c3: {  	v36 =	vmul.f32 v51, v32;
	v32 =	vadd.f32 v61, v34;
	v15 =	vadd.f32 v15, v57;
	v48 =	vld [tilespmem:s29+$0xFFFFFEF0]  }
0x1c4: {  	v19 =	vmul.f32 v19, v29;
	v10 =	vadd.f32 v16, v10;
	v28 =	vadd.f32 v38, v28;
	v38 =	vld [tilespmem:s29+$0xFFFFFE60]  }
0x1c5: {  	v35 =	vmul.f32 v55, v31;
	v15 =	vadd.f32 v36, v15;
	v4 =	vadd.f32 v0, v5;
	v0 =	vld [tilespmem:$0x1FE70]  }
0x1c6: {  	v27 =	vld [tilespmem:s29+$0xF0];
	v31 =	vadd.f32 v40, v32;
	v10 =	vadd.f32 v46, v10;
	v11 =	vmul.f32 v62, v29  }
0x1c7: {  	v55 =	vld [tilespmem:s29+$0xFFFFFF70];
	v42 =	vmul.f32 v60, v29;
	v15 =	vadd.f32 v63, v15;
	v28 =	vadd.f32 v35, v28  }
0x1c8: {  	v54 =	vmul.f32 v41, v26;
	v51 =	vld [tilespmem:s29+$0xFFFFFF60];
	v10 =	vadd.f32 v23, v10;
	v11 =	vadd.f32 v11, v31  }
0x1c9: {  	v57 =	vld [tilespmem:s29+$0xFFFFFFF0];
	v15 =	vadd.f32 v19, v15;
	v19 =	vmul.f32 v48, v25;
	v28 =	vadd.f32 v42, v28  }
0x1ca: {  	v34 =	vld [tilespmem:s29+$0x1E0];
	v11 =	vadd.f32 v54, v11;
	v5 =	vadd.f32 v0, v52;
	v52 =	vmul.f32 v38, v26  }
0x1cb: {  	v30 =	vmul.f32 v30, v26;
	v10 =	vadd.f32 v13, v10;
	v29 =	vmul.f32 v44, v25;
	v62 =	vld [tilespmem:s29+$0x70]  }
0x1cc: {  	v13 =	vld [tilespmem:s29+$0xE0];
	v16 =	vmul.f32 v55, v22;
	v11 =	vadd.f32 v19, v11;
	v28 =	vadd.f32 v52, v28  }
0x1cd: {  	v24 =	vmul.f32 v24, v25;
	v20 =	vmul.f32 v20, v22;
	v44 =	vld [tilespmem:s29+$0x370];
	v15 =	vadd.f32 v30, v15  }
0x1ce: {  	v30 =	vld [tilespmem:s29+$0x160];
	v11 =	vadd.f32 v16, v11;
	v61 =	vadd.f32 v29, v28;
	v29 =	vmul.f32 v57, v21  }
0x1cf: {  	v37 =	vmul.f32 v27, v17;
	v60 =	vmul.f32 v51, v22;
	v31 =	vld [tilespmem:s29+$0x170]  }
0x1d0: {  	v36 =	vld [tilespmem:s29+$0x1F0];
	v3 =	vadd.f32 v3, v10;
	v32 =	vmul.f32 v62, v18;
	v11 =	vadd.f32 v29, v11  }
0x1d1: {  	v63 =	vmul.f32 v56, v21;
	v35 =	vld [tilespmem:$0x1FFC0];
	v55 =	vshrl.u32 v2, $0x10;
	v15 =	vadd.f32 v24, v15  }
0x1d2: {  	v3 =	vadd.f32 v33, v3;
	v13 =	vmul.f32 v13, v17;
	v38 =	vld [tilespmem:$0x1FF40];
	v11 =	vadd.f32 v32, v11  }
0x1d3: {  	v51 =	vmul.f32 v44, v7;
	v15 =	vadd.f32 v20, v15;
	v10 =	vmul.f32 v30, v14  }
0x1d4: {  	v14 =	vmul.f32 v31, v14;
	v0 =	vld [tilespmem:$0x1FE80];
	v25 =	vadd.f32 v60, v61;
	v11 =	vadd.f32 v37, v11  }
0x1d5: {  	v40 =	vld [tilespmem:$0x1FF60];
	v1 =	vadd.f32 v1, v15;
	v15 =	vmul.f32 v58, v18;
	v18 =	vmul.f32 v34, v12  }
0x1d6: {  	v12 =	vmul.f32 v36, v12;
	v19 =	vadd.f32 v63, v25;
	v11 =	vadd.f32 v14, v11  }
0x1d7: {  	v42 =	vld [tilespmem:$0x1FF20];
	v56 =	vshrl.u32 v4, $0x10;
	v1 =	vadd.f32 v35, v1;
	v3 =	vadd.f32 v38, v3  }
0x1d8: {  	v58 =	vand.u32 $0x1, v56;
	v15 =	vadd.f32 v15, v19;
	v11 =	vadd.f32 v12, v11;
	v12 =	vld [tilespmem:$0x1FEF0]  }
0x1d9: {  	v4 =	vadd.s32 v58, v4;
	v0 =	vadd.f32 v0, v39;
	v39 =	vld [tilespmem:s29+$0x260];
	v3 =	vadd.f32 v49, v3  }
0x1da: {  	v4 =	vadd.s32 $0x7FFF, v4;
	v1 =	vadd.f32 v40, v1;
	v13 =	vadd.f32 v13, v15;
	v15 =	vld [tilespmem:s29+$0x270]  }
0x1db: {  	v41 =	vld [tilespmem:s29+$0x2E0];
	v4 =	vand.u32 $0xFFFF0000, v4;
	v57 =	vand.u32 $0x1, v55;
	v3 =	vadd.f32 v50, v3  }
0x1dc: {  	v2 =	vadd.s32 v57, v2;
	v1 =	vadd.f32 v42, v1;
	v10 =	vadd.f32 v10, v13;
	v13 =	vld [tilespmem:s29+$0x2F0]  }
0x1dd: {  	v2 =	vadd.s32 $0x7FFF, v2;
	v60 =	vshrl.u32 v0, $0x10;
	v3 =	vadd.f32 v12, v3;
	v12 =	vld [tilespmem:$0x1FF00]  }
0x1de: {  	v2 =	vand.u32 $0xFFFF0000, v2;
	v1 =	vadd.f32 v59, v1;
	v59 =	vshrl.u32 v5, $0x10  }
0x1df: {  	v17 =	vmul.f32 v39, v9;
	v14 =	vld [tilespmem:s29+$0x360];
	v10 =	vadd.f32 v18, v10;
	v46 =	vmul.f32 v15, v9  }
0x1e0: {  	v49 =	vld [tilespmem:s29+$0x3F0];
	v62 =	vand.u32 $0x1, v60;
	v15 =	vmul.f32 v41, v8;
	v3 =	vadd.f32 v47, v3  }
0x1e1: {  	v10 =	vadd.f32 v17, v10;
	v9 =	vadd.f32 v46, v11;
	v48 =	vmul.f32 v13, v8;
	v13 =	vld [tilespmem:$0x1FEC0]  }
0x1e2: {  	v0 =	vadd.s32 v62, v0;
	v3 =	vadd.f32 v43, v3;
	v1 =	vadd.f32 v12, v1;
	v12 =	vld [tilespmem:s29+$0x3E0]  }
0x1e3: {  	v54 =	vld [tilespmem:$0x1FE90];
	v0 =	vadd.s32 $0x7FFF, v0;
	v10 =	vadd.f32 v15, v10;
	v8 =	vadd.f32 v48, v9  }
0x1e4: {  	v50 =	vmul.f32 v14, v7;
	v3 =	vadd.f32 v45, v3;
	v1 =	vadd.f32 v53, v1  }
0x1e5: {  	v0 =	vand.u32 $0xFFFF0000, v0;
	v7 =	vadd.f32 v51, v8;
	v53 =	vmul.f32 v49, v6  }
0x1e6: {  	v9 =	vadd.f32 v50, v10;
	v61 =	vshrl.u32 v3, $0x10;
	v1 =	vadd.f32 v13, v1  }
0x1e7: {  	v63 =	vand.u32 $0x1, v61;
	v52 =	vmul.f32 v12, v6;
	v6 =	vadd.f32 v53, v7  }
0x1e8: {  	v7 =	vand.u32 $0x1, v59;
	v3 =	vadd.s32 v63, v3;
	v1 =	vadd.f32 v54, v1  }
0x1e9: {  	[tilespmem:$0x5080] =	vst v2;
	v5 =	vadd.s32 v7, v5;
	v2 =	vadd.s32 $0x7FFF, v3;
	v8 =	vadd.f32 v52, v9  }
0x1ea: {  	v5 =	vadd.s32 $0x7FFF, v5;
	v2 =	vand.u32 $0xFFFF0000, v2;
	v3 =	vshrl.u32 v1, $0x10  }
0x1eb: {  	[tilespmem:$0x5090] =	vst v4;
	v5 =	vand.u32 $0xFFFF0000, v5;
	v3 =	vand.u32 $0x1, v3;
	v4 =	vshrl.u32 v8, $0x10  }
0x1ec: {  	[tilespmem:$0x50B0] =	vst v0;
	v1 =	vadd.s32 v3, v1;
	v3 =	vand.u32 $0x1, v4;
	v4 =	vshrl.u32 v6, $0x10  }
0x1ed: {  	[tilespmem:$0x50C0] =	vst v2;
	v0 =	vadd.s32 $0x7FFF, v1;
	v1 =	vadd.s32 v3, v8;
	v3 =	vand.u32 $0x1, v4  }
0x1ee: {  	[tilespmem:$0x50A0] =	vst v5;
	v0 =	vand.u32 $0xFFFF0000, v0;
	v1 =	vadd.s32 $0x7FFF, v1;
	v2 =	vadd.s32 v3, v6  }
0x1ef: {  	[tilespmem:$0x50D0] =	vst v0;
	v0 =	vand.u32 $0xFFFF0000, v1;
	v1 =	vadd.s32 $0x7FFF, v2  }
0x1f0: {  	[tilespmem:$0x50E0] =	vst v0;
	v0 =	vand.u32 $0xFFFF0000, v1  }
0x1f1: {  	s29 =	simm.s32 $0x10;
	[tilespmem:$0x50F0] =	vst v0  }
0x1f2: {  	v0 =	vld [tilespmem:s29+$0xFFFFFFF0];
	_ =	sdelay $0x3  }
0x1f3: {  	v1 =	vld [tilespmem:s29+$0x0];
	_ =	sdelay $0x3  }
0x1f4: {  	v0 =	vld.idx.msk [tilespmem:v0+s20+$0x0], $0xffff;
	_ =	sdelay $0x1  }
0x1f5: {  	s0 =	simm.s32 $0x30  }
0x1f6: {  	v3 =	vld [tilespmem:s0+$0xFFFFFFF0]  }
0x1f7: {  	v2 =	vld.idx.msk [tilespmem:v1+s20+$0x0], $0xffff;
	v1 =	vimm.f32 $-Inf  }
0x1f8: {  	vm1 =	vgt.f32 v0, v1  }
0x1f9: {  	v0 =	vsel vm1, v0, v1;
	v1 =	vld [tilespmem:s0+$0x0];
	_ =	sdelay $0x2  }
0x1fa: {  	s30 =	simm.s32 $0x0;
	v14 =	vlaneseq.u32  }
0x1fb: {  	v5 =	vor.u32 s30, v14;
	v4 =	vimm.s32 $0x0  }
0x1fc: {  	v4 =	vsel vm1, v5, v4;
	v5 =	vor.u32 s29, v14;
	vm1 =	vgt.f32 v2, v0  }
0x1fd: {  	s30 =	simm.s32 $0x50;
	v3 =	vld.idx.msk [tilespmem:v3+s20+$0x0], $0xffff;
	s0 =	simm.s32 $0x2;
	v2 =	vsel vm1, v2, v0;
	v0 =	vsel vm1, v5, v4  }
.LBB2_14:
0x1fe: {  	v4 =	vld [tilespmem:s30+$0xFFFFFFF0];
	s0 =	sadd.s32 $0x2, s0  }
0x1ff: {  	p1 =	slt.u32 s0, $0x7E;
	v5 =	vld.idx.msk [tilespmem:v1+s20+$0x0], $0xffff  }
0x200: {  	v1 =	vld [tilespmem:s30+$0x0]  }
0x201: {  	s29 =	sadd.s32 $0x20, s29  }
.Ltmp7:
0x202: {  	s31 =	sadd.s32 $0xFFFFFFF0, s29;
	(pc) =	sbr.rel @p1 .LBB2_14-.Ltmp7, $4  }
0x203: {  	v6 =	vor.u32 s31, v14;
	vm1 =	vgt.f32 v3, v2  }
0x204: {  	v2 =	vsel vm1, v3, v2;
	v0 =	vsel vm1, v6, v0  }
0x205: {  	v6 =	vor.u32 s29, v14;
	vm1 =	vgt.f32 v5, v2  }
0x206: {  	s30 =	sadd.s32 $0x20, s30;
	v2 =	vsel vm1, v5, v2;
	v0 =	vsel vm1, v6, v0;
	v3 =	vld.idx.msk [tilespmem:v4+s20+$0x0], $0xffff  }
0x207: {  	_ =	sdelay $0x3  }
0x208: {  	v1 =	vld.idx.msk [tilespmem:v1+s20+$0x0], $0xffff;
	_ =	sdelay $0x2  }
0x209: {  	vm1 =	vgt.f32 v3, v2  }
0x20a: {  	v2 =	vsel vm1, v3, v2  }
0x20b: {  	vm2 =	vgt.f32 v1, v2  }
0x20c: {  	v1 =	vsel vm2, v1, v2;
	v2 =	vld [tilespmem:$0x1FFE0];
	_ =	sdelay $0x4  }
0x20d: {  	(xrf0) =	vadd.scan.msk.s32 $0xffff, v2  }
0x20e: {  	(xrf0) =	vmax.scan.msk.f32 $0xffff, v1;
	_ =	sdelay $0x3  }
0x20f: {  	s0 =	sadd.s32 $0x20, s29  }
0x210: {  	s29 =	sadd.s32 $0xFFFFFFF0, s0;
	v2, _, _ =	vpop (xrf0)  }
0x211: {  	v3 =	vor.u32 s29, v14;
	v4, _, _ =	vpop (xrf0)  }
0x212: {  	v0 =	vsel vm1, v3, v0;
	v3 =	vor.u32 s0, v14;
	v4 =	vbroadcast v4, $0xF  }
0x213: {  	v0 =	vsel vm2, v3, v0  }
0x214: {  	v0 =	vxor.u32 $0x80000000, v0;
	vm1 =	veq.f32 v1, v4  }
0x215: {  	v0 =	vnsel vm1, $0xC0000000, v0  }
0x216: {  	(xrf0) =	vmin.scan.msk.u32 $0xffff, v0;
	_ =	sdelay $0x5  }
0x217: {  	(v2sf) =	vpush v2, $0xF;
	v0, _, _ =	vpop (xrf0)  }
0x218: {  	(v2sf) =	vpush v0, $0xF;
	_ =	sdelay $0xd  }
0x219: {  	s31 =	sxor.u32 $0xFFFFFFFF, s23;
	s0 =	spop (v2sf)  }
0x21a: {  	s26 =	sadd.s32 s31, s26;
	s30 =	spop (v2sf)  }
0x21b: {  	s29 =	sxor.u32 $0x80000000, s30;
	s30 =	ssub.s32 s28, s26  }
0x21c: {  	p1 =	sgt.s32 s30, $0x0;
	p2 =	sgt.s32 s29, $0x0  }
0x21d: {  	s30 =	simm.s32 @!p1 $0x0;
	s29 =	simm.s32 @!p2 $0x0  }
0x21e: {  	s29 =	smin.u32 s30, s29  }
0x21f: {  	p1 =	slt.s32 s28, s23;
	s30 =	ssub.s32 s23, s29  }
0x220: {  	s23 =	smov.u32 @p1 s28;
	s28 =	sadd.s32 $0x0, s8;
	s31 =	sadd.s32 $0x1, s30  }
0x221: {  	v7 =	vor.u32 s28, v14;
	v1 =	vmov s31  }
0x222: {  	v2 =	vadd.s32 v7, v1  }
0x223: {  	vm2 =	vgt.s32 v2, $0x0  }
0x224: {  	s23 =	ssub.s32 s23, s26;
	v2 =	vnsel vm2, $0x0, v2  }
0x225: {  	v0 =	vmov s23;
	v2 =	vmin.u32 v2, $0x7FF  }
0x226: {  	v8 =	vadd.s32 v0, v7  }
0x227: {  	vm1 =	vgt.s32 v8, $0x0  }
0x228: {  	v3 =	vnsel vm1, $0x0, v8  }
0x229: {  	v3 =	vmin.u32 v3, $0x7FF  }
0x22a: {  	v10 =	vld.idx.msk [tilespmem:v2+s15+$0x0], $0xffff  }
0x22b: {  	v2 =	vld [tilespmem:$0x1FFF0];
	_ =	sdelay $0x2  }
0x22c: {  	p4 =	sgt.f32 s25, $0.0e+00;
	s25 =	sand.u32 $0x780, s28;
	s28 =	sadd.s32 $0x10, s28;
	v9 =	vld.idx.msk [tilespmem:v3+s4+$0x0], $0xffff  }
0x22d: {  	p5 =	sgt.f32 s24, $0.0e+00;
	s24 =	simm.s32 $0x0;
	v5 =	vor.u32 s28, v14  }
0x22e: {  	s30 =	sadd.s32 s26, s29;
	s23 =	sand.u32 $0x60, s24;
	v6 =	vadd.s32 v0, v5;
	v2 =	vbroadcast v2, $0xF  }
0x22f: {  	v4 =	vmov s30;
	s23 =	sor.u32 s23, s25;
	vm1 =	vgt.s32 v6, $0x0;
	v3 =	vmov s29  }
0x230: {  	p1 =	por !p5, !p4;
	v11 =	vld [tilespmem:s23+$0x0];
	vm2 =	vlt.s32 v8, v2;
	v8 =	vnsel vm1, $0x0, v6;
	vm1 =	vlt.s32 v7, v4  }
0x231: {  	p6 =	seq.s32 s0, $0x1;
	p1 =	por !p1, !p1;
	v9 =	vnsel vm2, $0x0, v9;
	v12 =	vmin.u32 v8, $0x7FF;
	v8 =	vadd.s32 v5, v1  }
0x232: {  	p1 =	por !p1, !p6;
	vm2 =	vlt.u32 v7, v3;
	v7 =	vsel vm1, v10, v9;
	vm1 =	vgt.s32 v8, $0x0  }
0x233: {  	p1 =	por !p1, !p1;
	v8 =	vnsel vm1, $0x0, v8  }
0x234: {  	p0 =	por !p0, !p1;
	v8 =	vmin.u32 v8, $0x7FF  }
0x235: {  	p0 =	por !p0, !p0;
	v7 =	vsel vm2, v11, v7  }
0x236: {  	s23 =	simm.s32 $0x5110;
	v7 =	vpsel p0, v7, v11  }
0x237: {  	s24 =	simm.s32 $0x0;
	s31 =	simm.s32 $0x10;
	[tilespmem:s23+$0xFFFFFFF0] =	vst v7  }
0x238: {  	s0 =	sand.u32 $0x780, s28;
	s26 =	sand.u32 $0x70, s31;
	s25 =	simm.s32 $0x20;
	v7 =	vld.idx.msk [tilespmem:v12+s4+$0x0], $0xffff  }
.LBB2_16:
0x239: {  	s28 =	sadd.s32 s25, s8;
	s24 =	sadd.s32 $0x2, s24;
	s0 =	sor.u32 s26, s0;
	v8 =	vld.idx.msk [tilespmem:v8+s15+$0x0], $0xffff  }
0x23a: {  	v9 =	vor.u32 s28, v14;
	p1 =	slt.u32 s24, $0x3E;
	v10 =	vld [tilespmem:s0+$0x0]  }
0x23b: {  	v11 =	vadd.s32 v0, v9  }
0x23c: {  	vm2 =	vlt.s32 v5, v4;
	v12 =	vadd.s32 v9, v1;
	vm1 =	vgt.s32 v11, $0x0  }
0x23d: {  	vm3 =	vgt.s32 v12, $0x0;
	v13 =	vnsel vm1, $0x0, v11;
	vm1 =	vlt.s32 v6, v2  }
0x23e: {  	v6 =	vnsel vm3, $0x0, v12;
	v12 =	vmin.u32 v13, $0x7FF;
	v7 =	vnsel vm1, $0x0, v7  }
0x23f: {  	v6 =	vmin.u32 v6, $0x7FF;
	vm1 =	vlt.u32 v5, v3;
	v5 =	vsel vm2, v8, v7  }
0x240: {  	v5 =	vsel vm1, v10, v5  }
0x241: {  	v5 =	vpsel p0, v5, v10  }
0x242: {  	[tilespmem:s23+$0x0] =	vst v5  }
0x243: {  	s26 =	sand.u32 $0x60, s25;
	s0 =	sand.u32 $0x780, s28;
	v7 =	vld.idx.msk [tilespmem:v12+s4+$0x0], $0xffff  }
0x244: {  	s0 =	sor.u32 s26, s0;
	s26 =	sadd.s32 $0x10, s28;
	v8 =	vld.idx.msk [tilespmem:v6+s15+$0x0], $0xffff  }
0x245: {  	v5 =	vor.u32 s26, v14;
	v10 =	vld [tilespmem:s0+$0x0]  }
0x246: {  	v6 =	vadd.s32 v0, v5  }
0x247: {  	vm1 =	vlt.s32 v9, v4;
	v12 =	vadd.s32 v5, v1;
	vm2 =	vgt.s32 v6, $0x0  }
0x248: {  	vm3 =	vlt.s32 v11, v2;
	vm4 =	vgt.s32 v12, $0x0;
	v11 =	vnsel vm2, $0x0, v6  }
0x249: {  	v12 =	vnsel vm4, $0x0, v12;
	v11 =	vmin.u32 v11, $0x7FF;
	v7 =	vnsel vm3, $0x0, v7  }
.Ltmp8:
0x24a: {  	vm2 =	vlt.u32 v9, v3;
	v7 =	vsel vm1, v8, v7;
	v8 =	vmin.u32 v12, $0x7FF;
	(pc) =	sbr.rel @p1 .LBB2_16-.Ltmp8, $4  }
0x24b: {  	v7 =	vsel vm2, v10, v7  }
0x24c: {  	s23 =	sadd.s32 $0x20, s23;
	v7 =	vpsel p0, v7, v10  }
0x24d: {  	s28 =	sadd.s32 $0x10, s25;
	[tilespmem:s23+$0xFFFFFFF0] =	vst v7  }
0x24e: {  	s25 =	sadd.s32 $0x20, s25;
	s0 =	sand.u32 $0x780, s26;
	s26 =	sand.u32 $0x70, s28;
	v7 =	vld.idx.msk [tilespmem:v11+s4+$0x0], $0xffff  }
0x24f: {  	_ =	sdelay $0x3  }
0x250: {  	s0 =	sor.u32 s26, s0;
	v0 =	vld.idx.msk [tilespmem:v8+s15+$0x0], $0xffff  }
0x251: {  	v1 =	vld [tilespmem:s0+$0x0];
	_ =	sdelay $0x1  }
0x252: {  	vm1 =	vlt.s32 v6, v2  }
0x253: {  	vm2 =	vlt.s32 v5, v4;
	v2 =	vnsel vm1, $0x0, v7  }
0x254: {  	vm1 =	vlt.u32 v5, v3;
	v0 =	vsel vm2, v0, v2  }
0x255: {  	v0 =	vsel vm1, v1, v0  }
0x256: {  	s22 =	sadd.s32 $0x1, s22;
	v0 =	vpsel p0, v0, v1  }
0x257: {  	p0 =	sne.s32 s22, s10;
	[tilespmem:s23+$0x0] =	vst v0  }
0x258: {  	[hbm4b:s9+s12] =	stream.strided.scatter [tilespmem:s21], [sflag:$0x2], $0x400, s13, s12, $0x38;
	[tilespmem:$0x5690] =	vst v63  }
.Ltmp9:
0x259: {  	_ = 	snop;
	(pc) =	sbr.rel @p0 .LBB2_1-.Ltmp9, $4  }
.Ltmp10:
0x25a: {  	_ = 	snop;
	(pc) =	sbr.rel @!p0 .LBB2_18-.Ltmp10, $4  }
0x25b: {  	_ =	swait.ge [sflag:s14], $0x400  }
0x25c: {  	[sflag:s14] =	ssyncset.done $0x0  }
0x25d: {  	v11 =	vimm.s32 $0x0;
	[sflag:s14] =	ssyncadd.s32 $0xFFFFFC00  }
0x25e: {  	_ = 	snop  }
.LBB2_6:
.Ltmp11:
0x25f: {  	(pc) =	sbr.rel .LBB2_10-.Ltmp11, $2  }
0x260: {  	_ =	sdelay $0x2  }
0x261: {  	s30 =	simm.s32 $0x0;
	v5 =	vimm.f32 $1.000000000e+00  }
.LBB2_8:
.Ltmp12:
0x262: {  	(pc) =	sbr.rel .LBB2_10-.Ltmp12, $2  }
0x263: {  	_ =	sdelay $0x2  }
0x264: {  	s30 =	simm.s32 $0x0  }
.LBB2_18:
0x265: {  	_ =	sfence.sel $0x180000  }
0x266: {  	[bflag:$0x0] =	sbarrier.arrive $0xFFFF  }
0x267: {  	_ =	strace $0x90000047  }
0x268: {  	[bflag:$0x2] =	sbarrier.arrive $0xFFFF  }
0x269: {  	p0 =	sne.s32 s2, $0x0;
	s0 =	rddreg [dreg:$0x5]  }
0x26a: {  	s0 =	sadd.s32 @!p0 $0x100000, s0  }
0x26b: {  	[sflag:s0] =	ssyncadd.tile.s32 @!p0 $0x1;
	_ =	shalt  }
.Lfunc_end2:
_tile_overlayer_lowered:
.L_overlay_start_2:
0x26c: {  	(tag) =	ssettag $0x2  }
0x26d: {  	s0 =	rddreg [dreg:$0x0];
	s2 =	stileid.u32  }
0x26e: {  	s1 =	rddreg [dreg:$0x1];
	p0 =	sne.s32 s2, $0x0  }
0x26f: {  	s3 =	rddreg [dreg:$0x2];
	[bflag:$0x3] =	sbarrier.arrive $0xFFFF;
	s2 =	simm.s32 @!p0 $0x1C02  }
0x270: {  	[timem:s3], [sflag:s2] =	dma.local @!p0 [hbm:s0], s1  }
0x271: {  	s0 =	simm.s32 @!p0 $0x2  }
0x272: {  	_ =	swait.ge @!p0 [sflag:s0], s1  }
0x273: {  	s1 =	ssub.s32 @!p0 $0x0, s1;
	[sflag:s0] =	ssyncset.done @!p0 $0x0  }
0x274: {  	[sflag:s0] =	ssyncadd.s32 @!p0 s1  }
0x275: {  	[bflag:$0x3] =	sbarrier.arrive $0xFFFF  }
0x276: {  	_ =	shalt  }

</sc_bundles>
